<compile_context>
chip_gen: v7x
topology: tpu7x:2x2x1
jax: 0.10.2.dev20260603
libtpu: 0.0.44.dev20260713+nightly
codegen_flags: <defaults>
</compile_context>

<pallas_src>
import functools

import jax
import jax.numpy as jnp
from jax import lax
from jax.experimental import pallas as pl
from jax.experimental.pallas import tpu as pltpu
from jax.experimental.pallas import tpu_sc as plsc

LAT_BINS = 1800
LON_BINS = 3600
N_EMBD = 384
B = 4096
L = 50

NC, NS, LANES = 2, 16, 16
NW = NC * NS
N = B * L
PER_W = N // NW
B_PER_W = B // NW
LTILE = 56
LPAD = 64
GPB = LPAD // LANES

_mesh = plsc.VectorSubcoreMesh(core_axis_name="c", subcore_axis_name="s")


@functools.partial(
    pl.kernel,
    out_type=jax.ShapeDtypeStruct((B, LTILE, N_EMBD), jnp.float32),
    mesh=_mesh,
    scratch_types=[
        pltpu.VMEM((PER_W + LANES,), jnp.float32),
        pltpu.VMEM((B_PER_W * LPAD,), jnp.int32),
        pltpu.VMEM((B_PER_W * LPAD,), jnp.int32),
        pltpu.VMEM((1, LTILE, N_EMBD), jnp.float32),
        pltpu.VMEM((1, LTILE, N_EMBD), jnp.float32),
        pltpu.VMEM((1, LTILE, N_EMBD), jnp.float32),
        pltpu.VMEM((1, LTILE, N_EMBD), jnp.float32),
        pltpu.SemaphoreType.DMA,
        pltpu.SemaphoreType.DMA,
        pltpu.SemaphoreType.DMA,
        pltpu.SemaphoreType.DMA,
        pltpu.SemaphoreType.DMA,
        pltpu.SemaphoreType.DMA,
    ],
)
def _sc_embed(lat_hbm, lon_hbm, lat_tab, lon_tab, out_hbm,
              coords_v, ilat_v, ilon_v,
              ga0, ga1, gb0, gb1,
              sga0, sga1, sgb0, sgb1, swb0, swb1):
    wid = lax.axis_index("s") * NC + lax.axis_index("c")
    base = wid * PER_W
    bbase = wid * B_PER_W

    ga = (ga0, ga1)
    gb = (gb0, gb1)
    sga = (sga0, sga1)
    sgb = (sgb0, sgb1)
    swb = (swb0, swb1)

    pltpu.sync_copy(lat_hbm.at[pl.ds(base, PER_W)],
                    coords_v.at[pl.ds(0, PER_W)])

    def lat_idx_body(bl, carry):
        for g in range(GPB):
            c = coords_v[pl.ds(bl * L + g * LANES, LANES)]
            i = ((c + 90.0) * (LAT_BINS / 180.0)).astype(jnp.int32)
            ilat_v[pl.ds(bl * LPAD + g * LANES, LANES)] = jnp.minimum(
                jnp.maximum(i, 0), LAT_BINS - 1)
        return carry

    lax.fori_loop(0, B_PER_W, lat_idx_body, 0, unroll=False)

    pltpu.sync_copy(lon_hbm.at[pl.ds(base, PER_W)],
                    coords_v.at[pl.ds(0, PER_W)])

    def lon_idx_body(bl, carry):
        for g in range(GPB):
            c = coords_v[pl.ds(bl * L + g * LANES, LANES)]
            i = ((c + 180.0) * (LON_BINS / 360.0)).astype(jnp.int32)
            ilon_v[pl.ds(bl * LPAD + g * LANES, LANES)] = jnp.minimum(
                jnp.maximum(i, 0), LON_BINS - 1)
        return carry

    lax.fori_loop(0, B_PER_W, lon_idx_body, 0, unroll=False)

    def issue_gathers(ci, b):
        isl = pl.ds(ci * LPAD, LTILE)
        pltpu.async_copy(lat_tab.at[ilat_v.at[isl]], ga[b].at[0], sga[b])
        pltpu.async_copy(lon_tab.at[ilon_v.at[isl]], gb[b].at[0], sgb[b])

    def wait_gathers(b):
        pltpu.make_async_copy(out_hbm.at[0], ga[b].at[0], sga[b]).wait()
        pltpu.make_async_copy(out_hbm.at[0], gb[b].at[0], sgb[b]).wait()

    def issue_wb(ci, b):
        pltpu.async_copy(ga[b], out_hbm.at[pl.ds(bbase + ci, 1)], swb[b])

    def wait_wb(b):
        pltpu.make_async_copy(ga[b], out_hbm.at[pl.ds(0, 1)], swb[b]).wait()

    issue_gathers(0, 0)

    def pair_body(pi, carry):
        for b in (0, 1):
            ci = pi * 2 + b
            nxt = ci + 1
            other = 1 - b

            @pl.when(nxt < B_PER_W)
            def _issue_next():
                @pl.when(nxt >= 2)
                def _drain_wb():
                    wait_wb(other)

                issue_gathers(nxt, other)

            wait_gathers(b)

            def add_row(r, carry2):
                for j in range(N_EMBD // LANES):
                    sl = pl.ds(j * LANES, LANES)
                    plsc.addupdate(ga[b].at[0, r, sl], gb[b][0, r, sl])
                return carry2

            lax.fori_loop(0, L, add_row, 0, unroll=2)

            issue_wb(ci, b)
        return carry

    lax.fori_loop(0, B_PER_W // 2, pair_body, 0, unroll=False)

    wait_wb(0)
    wait_wb(1)


def kernel(lat, lon, lat_table, lon_table):
    lat_flat = lat.reshape(N)
    lon_flat = lon.reshape(N)
    out = _sc_embed(lat_flat, lon_flat, lat_table, lon_table)
    return out[:, :L, :]

# --- scband reference (transcript-rebuilt; emitter-appended) ---
"""Pipeline reference for scband-gpsspatial-embedding-33964601377056 (READ-ONLY COPY).

The authoritative reference and input builder live on the scoring server;
editing this copy changes nothing except your own understanding.
"""

import jax, jax.numpy as jnp
import numpy as np

LAT_BINS = 1800
LON_BINS = 3600
N_EMBD = 384
B = 4096
L = 50


def setup_inputs(seed: int = 0) -> dict:
    key = jax.random.key(seed)
    k1, k2, k3, k4 = jax.random.split(key, 4)
    # lat in [-90, 90), lon in [-180, 180) like real GPS coordinates
    lat = jax.random.uniform(k1, (B, L), minval=-90.0, maxval=90.0, dtype=jnp.float32)
    lon = jax.random.uniform(k2, (B, L), minval=-180.0, maxval=180.0, dtype=jnp.float32)
    # learned embedding tables (nn.Embedding default init ~ N(0,1))
    lat_table = jax.random.normal(k3, (LAT_BINS, N_EMBD), dtype=jnp.float32)
    lon_table = jax.random.normal(k4, (LON_BINS, N_EMBD), dtype=jnp.float32)
    return {"lat": lat, "lon": lon, "lat_table": lat_table, "lon_table": lon_table}


def reference(lat, lon, lat_table, lon_table):
    # discretize_coordinates
    lat_idx = jnp.clip(((lat + 90.0) * (LAT_BINS / 180.0)).astype(jnp.int32), 0, LAT_BINS - 1)
    lon_idx = jnp.clip(((lon + 180.0) * (LON_BINS / 360.0)).astype(jnp.int32), 0, LON_BINS - 1)
    # embedding lookups (gather) + elementwise sum
    lat_embed = jnp.take(lat_table, lat_idx, axis=0)
    lon_embed = jnp.take(lon_table, lon_idx, axis=0)
    spatial_embedding = lat_embed + lon_embed
    return spatial_embedding

if __name__ == "__main__":
    import jax
    _d = setup_inputs()
    print(jax.jit(kernel)(*tuple(_d.values())))

</pallas_src>

<mosaic_0001>
#map = affine_map<(d0, d1) -> (0)>
#map1 = affine_map<(d0, d1) -> (0, 0)>
#map2 = affine_map<(d0, d1) -> (0, 0, 0)>
module attributes {stable_mosaic.version = 14 : i64} {
  func.func @_sc_embed(%arg0: i32, %arg1: i32, %arg2: memref<204800xf32, #tpu.memory_space<hbm>>, %arg3: memref<204800xf32, #tpu.memory_space<hbm>>, %arg4: memref<1800x384xf32, #tpu.memory_space<hbm>>, %arg5: memref<3600x384xf32, #tpu.memory_space<hbm>>, %arg6: memref<4096x56x384xf32, #tpu.memory_space<hbm>>, %arg7: memref<6416xf32, #tpu.memory_space<vmem>>, %arg8: memref<8192xi32, #tpu.memory_space<vmem>>, %arg9: memref<8192xi32, #tpu.memory_space<vmem>>, %arg10: memref<1x56x384xf32, #tpu.memory_space<vmem>>, %arg11: memref<1x56x384xf32, #tpu.memory_space<vmem>>, %arg12: memref<1x56x384xf32, #tpu.memory_space<vmem>>, %arg13: memref<1x56x384xf32, #tpu.memory_space<vmem>>, %arg14: memref<!tpu.dma_semaphore, #tpu.memory_space<semaphore_mem>>, %arg15: memref<!tpu.dma_semaphore, #tpu.memory_space<semaphore_mem>>, %arg16: memref<!tpu.dma_semaphore, #tpu.memory_space<semaphore_mem>>, %arg17: memref<!tpu.dma_semaphore, #tpu.memory_space<semaphore_mem>>, %arg18: memref<!tpu.dma_semaphore, #tpu.memory_space<semaphore_mem>>, %arg19: memref<!tpu.dma_semaphore, #tpu.memory_space<semaphore_mem>>) attributes {dimension_semantics = [#tpu.dimension_semantics<core_parallel>, #tpu.dimension_semantics<subcore_parallel>], iteration_bounds = array<i64: 2, 16>, scalar_prefetch = 0 : i64, scratch_operands = 13 : i64, tpu.core_type = #tpu.core_type<sc_vector_subcore>, window_params = [{transform_indices = #map}, {transform_indices = #map}, {transform_indices = #map1}, {transform_indices = #map1}, {transform_indices = #map2}]} {
    %mul3A = arith.constant 2 : i32
    %mul3A_0 = arith.muli %arg1, %mul3A : i32
    %add3A = arith.addi %mul3A_0, %arg0 : i32
    %mul3A_1 = arith.constant 6400 : i32
    %mul3A_2 = arith.muli %add3A, %mul3A_1 : i32
    %mul3A_3 = arith.constant 128 : i32
    %mul3A_4 = arith.muli %add3A, %mul3A_3 : i32
    "tpu.region"() ({
      %run_scoped3A = tpu.sem_alloc : memref<!tpu.dma_semaphore, #tpu.memory_space<semaphore_mem>>
      %dma_start3A_56 = arith.constant 0 : i32
      %dma_start3A_57 = tpu.memref_slice %arg7[%dma_start3A_56] : memref<6416xf32, #tpu.memory_space<vmem>> -> memref<6400xf32, #tpu.memory_space<vmem>>
      %dma_start3A_58 = tpu.memref_slice %arg2[%mul3A_2] : memref<204800xf32, #tpu.memory_space<hbm>> -> memref<6400xf32, #tpu.memory_space<hbm>>
      %dma_start3A_59 = arith.constant 0 : i32
      %dma_start3A_60 = tpu.memref_slice %arg7[%dma_start3A_59] : memref<6416xf32, #tpu.memory_space<vmem>> -> memref<6400xf32, #tpu.memory_space<vmem>>
      %dma_start3A_61 = tpu.memref_slice %arg2[%mul3A_2] : memref<204800xf32, #tpu.memory_space<hbm>> -> memref<6400xf32, #tpu.memory_space<hbm>>
      tpu.enqueue_dma source(%dma_start3A_61 : memref<6400xf32, #tpu.memory_space<hbm>>) target(%dma_start3A_60 : memref<6400xf32, #tpu.memory_space<vmem>>) target_semaphore(%run_scoped3A : memref<!tpu.dma_semaphore, #tpu.memory_space<semaphore_mem>>)
      %dma_wait3A_62 = arith.constant 0 : i32
      %dma_wait3A_63 = tpu.memref_slice %arg7[%dma_wait3A_62] : memref<6416xf32, #tpu.memory_space<vmem>> -> memref<6400xf32, #tpu.memory_space<vmem>>
      %dma_wait3A_64 = tpu.memref_slice %arg2[%mul3A_2] : memref<204800xf32, #tpu.memory_space<hbm>> -> memref<6400xf32, #tpu.memory_space<hbm>>
      %dma_wait3A_65 = arith.constant 0 : i32
      %dma_wait3A_66 = tpu.memref_slice %arg7[%dma_wait3A_65] : memref<6416xf32, #tpu.memory_space<vmem>> -> memref<6400xf32, #tpu.memory_space<vmem>>
      %dma_wait3A_67 = tpu.memref_slice %arg2[%mul3A_2] : memref<204800xf32, #tpu.memory_space<hbm>> -> memref<6400xf32, #tpu.memory_space<hbm>>
      tpu.wait_dma2 semaphore(%run_scoped3A : memref<!tpu.dma_semaphore, #tpu.memory_space<semaphore_mem>>) src(%dma_wait3A_67 : memref<6400xf32, #tpu.memory_space<hbm>>) dst(%dma_wait3A_66 : memref<6400xf32, #tpu.memory_space<vmem>>)
      tpu.yield
    }) : () -> ()
    %scan3A = arith.constant 0 : i32
    %scan3A_5 = arith.constant 0 : i32
    %scan3A_6 = arith.constant 128 : i32
    %scan3A_7 = arith.addi %scan3A_5, %scan3A_6 : i32
    %scan3A_8 = arith.constant 1 : i32
    scf.for %scan3A_56 = %scan3A_5 to %scan3A_7 step %scan3A_8  : i32 {
      %mul3A_57 = arith.constant 50 : i32
      %mul3A_58 = arith.muli %scan3A_56, %mul3A_57 : i32
      %add3A_59 = arith.constant 0 : i32
      %add3A_60 = arith.addi %mul3A_58, %add3A_59 : i32
      %get3A = arith.index_cast %add3A_60 : i32 to index
      %get3A_61 = tpu.vector_load %arg7[%get3A] {strides = array<i32>} : memref<6416xf32, #tpu.memory_space<vmem>>, vector<16xf32>,
      %get3A_62 = vector.shape_cast %get3A_61 : vector<16xf32> to vector<16xf32>
      %add3A_63 = arith.constant 9.000000e+01 : f32
      %add3A_64 = vector.broadcast %add3A_63 : f32 to vector<16xf32>
      %add3A_65 = arith.addf %get3A_62, %add3A_64 : vector<16xf32>
      %mul3A_66 = arith.constant 1.000000e+01 : f32
      %mul3A_67 = vector.broadcast %mul3A_66 : f32 to vector<16xf32>
      %mul3A_68 = arith.mulf %add3A_65, %mul3A_67 : vector<16xf32>
      %convert_element_type3A = arith.fptosi %mul3A_68 : vector<16xf32> to vector<16xi32>
      %max3A = arith.constant 0 : i32
      %max3A_69 = vector.broadcast %max3A : i32 to vector<16xi32>
      %max3A_70 = arith.maxsi %convert_element_type3A, %max3A_69 : vector<16xi32>
      %min3A = arith.constant 1799 : i32
      %min3A_71 = vector.broadcast %min3A : i32 to vector<16xi32>
      %min3A_72 = arith.minsi %max3A_70, %min3A_71 : vector<16xi32>
      %mul3A_73 = arith.constant 64 : i32
      %mul3A_74 = arith.muli %scan3A_56, %mul3A_73 : i32
      %add3A_75 = arith.constant 0 : i32
      %add3A_76 = arith.addi %mul3A_74, %add3A_75 : i32
      %swap3A = arith.index_cast %add3A_76 : i32 to index
      %swap3A_77 = tpu.vector_load %arg8[%swap3A] {strides = array<i32>} : memref<8192xi32, #tpu.memory_space<vmem>>, vector<16xi32>,
      %swap3A_78 = vector.shape_cast %swap3A_77 : vector<16xi32> to vector<16xi32>
      %swap3A_79 = vector.shape_cast %min3A_72 : vector<16xi32> to vector<16xi32>
      tpu.vector_store %arg8[%swap3A], %swap3A_79 {strides = array<i32>} : memref<8192xi32, #tpu.memory_space<vmem>>, vector<16xi32>,
      %mul3A_80 = arith.constant 50 : i32
      %mul3A_81 = arith.muli %scan3A_56, %mul3A_80 : i32
      %add3A_82 = arith.constant 16 : i32
      %add3A_83 = arith.addi %mul3A_81, %add3A_82 : i32
      %get3A_84 = arith.index_cast %add3A_83 : i32 to index
      %get3A_85 = tpu.vector_load %arg7[%get3A_84] {strides = array<i32>} : memref<6416xf32, #tpu.memory_space<vmem>>, vector<16xf32>,
      %get3A_86 = vector.shape_cast %get3A_85 : vector<16xf32> to vector<16xf32>
      %add3A_87 = arith.constant 9.000000e+01 : f32
      %add3A_88 = vector.broadcast %add3A_87 : f32 to vector<16xf32>
      %add3A_89 = arith.addf %get3A_86, %add3A_88 : vector<16xf32>
      %mul3A_90 = arith.constant 1.000000e+01 : f32
      %mul3A_91 = vector.broadcast %mul3A_90 : f32 to vector<16xf32>
      %mul3A_92 = arith.mulf %add3A_89, %mul3A_91 : vector<16xf32>
      %convert_element_type3A_93 = arith.fptosi %mul3A_92 : vector<16xf32> to vector<16xi32>
      %max3A_94 = arith.constant 0 : i32
      %max3A_95 = vector.broadcast %max3A_94 : i32 to vector<16xi32>
      %max3A_96 = arith.maxsi %convert_element_type3A_93, %max3A_95 : vector<16xi32>
      %min3A_97 = arith.constant 1799 : i32
      %min3A_98 = vector.broadcast %min3A_97 : i32 to vector<16xi32>
      %min3A_99 = arith.minsi %max3A_96, %min3A_98 : vector<16xi32>
      %mul3A_100 = arith.constant 64 : i32
      %mul3A_101 = arith.muli %scan3A_56, %mul3A_100 : i32
      %add3A_102 = arith.constant 16 : i32
      %add3A_103 = arith.addi %mul3A_101, %add3A_102 : i32
      %swap3A_104 = arith.index_cast %add3A_103 : i32 to index
      %swap3A_105 = tpu.vector_load %arg8[%swap3A_104] {strides = array<i32>} : memref<8192xi32, #tpu.memory_space<vmem>>, vector<16xi32>,
      %swap3A_106 = vector.shape_cast %swap3A_105 : vector<16xi32> to vector<16xi32>
      %swap3A_107 = vector.shape_cast %min3A_99 : vector<16xi32> to vector<16xi32>
      tpu.vector_store %arg8[%swap3A_104], %swap3A_107 {strides = array<i32>} : memref<8192xi32, #tpu.memory_space<vmem>>, vector<16xi32>,
      %mul3A_108 = arith.constant 50 : i32
      %mul3A_109 = arith.muli %scan3A_56, %mul3A_108 : i32
      %add3A_110 = arith.constant 32 : i32
      %add3A_111 = arith.addi %mul3A_109, %add3A_110 : i32
      %get3A_112 = arith.index_cast %add3A_111 : i32 to index
      %get3A_113 = tpu.vector_load %arg7[%get3A_112] {strides = array<i32>} : memref<6416xf32, #tpu.memory_space<vmem>>, vector<16xf32>,
      %get3A_114 = vector.shape_cast %get3A_113 : vector<16xf32> to vector<16xf32>
      %add3A_115 = arith.constant 9.000000e+01 : f32
      %add3A_116 = vector.broadcast %add3A_115 : f32 to vector<16xf32>
      %add3A_117 = arith.addf %get3A_114, %add3A_116 : vector<16xf32>
      %mul3A_118 = arith.constant 1.000000e+01 : f32
      %mul3A_119 = vector.broadcast %mul3A_118 : f32 to vector<16xf32>
      %mul3A_120 = arith.mulf %add3A_117, %mul3A_119 : vector<16xf32>
      %convert_element_type3A_121 = arith.fptosi %mul3A_120 : vector<16xf32> to vector<16xi32>
      %max3A_122 = arith.constant 0 : i32
      %max3A_123 = vector.broadcast %max3A_122 : i32 to vector<16xi32>
      %max3A_124 = arith.maxsi %convert_element_type3A_121, %max3A_123 : vector<16xi32>
      %min3A_125 = arith.constant 1799 : i32
      %min3A_126 = vector.broadcast %min3A_125 : i32 to vector<16xi32>
      %min3A_127 = arith.minsi %max3A_124, %min3A_126 : vector<16xi32>
      %mul3A_128 = arith.constant 64 : i32
      %mul3A_129 = arith.muli %scan3A_56, %mul3A_128 : i32
      %add3A_130 = arith.constant 32 : i32
      %add3A_131 = arith.addi %mul3A_129, %add3A_130 : i32
      %swap3A_132 = arith.index_cast %add3A_131 : i32 to index
      %swap3A_133 = tpu.vector_load %arg8[%swap3A_132] {strides = array<i32>} : memref<8192xi32, #tpu.memory_space<vmem>>, vector<16xi32>,
      %swap3A_134 = vector.shape_cast %swap3A_133 : vector<16xi32> to vector<16xi32>
      %swap3A_135 = vector.shape_cast %min3A_127 : vector<16xi32> to vector<16xi32>
      tpu.vector_store %arg8[%swap3A_132], %swap3A_135 {strides = array<i32>} : memref<8192xi32, #tpu.memory_space<vmem>>, vector<16xi32>,
      %mul3A_136 = arith.constant 50 : i32
      %mul3A_137 = arith.muli %scan3A_56, %mul3A_136 : i32
      %add3A_138 = arith.constant 48 : i32
      %add3A_139 = arith.addi %mul3A_137, %add3A_138 : i32
      %get3A_140 = arith.index_cast %add3A_139 : i32 to index
      %get3A_141 = tpu.vector_load %arg7[%get3A_140] {strides = array<i32>} : memref<6416xf32, #tpu.memory_space<vmem>>, vector<16xf32>,
      %get3A_142 = vector.shape_cast %get3A_141 : vector<16xf32> to vector<16xf32>
      %add3A_143 = arith.constant 9.000000e+01 : f32
      %add3A_144 = vector.broadcast %add3A_143 : f32 to vector<16xf32>
      %add3A_145 = arith.addf %get3A_142, %add3A_144 : vector<16xf32>
      %mul3A_146 = arith.constant 1.000000e+01 : f32
      %mul3A_147 = vector.broadcast %mul3A_146 : f32 to vector<16xf32>
      %mul3A_148 = arith.mulf %add3A_145, %mul3A_147 : vector<16xf32>
      %convert_element_type3A_149 = arith.fptosi %mul3A_148 : vector<16xf32> to vector<16xi32>
      %max3A_150 = arith.constant 0 : i32
      %max3A_151 = vector.broadcast %max3A_150 : i32 to vector<16xi32>
      %max3A_152 = arith.maxsi %convert_element_type3A_149, %max3A_151 : vector<16xi32>
      %min3A_153 = arith.constant 1799 : i32
      %min3A_154 = vector.broadcast %min3A_153 : i32 to vector<16xi32>
      %min3A_155 = arith.minsi %max3A_152, %min3A_154 : vector<16xi32>
      %mul3A_156 = arith.constant 64 : i32
      %mul3A_157 = arith.muli %scan3A_56, %mul3A_156 : i32
      %add3A_158 = arith.constant 48 : i32
      %add3A_159 = arith.addi %mul3A_157, %add3A_158 : i32
      %swap3A_160 = arith.index_cast %add3A_159 : i32 to index
      %swap3A_161 = tpu.vector_load %arg8[%swap3A_160] {strides = array<i32>} : memref<8192xi32, #tpu.memory_space<vmem>>, vector<16xi32>,
      %swap3A_162 = vector.shape_cast %swap3A_161 : vector<16xi32> to vector<16xi32>
      %swap3A_163 = vector.shape_cast %min3A_155 : vector<16xi32> to vector<16xi32>
      tpu.vector_store %arg8[%swap3A_160], %swap3A_163 {strides = array<i32>} : memref<8192xi32, #tpu.memory_space<vmem>>, vector<16xi32>,
    }
    %scan3A_9 = arith.constant 128 : i32
    "tpu.region"() ({
      %run_scoped3A = tpu.sem_alloc : memref<!tpu.dma_semaphore, #tpu.memory_space<semaphore_mem>>
      %dma_start3A_56 = arith.constant 0 : i32
      %dma_start3A_57 = tpu.memref_slice %arg7[%dma_start3A_56] : memref<6416xf32, #tpu.memory_space<vmem>> -> memref<6400xf32, #tpu.memory_space<vmem>>
      %dma_start3A_58 = tpu.memref_slice %arg3[%mul3A_2] : memref<204800xf32, #tpu.memory_space<hbm>> -> memref<6400xf32, #tpu.memory_space<hbm>>
      %dma_start3A_59 = arith.constant 0 : i32
      %dma_start3A_60 = tpu.memref_slice %arg7[%dma_start3A_59] : memref<6416xf32, #tpu.memory_space<vmem>> -> memref<6400xf32, #tpu.memory_space<vmem>>
      %dma_start3A_61 = tpu.memref_slice %arg3[%mul3A_2] : memref<204800xf32, #tpu.memory_space<hbm>> -> memref<6400xf32, #tpu.memory_space<hbm>>
      tpu.enqueue_dma source(%dma_start3A_61 : memref<6400xf32, #tpu.memory_space<hbm>>) target(%dma_start3A_60 : memref<6400xf32, #tpu.memory_space<vmem>>) target_semaphore(%run_scoped3A : memref<!tpu.dma_semaphore, #tpu.memory_space<semaphore_mem>>)
      %dma_wait3A_62 = arith.constant 0 : i32
      %dma_wait3A_63 = tpu.memref_slice %arg7[%dma_wait3A_62] : memref<6416xf32, #tpu.memory_space<vmem>> -> memref<6400xf32, #tpu.memory_space<vmem>>
      %dma_wait3A_64 = tpu.memref_slice %arg3[%mul3A_2] : memref<204800xf32, #tpu.memory_space<hbm>> -> memref<6400xf32, #tpu.memory_space<hbm>>
      %dma_wait3A_65 = arith.constant 0 : i32
      %dma_wait3A_66 = tpu.memref_slice %arg7[%dma_wait3A_65] : memref<6416xf32, #tpu.memory_space<vmem>> -> memref<6400xf32, #tpu.memory_space<vmem>>
      %dma_wait3A_67 = tpu.memref_slice %arg3[%mul3A_2] : memref<204800xf32, #tpu.memory_space<hbm>> -> memref<6400xf32, #tpu.memory_space<hbm>>
      tpu.wait_dma2 semaphore(%run_scoped3A : memref<!tpu.dma_semaphore, #tpu.memory_space<semaphore_mem>>) src(%dma_wait3A_67 : memref<6400xf32, #tpu.memory_space<hbm>>) dst(%dma_wait3A_66 : memref<6400xf32, #tpu.memory_space<vmem>>)
      tpu.yield
    }) : () -> ()
    %scan3A_10 = arith.constant 0 : i32
    %scan3A_11 = arith.constant 0 : i32
    %scan3A_12 = arith.constant 128 : i32
    %scan3A_13 = arith.addi %scan3A_11, %scan3A_12 : i32
    %scan3A_14 = arith.constant 1 : i32
    scf.for %scan3A_56 = %scan3A_11 to %scan3A_13 step %scan3A_14  : i32 {
      %mul3A_57 = arith.constant 50 : i32
      %mul3A_58 = arith.muli %scan3A_56, %mul3A_57 : i32
      %add3A_59 = arith.constant 0 : i32
      %add3A_60 = arith.addi %mul3A_58, %add3A_59 : i32
      %get3A = arith.index_cast %add3A_60 : i32 to index
      %get3A_61 = tpu.vector_load %arg7[%get3A] {strides = array<i32>} : memref<6416xf32, #tpu.memory_space<vmem>>, vector<16xf32>,
      %get3A_62 = vector.shape_cast %get3A_61 : vector<16xf32> to vector<16xf32>
      %add3A_63 = arith.constant 1.800000e+02 : f32
      %add3A_64 = vector.broadcast %add3A_63 : f32 to vector<16xf32>
      %add3A_65 = arith.addf %get3A_62, %add3A_64 : vector<16xf32>
      %mul3A_66 = arith.constant 1.000000e+01 : f32
      %mul3A_67 = vector.broadcast %mul3A_66 : f32 to vector<16xf32>
      %mul3A_68 = arith.mulf %add3A_65, %mul3A_67 : vector<16xf32>
      %convert_element_type3A = arith.fptosi %mul3A_68 : vector<16xf32> to vector<16xi32>
      %max3A = arith.constant 0 : i32
      %max3A_69 = vector.broadcast %max3A : i32 to vector<16xi32>
      %max3A_70 = arith.maxsi %convert_element_type3A, %max3A_69 : vector<16xi32>
      %min3A = arith.constant 3599 : i32
      %min3A_71 = vector.broadcast %min3A : i32 to vector<16xi32>
      %min3A_72 = arith.minsi %max3A_70, %min3A_71 : vector<16xi32>
      %mul3A_73 = arith.constant 64 : i32
      %mul3A_74 = arith.muli %scan3A_56, %mul3A_73 : i32
      %add3A_75 = arith.constant 0 : i32
      %add3A_76 = arith.addi %mul3A_74, %add3A_75 : i32
      %swap3A = arith.index_cast %add3A_76 : i32 to index
      %swap3A_77 = tpu.vector_load %arg9[%swap3A] {strides = array<i32>} : memref<8192xi32, #tpu.memory_space<vmem>>, vector<16xi32>,
      %swap3A_78 = vector.shape_cast %swap3A_77 : vector<16xi32> to vector<16xi32>
      %swap3A_79 = vector.shape_cast %min3A_72 : vector<16xi32> to vector<16xi32>
      tpu.vector_store %arg9[%swap3A], %swap3A_79 {strides = array<i32>} : memref<8192xi32, #tpu.memory_space<vmem>>, vector<16xi32>,
      %mul3A_80 = arith.constant 50 : i32
      %mul3A_81 = arith.muli %scan3A_56, %mul3A_80 : i32
      %add3A_82 = arith.constant 16 : i32
      %add3A_83 = arith.addi %mul3A_81, %add3A_82 : i32
      %get3A_84 = arith.index_cast %add3A_83 : i32 to index
      %get3A_85 = tpu.vector_load %arg7[%get3A_84] {strides = array<i32>} : memref<6416xf32, #tpu.memory_space<vmem>>, vector<16xf32>,
      %get3A_86 = vector.shape_cast %get3A_85 : vector<16xf32> to vector<16xf32>
      %add3A_87 = arith.constant 1.800000e+02 : f32
      %add3A_88 = vector.broadcast %add3A_87 : f32 to vector<16xf32>
      %add3A_89 = arith.addf %get3A_86, %add3A_88 : vector<16xf32>
      %mul3A_90 = arith.constant 1.000000e+01 : f32
      %mul3A_91 = vector.broadcast %mul3A_90 : f32 to vector<16xf32>
      %mul3A_92 = arith.mulf %add3A_89, %mul3A_91 : vector<16xf32>
      %convert_element_type3A_93 = arith.fptosi %mul3A_92 : vector<16xf32> to vector<16xi32>
      %max3A_94 = arith.constant 0 : i32
      %max3A_95 = vector.broadcast %max3A_94 : i32 to vector<16xi32>
      %max3A_96 = arith.maxsi %convert_element_type3A_93, %max3A_95 : vector<16xi32>
      %min3A_97 = arith.constant 3599 : i32
      %min3A_98 = vector.broadcast %min3A_97 : i32 to vector<16xi32>
      %min3A_99 = arith.minsi %max3A_96, %min3A_98 : vector<16xi32>
      %mul3A_100 = arith.constant 64 : i32
      %mul3A_101 = arith.muli %scan3A_56, %mul3A_100 : i32
      %add3A_102 = arith.constant 16 : i32
      %add3A_103 = arith.addi %mul3A_101, %add3A_102 : i32
      %swap3A_104 = arith.index_cast %add3A_103 : i32 to index
      %swap3A_105 = tpu.vector_load %arg9[%swap3A_104] {strides = array<i32>} : memref<8192xi32, #tpu.memory_space<vmem>>, vector<16xi32>,
      %swap3A_106 = vector.shape_cast %swap3A_105 : vector<16xi32> to vector<16xi32>
      %swap3A_107 = vector.shape_cast %min3A_99 : vector<16xi32> to vector<16xi32>
      tpu.vector_store %arg9[%swap3A_104], %swap3A_107 {strides = array<i32>} : memref<8192xi32, #tpu.memory_space<vmem>>, vector<16xi32>,
      %mul3A_108 = arith.constant 50 : i32
      %mul3A_109 = arith.muli %scan3A_56, %mul3A_108 : i32
      %add3A_110 = arith.constant 32 : i32
      %add3A_111 = arith.addi %mul3A_109, %add3A_110 : i32
      %get3A_112 = arith.index_cast %add3A_111 : i32 to index
      %get3A_113 = tpu.vector_load %arg7[%get3A_112] {strides = array<i32>} : memref<6416xf32, #tpu.memory_space<vmem>>, vector<16xf32>,
      %get3A_114 = vector.shape_cast %get3A_113 : vector<16xf32> to vector<16xf32>
      %add3A_115 = arith.constant 1.800000e+02 : f32
      %add3A_116 = vector.broadcast %add3A_115 : f32 to vector<16xf32>
      %add3A_117 = arith.addf %get3A_114, %add3A_116 : vector<16xf32>
      %mul3A_118 = arith.constant 1.000000e+01 : f32
      %mul3A_119 = vector.broadcast %mul3A_118 : f32 to vector<16xf32>
      %mul3A_120 = arith.mulf %add3A_117, %mul3A_119 : vector<16xf32>
      %convert_element_type3A_121 = arith.fptosi %mul3A_120 : vector<16xf32> to vector<16xi32>
      %max3A_122 = arith.constant 0 : i32
      %max3A_123 = vector.broadcast %max3A_122 : i32 to vector<16xi32>
      %max3A_124 = arith.maxsi %convert_element_type3A_121, %max3A_123 : vector<16xi32>
      %min3A_125 = arith.constant 3599 : i32
      %min3A_126 = vector.broadcast %min3A_125 : i32 to vector<16xi32>
      %min3A_127 = arith.minsi %max3A_124, %min3A_126 : vector<16xi32>
      %mul3A_128 = arith.constant 64 : i32
      %mul3A_129 = arith.muli %scan3A_56, %mul3A_128 : i32
      %add3A_130 = arith.constant 32 : i32
      %add3A_131 = arith.addi %mul3A_129, %add3A_130 : i32
      %swap3A_132 = arith.index_cast %add3A_131 : i32 to index
      %swap3A_133 = tpu.vector_load %arg9[%swap3A_132] {strides = array<i32>} : memref<8192xi32, #tpu.memory_space<vmem>>, vector<16xi32>,
      %swap3A_134 = vector.shape_cast %swap3A_133 : vector<16xi32> to vector<16xi32>
      %swap3A_135 = vector.shape_cast %min3A_127 : vector<16xi32> to vector<16xi32>
      tpu.vector_store %arg9[%swap3A_132], %swap3A_135 {strides = array<i32>} : memref<8192xi32, #tpu.memory_space<vmem>>, vector<16xi32>,
      %mul3A_136 = arith.constant 50 : i32
      %mul3A_137 = arith.muli %scan3A_56, %mul3A_136 : i32
      %add3A_138 = arith.constant 48 : i32
      %add3A_139 = arith.addi %mul3A_137, %add3A_138 : i32
      %get3A_140 = arith.index_cast %add3A_139 : i32 to index
      %get3A_141 = tpu.vector_load %arg7[%get3A_140] {strides = array<i32>} : memref<6416xf32, #tpu.memory_space<vmem>>, vector<16xf32>,
      %get3A_142 = vector.shape_cast %get3A_141 : vector<16xf32> to vector<16xf32>
      %add3A_143 = arith.constant 1.800000e+02 : f32
      %add3A_144 = vector.broadcast %add3A_143 : f32 to vector<16xf32>
      %add3A_145 = arith.addf %get3A_142, %add3A_144 : vector<16xf32>
      %mul3A_146 = arith.constant 1.000000e+01 : f32
      %mul3A_147 = vector.broadcast %mul3A_146 : f32 to vector<16xf32>
      %mul3A_148 = arith.mulf %add3A_145, %mul3A_147 : vector<16xf32>
      %convert_element_type3A_149 = arith.fptosi %mul3A_148 : vector<16xf32> to vector<16xi32>
      %max3A_150 = arith.constant 0 : i32
      %max3A_151 = vector.broadcast %max3A_150 : i32 to vector<16xi32>
      %max3A_152 = arith.maxsi %convert_element_type3A_149, %max3A_151 : vector<16xi32>
      %min3A_153 = arith.constant 3599 : i32
      %min3A_154 = vector.broadcast %min3A_153 : i32 to vector<16xi32>
      %min3A_155 = arith.minsi %max3A_152, %min3A_154 : vector<16xi32>
      %mul3A_156 = arith.constant 64 : i32
      %mul3A_157 = arith.muli %scan3A_56, %mul3A_156 : i32
      %add3A_158 = arith.constant 48 : i32
      %add3A_159 = arith.addi %mul3A_157, %add3A_158 : i32
      %swap3A_160 = arith.index_cast %add3A_159 : i32 to index
      %swap3A_161 = tpu.vector_load %arg9[%swap3A_160] {strides = array<i32>} : memref<8192xi32, #tpu.memory_space<vmem>>, vector<16xi32>,
      %swap3A_162 = vector.shape_cast %swap3A_161 : vector<16xi32> to vector<16xi32>
      %swap3A_163 = vector.shape_cast %min3A_155 : vector<16xi32> to vector<16xi32>
      tpu.vector_store %arg9[%swap3A_160], %swap3A_163 {strides = array<i32>} : memref<8192xi32, #tpu.memory_space<vmem>>, vector<16xi32>,
    }
    %scan3A_15 = arith.constant 128 : i32
    %dma_start3A = arith.constant 0 : i32
    %dma_start3A_16 = arith.constant 0 : i32
    %dma_start3A_17 = arith.constant 0 : i32
    %dma_start3A_18 = tpu.memref_slice %arg10[%dma_start3A, %dma_start3A_16, %dma_start3A_17] : memref<1x56x384xf32, #tpu.memory_space<vmem>> -> memref<1x56x384xf32, #tpu.memory_space<vmem>>
    %dma_start3A_19 = tpu.memref_squeeze %dma_start3A_18 : memref<1x56x384xf32, #tpu.memory_space<vmem>> -> memref<56x384xf32, #tpu.memory_space<vmem>>
    %dma_start3A_20 = arith.constant 0 : i32
    %dma_start3A_21 = tpu.memref_slice %arg8[%dma_start3A_20] : memref<8192xi32, #tpu.memory_space<vmem>> -> memref<56xi32, #tpu.memory_space<vmem>>
    %dma_start3A_22 = arith.constant 0 : i32
    %dma_start3A_23 = arith.constant 0 : i32
    %dma_start3A_24 = tpu.memref_slice %arg4[%dma_start3A_22, %dma_start3A_23] : memref<1800x384xf32, #tpu.memory_space<hbm>> -> memref<1800x384xf32, #tpu.memory_space<hbm>>
    tpu.enqueue_indirect_dma source(%dma_start3A_24 : memref<1800x384xf32, #tpu.memory_space<hbm>>) target(%dma_start3A_19 : memref<56x384xf32, #tpu.memory_space<vmem>>) offsets(%dma_start3A_21 : memref<56xi32, #tpu.memory_space<vmem>>) semaphore(%arg14 : memref<!tpu.dma_semaphore, #tpu.memory_space<semaphore_mem>>)
    %dma_start3A_25 = arith.constant 0 : i32
    %dma_start3A_26 = arith.constant 0 : i32
    %dma_start3A_27 = arith.constant 0 : i32
    %dma_start3A_28 = tpu.memref_slice %arg12[%dma_start3A_25, %dma_start3A_26, %dma_start3A_27] : memref<1x56x384xf32, #tpu.memory_space<vmem>> -> memref<1x56x384xf32, #tpu.memory_space<vmem>>
    %dma_start3A_29 = tpu.memref_squeeze %dma_start3A_28 : memref<1x56x384xf32, #tpu.memory_space<vmem>> -> memref<56x384xf32, #tpu.memory_space<vmem>>
    %dma_start3A_30 = arith.constant 0 : i32
    %dma_start3A_31 = tpu.memref_slice %arg9[%dma_start3A_30] : memref<8192xi32, #tpu.memory_space<vmem>> -> memref<56xi32, #tpu.memory_space<vmem>>
    %dma_start3A_32 = arith.constant 0 : i32
    %dma_start3A_33 = arith.constant 0 : i32
    %dma_start3A_34 = tpu.memref_slice %arg5[%dma_start3A_32, %dma_start3A_33] : memref<3600x384xf32, #tpu.memory_space<hbm>> -> memref<3600x384xf32, #tpu.memory_space<hbm>>
    tpu.enqueue_indirect_dma source(%dma_start3A_34 : memref<3600x384xf32, #tpu.memory_space<hbm>>) target(%dma_start3A_29 : memref<56x384xf32, #tpu.memory_space<vmem>>) offsets(%dma_start3A_31 : memref<56xi32, #tpu.memory_space<vmem>>) semaphore(%arg16 : memref<!tpu.dma_semaphore, #tpu.memory_space<semaphore_mem>>)
    %scan3A_35 = arith.constant 0 : i32
    %scan3A_36 = arith.constant 0 : i32
    %scan3A_37 = arith.constant 64 : i32
    %scan3A_38 = arith.addi %scan3A_36, %scan3A_37 : i32
    %scan3A_39 = arith.constant 1 : i32
    scf.for %scan3A_56 = %scan3A_36 to %scan3A_38 step %scan3A_39  : i32 {
      %mul3A_57 = arith.constant 2 : i32
      %mul3A_58 = arith.muli %scan3A_56, %mul3A_57 : i32
      %add3A_59 = arith.constant 0 : i32
      %add3A_60 = arith.addi %mul3A_58, %add3A_59 : i32
      %add3A_61 = arith.constant 1 : i32
      %add3A_62 = arith.addi %add3A_60, %add3A_61 : i32
      %lt3A = arith.constant 128 : i32
      %lt3A_63 = arith.cmpi slt, %add3A_62, %lt3A : i32
      %convert_element_type3A = arith.extui %lt3A_63 : i1 to i32
      %cond3A = arith.constant 0 : i32
      %cond3A_64 = arith.cmpi ne, %convert_element_type3A, %cond3A : i32
      scf.if %cond3A_64 {
        %ge3A = arith.constant 2 : i32
        %ge3A_174 = arith.cmpi sge, %add3A_62, %ge3A : i32
        %convert_element_type3A_175 = arith.extui %ge3A_174 : i1 to i32
        %cond3A_176 = arith.constant 0 : i32
        %cond3A_177 = arith.cmpi ne, %convert_element_type3A_175, %cond3A_176 : i32
        scf.if %cond3A_177 {
          %dma_wait3A_198 = arith.constant 0 : i32
          %dma_wait3A_199 = arith.constant 0 : i32
          %dma_wait3A_200 = arith.constant 0 : i32
          %dma_wait3A_201 = tpu.memref_slice %arg6[%dma_wait3A_198, %dma_wait3A_199, %dma_wait3A_200] : memref<4096x56x384xf32, #tpu.memory_space<hbm>> -> memref<1x56x384xf32, #tpu.memory_space<hbm>>
          %dma_wait3A_202 = arith.constant 0 : i32
          %dma_wait3A_203 = arith.constant 0 : i32
          %dma_wait3A_204 = arith.constant 0 : i32
          %dma_wait3A_205 = tpu.memref_slice %arg6[%dma_wait3A_202, %dma_wait3A_203, %dma_wait3A_204] : memref<4096x56x384xf32, #tpu.memory_space<hbm>> -> memref<1x56x384xf32, #tpu.memory_space<hbm>>
          tpu.wait_dma2 semaphore(%arg19 : memref<!tpu.dma_semaphore, #tpu.memory_space<semaphore_mem>>) src(%arg11 : memref<1x56x384xf32, #tpu.memory_space<vmem>>) dst(%dma_wait3A_205 : memref<1x56x384xf32, #tpu.memory_space<hbm>>)
        } else {
        }
        %mul3A_178 = arith.constant 64 : i32
        %mul3A_179 = arith.muli %add3A_62, %mul3A_178 : i32
        %dma_start3A_180 = arith.constant 0 : i32
        %dma_start3A_181 = arith.constant 0 : i32
        %dma_start3A_182 = arith.constant 0 : i32
        %dma_start3A_183 = tpu.memref_slice %arg11[%dma_start3A_180, %dma_start3A_181, %dma_start3A_182] : memref<1x56x384xf32, #tpu.memory_space<vmem>> -> memref<1x56x384xf32, #tpu.memory_space<vmem>>
        %dma_start3A_184 = tpu.memref_squeeze %dma_start3A_183 : memref<1x56x384xf32, #tpu.memory_space<vmem>> -> memref<56x384xf32, #tpu.memory_space<vmem>>
        %dma_start3A_185 = tpu.memref_slice %arg8[%mul3A_179] : memref<8192xi32, #tpu.memory_space<vmem>> -> memref<56xi32, #tpu.memory_space<vmem>>
        %dma_start3A_186 = arith.constant 0 : i32
        %dma_start3A_187 = arith.constant 0 : i32
        %dma_start3A_188 = tpu.memref_slice %arg4[%dma_start3A_186, %dma_start3A_187] : memref<1800x384xf32, #tpu.memory_space<hbm>> -> memref<1800x384xf32, #tpu.memory_space<hbm>>
        tpu.enqueue_indirect_dma source(%dma_start3A_188 : memref<1800x384xf32, #tpu.memory_space<hbm>>) target(%dma_start3A_184 : memref<56x384xf32, #tpu.memory_space<vmem>>) offsets(%dma_start3A_185 : memref<56xi32, #tpu.memory_space<vmem>>) semaphore(%arg15 : memref<!tpu.dma_semaphore, #tpu.memory_space<semaphore_mem>>)
        %dma_start3A_189 = arith.constant 0 : i32
        %dma_start3A_190 = arith.constant 0 : i32
        %dma_start3A_191 = arith.constant 0 : i32
        %dma_start3A_192 = tpu.memref_slice %arg13[%dma_start3A_189, %dma_start3A_190, %dma_start3A_191] : memref<1x56x384xf32, #tpu.memory_space<vmem>> -> memref<1x56x384xf32, #tpu.memory_space<vmem>>
        %dma_start3A_193 = tpu.memref_squeeze %dma_start3A_192 : memref<1x56x384xf32, #tpu.memory_space<vmem>> -> memref<56x384xf32, #tpu.memory_space<vmem>>
        %dma_start3A_194 = tpu.memref_slice %arg9[%mul3A_179] : memref<8192xi32, #tpu.memory_space<vmem>> -> memref<56xi32, #tpu.memory_space<vmem>>
        %dma_start3A_195 = arith.constant 0 : i32
        %dma_start3A_196 = arith.constant 0 : i32
        %dma_start3A_197 = tpu.memref_slice %arg5[%dma_start3A_195, %dma_start3A_196] : memref<3600x384xf32, #tpu.memory_space<hbm>> -> memref<3600x384xf32, #tpu.memory_space<hbm>>
        tpu.enqueue_indirect_dma source(%dma_start3A_197 : memref<3600x384xf32, #tpu.memory_space<hbm>>) target(%dma_start3A_193 : memref<56x384xf32, #tpu.memory_space<vmem>>) offsets(%dma_start3A_194 : memref<56xi32, #tpu.memory_space<vmem>>) semaphore(%arg17 : memref<!tpu.dma_semaphore, #tpu.memory_space<semaphore_mem>>)
      } else {
      }
      %dma_wait3A_65 = arith.constant 0 : i32
      %dma_wait3A_66 = arith.constant 0 : i32
      %dma_wait3A_67 = arith.constant 0 : i32
      %dma_wait3A_68 = arith.constant 0 : i32
      %dma_wait3A_69 = tpu.memref_slice %arg10[%dma_wait3A_66, %dma_wait3A_67, %dma_wait3A_68] : memref<1x56x384xf32, #tpu.memory_space<vmem>> -> memref<1x56x384xf32, #tpu.memory_space<vmem>>
      %dma_wait3A_70 = tpu.memref_squeeze %dma_wait3A_69 : memref<1x56x384xf32, #tpu.memory_space<vmem>> -> memref<56x384xf32, #tpu.memory_space<vmem>>
      %dma_wait3A_71 = arith.constant 0 : i32
      %dma_wait3A_72 = arith.constant 0 : i32
      %dma_wait3A_73 = tpu.memref_slice %arg6[%dma_wait3A_65, %dma_wait3A_71, %dma_wait3A_72] : memref<4096x56x384xf32, #tpu.memory_space<hbm>> -> memref<1x56x384xf32, #tpu.memory_space<hbm>>
      %dma_wait3A_74 = tpu.memref_squeeze %dma_wait3A_73 : memref<1x56x384xf32, #tpu.memory_space<hbm>> -> memref<56x384xf32, #tpu.memory_space<hbm>>
      %dma_wait3A_75 = arith.constant 0 : i32
      %dma_wait3A_76 = arith.constant 0 : i32
      %dma_wait3A_77 = tpu.memref_slice %arg10[%dma_wait3A_66, %dma_wait3A_75, %dma_wait3A_76] : memref<1x56x384xf32, #tpu.memory_space<vmem>> -> memref<1x56x384xf32, #tpu.memory_space<vmem>>
      %dma_wait3A_78 = tpu.memref_squeeze %dma_wait3A_77 : memref<1x56x384xf32, #tpu.memory_space<vmem>> -> memref<56x384xf32, #tpu.memory_space<vmem>>
      %dma_wait3A_79 = arith.constant 0 : i32
      %dma_wait3A_80 = arith.constant 0 : i32
      %dma_wait3A_81 = tpu.memref_slice %arg6[%dma_wait3A_65, %dma_wait3A_79, %dma_wait3A_80] : memref<4096x56x384xf32, #tpu.memory_space<hbm>> -> memref<1x56x384xf32, #tpu.memory_space<hbm>>
      %dma_wait3A_82 = tpu.memref_squeeze %dma_wait3A_81 : memref<1x56x384xf32, #tpu.memory_space<hbm>> -> memref<56x384xf32, #tpu.memory_space<hbm>>
      tpu.wait_dma2 semaphore(%arg14 : memref<!tpu.dma_semaphore, #tpu.memory_space<semaphore_mem>>) src(%dma_wait3A_82 : memref<56x384xf32, #tpu.memory_space<hbm>>) dst(%dma_wait3A_78 : memref<56x384xf32, #tpu.memory_space<vmem>>)
      %dma_wait3A_83 = arith.constant 0 : i32
      %dma_wait3A_84 = arith.constant 0 : i32
      %dma_wait3A_85 = arith.constant 0 : i32
      %dma_wait3A_86 = arith.constant 0 : i32
      %dma_wait3A_87 = tpu.memref_slice %arg12[%dma_wait3A_84, %dma_wait3A_85, %dma_wait3A_86] : memref<1x56x384xf32, #tpu.memory_space<vmem>> -> memref<1x56x384xf32, #tpu.memory_space<vmem>>
      %dma_wait3A_88 = tpu.memref_squeeze %dma_wait3A_87 : memref<1x56x384xf32, #tpu.memory_space<vmem>> -> memref<56x384xf32, #tpu.memory_space<vmem>>
      %dma_wait3A_89 = arith.constant 0 : i32
      %dma_wait3A_90 = arith.constant 0 : i32
      %dma_wait3A_91 = tpu.memref_slice %arg6[%dma_wait3A_83, %dma_wait3A_89, %dma_wait3A_90] : memref<4096x56x384xf32, #tpu.memory_space<hbm>> -> memref<1x56x384xf32, #tpu.memory_space<hbm>>
      %dma_wait3A_92 = tpu.memref_squeeze %dma_wait3A_91 : memref<1x56x384xf32, #tpu.memory_space<hbm>> -> memref<56x384xf32, #tpu.memory_space<hbm>>
      %dma_wait3A_93 = arith.constant 0 : i32
      %dma_wait3A_94 = arith.constant 0 : i32
      %dma_wait3A_95 = tpu.memref_slice %arg12[%dma_wait3A_84, %dma_wait3A_93, %dma_wait3A_94] : memref<1x56x384xf32, #tpu.memory_space<vmem>> -> memref<1x56x384xf32, #tpu.memory_space<vmem>>
      %dma_wait3A_96 = tpu.memref_squeeze %dma_wait3A_95 : memref<1x56x384xf32, #tpu.memory_space<vmem>> -> memref<56x384xf32, #tpu.memory_space<vmem>>
      %dma_wait3A_97 = arith.constant 0 : i32
      %dma_wait3A_98 = arith.constant 0 : i32
      %dma_wait3A_99 = tpu.memref_slice %arg6[%dma_wait3A_83, %dma_wait3A_97, %dma_wait3A_98] : memref<4096x56x384xf32, #tpu.memory_space<hbm>> -> memref<1x56x384xf32, #tpu.memory_space<hbm>>
      %dma_wait3A_100 = tpu.memref_squeeze %dma_wait3A_99 : memref<1x56x384xf32, #tpu.memory_space<hbm>> -> memref<56x384xf32, #tpu.memory_space<hbm>>
      tpu.wait_dma2 semaphore(%arg16 : memref<!tpu.dma_semaphore, #tpu.memory_space<semaphore_mem>>) src(%dma_wait3A_100 : memref<56x384xf32, #tpu.memory_space<hbm>>) dst(%dma_wait3A_96 : memref<56x384xf32, #tpu.memory_space<vmem>>)
      %scan3A_101 = arith.constant 0 : i32
      %scan3A_102 = arith.constant 0 : i32
      %scan3A_103 = arith.constant 50 : i32
      %scan3A_104 = arith.addi %scan3A_102, %scan3A_103 : i32
      %scan3A_105 = arith.constant 2 : i32
      scf.for %scan3A_174 = %scan3A_102 to %scan3A_104 step %scan3A_105  : i32 {
        %get3A = arith.constant 0 : i32
        %get3A_175 = arith.index_cast %get3A : i32 to index
        %get3A_176 = arith.index_cast %scan3A_174 : i32 to index
        %get3A_177 = arith.constant 0 : index
        %get3A_178 = tpu.vector_load %arg12[%get3A_175, %get3A_176, %get3A_177] {strides = array<i32>} : memref<1x56x384xf32, #tpu.memory_space<vmem>>, vector<1x1x16xf32>,
        %get3A_179 = vector.shape_cast %get3A_178 : vector<1x1x16xf32> to vector<16xf32>
        %swap3A = arith.constant 0 : i32
        %swap3A_180 = arith.index_cast %swap3A : i32 to index
        %swap3A_181 = arith.index_cast %scan3A_174 : i32 to index
        %swap3A_182 = arith.constant 0 : index
        %swap3A_183 = tpu.vector_load %arg10[%swap3A_180, %swap3A_181, %swap3A_182] {strides = array<i32>} : memref<1x56x384xf32, #tpu.memory_space<vmem>>, vector<1x1x16xf32>,
        %swap3A_184 = vector.shape_cast %swap3A_183 : vector<1x1x16xf32> to vector<16xf32>
        %swap3A_185 = vector.shape_cast %get3A_179 : vector<16xf32> to vector<1x1x16xf32>
        tpu.vector_store %arg10[%swap3A_180, %swap3A_181, %swap3A_182], %swap3A_185 {add = true, strides = array<i32>} : memref<1x56x384xf32, #tpu.memory_space<vmem>>, vector<1x1x16xf32>,
        %get3A_186 = arith.constant 0 : i32
        %get3A_187 = arith.index_cast %get3A_186 : i32 to index
        %get3A_188 = arith.index_cast %scan3A_174 : i32 to index
        %get3A_189 = arith.constant 16 : index
        %get3A_190 = tpu.vector_load %arg12[%get3A_187, %get3A_188, %get3A_189] {strides = array<i32>} : memref<1x56x384xf32, #tpu.memory_space<vmem>>, vector<1x1x16xf32>,
        %get3A_191 = vector.shape_cast %get3A_190 : vector<1x1x16xf32> to vector<16xf32>
        %swap3A_192 = arith.constant 0 : i32
        %swap3A_193 = arith.index_cast %swap3A_192 : i32 to index
        %swap3A_194 = arith.index_cast %scan3A_174 : i32 to index
        %swap3A_195 = arith.constant 16 : index
        %swap3A_196 = tpu.vector_load %arg10[%swap3A_193, %swap3A_194, %swap3A_195] {strides = array<i32>} : memref<1x56x384xf32, #tpu.memory_space<vmem>>, vector<1x1x16xf32>,
        %swap3A_197 = vector.shape_cast %swap3A_196 : vector<1x1x16xf32> to vector<16xf32>
        %swap3A_198 = vector.shape_cast %get3A_191 : vector<16xf32> to vector<1x1x16xf32>
        tpu.vector_store %arg10[%swap3A_193, %swap3A_194, %swap3A_195], %swap3A_198 {add = true, strides = array<i32>} : memref<1x56x384xf32, #tpu.memory_space<vmem>>, vector<1x1x16xf32>,
        %get3A_199 = arith.constant 0 : i32
        %get3A_200 = arith.index_cast %get3A_199 : i32 to index
        %get3A_201 = arith.index_cast %scan3A_174 : i32 to index
        %get3A_202 = arith.constant 32 : index
        %get3A_203 = tpu.vector_load %arg12[%get3A_200, %get3A_201, %get3A_202] {strides = array<i32>} : memref<1x56x384xf32, #tpu.memory_space<vmem>>, vector<1x1x16xf32>,
        %get3A_204 = vector.shape_cast %get3A_203 : vector<1x1x16xf32> to vector<16xf32>
        %swap3A_205 = arith.constant 0 : i32
        %swap3A_206 = arith.index_cast %swap3A_205 : i32 to index
        %swap3A_207 = arith.index_cast %scan3A_174 : i32 to index
        %swap3A_208 = arith.constant 32 : index
        %swap3A_209 = tpu.vector_load %arg10[%swap3A_206, %swap3A_207, %swap3A_208] {strides = array<i32>} : memref<1x56x384xf32, #tpu.memory_space<vmem>>, vector<1x1x16xf32>,
        %swap3A_210 = vector.shape_cast %swap3A_209 : vector<1x1x16xf32> to vector<16xf32>
        %swap3A_211 = vector.shape_cast %get3A_204 : vector<16xf32> to vector<1x1x16xf32>
        tpu.vector_store %arg10[%swap3A_206, %swap3A_207, %swap3A_208], %swap3A_211 {add = true, strides = array<i32>} : memref<1x56x384xf32, #tpu.memory_space<vmem>>, vector<1x1x16xf32>,
        %get3A_212 = arith.constant 0 : i32
        %get3A_213 = arith.index_cast %get3A_212 : i32 to index
        %get3A_214 = arith.index_cast %scan3A_174 : i32 to index
        %get3A_215 = arith.constant 48 : index
        %get3A_216 = tpu.vector_load %arg12[%get3A_213, %get3A_214, %get3A_215] {strides = array<i32>} : memref<1x56x384xf32, #tpu.memory_space<vmem>>, vector<1x1x16xf32>,
        %get3A_217 = vector.shape_cast %get3A_216 : vector<1x1x16xf32> to vector<16xf32>
        %swap3A_218 = arith.constant 0 : i32
        %swap3A_219 = arith.index_cast %swap3A_218 : i32 to index
        %swap3A_220 = arith.index_cast %scan3A_174 : i32 to index
        %swap3A_221 = arith.constant 48 : index
        %swap3A_222 = tpu.vector_load %arg10[%swap3A_219, %swap3A_220, %swap3A_221] {strides = array<i32>} : memref<1x56x384xf32, #tpu.memory_space<vmem>>, vector<1x1x16xf32>,
        %swap3A_223 = vector.shape_cast %swap3A_222 : vector<1x1x16xf32> to vector<16xf32>
        %swap3A_224 = vector.shape_cast %get3A_217 : vector<16xf32> to vector<1x1x16xf32>
        tpu.vector_store %arg10[%swap3A_219, %swap3A_220, %swap3A_221], %swap3A_224 {add = true, strides = array<i32>} : memref<1x56x384xf32, #tpu.memory_space<vmem>>, vector<1x1x16xf32>,
        %get3A_225 = arith.constant 0 : i32
        %get3A_226 = arith.index_cast %get3A_225 : i32 to index
        %get3A_227 = arith.index_cast %scan3A_174 : i32 to index
        %get3A_228 = arith.constant 64 : index
        %get3A_229 = tpu.vector_load %arg12[%get3A_226, %get3A_227, %get3A_228] {strides = array<i32>} : memref<1x56x384xf32, #tpu.memory_space<vmem>>, vector<1x1x16xf32>,
        %get3A_230 = vector.shape_cast %get3A_229 : vector<1x1x16xf32> to vector<16xf32>
        %swap3A_231 = arith.constant 0 : i32
        %swap3A_232 = arith.index_cast %swap3A_231 : i32 to index
        %swap3A_233 = arith.index_cast %scan3A_174 : i32 to index
        %swap3A_234 = arith.constant 64 : index
        %swap3A_235 = tpu.vector_load %arg10[%swap3A_232, %swap3A_233, %swap3A_234] {strides = array<i32>} : memref<1x56x384xf32, #tpu.memory_space<vmem>>, vector<1x1x16xf32>,
        %swap3A_236 = vector.shape_cast %swap3A_235 : vector<1x1x16xf32> to vector<16xf32>
        %swap3A_237 = vector.shape_cast %get3A_230 : vector<16xf32> to vector<1x1x16xf32>
        tpu.vector_store %arg10[%swap3A_232, %swap3A_233, %swap3A_234], %swap3A_237 {add = true, strides = array<i32>} : memref<1x56x384xf32, #tpu.memory_space<vmem>>, vector<1x1x16xf32>,
        %get3A_238 = arith.constant 0 : i32
        %get3A_239 = arith.index_cast %get3A_238 : i32 to index
        %get3A_240 = arith.index_cast %scan3A_174 : i32 to index
        %get3A_241 = arith.constant 80 : index
        %get3A_242 = tpu.vector_load %arg12[%get3A_239, %get3A_240, %get3A_241] {strides = array<i32>} : memref<1x56x384xf32, #tpu.memory_space<vmem>>, vector<1x1x16xf32>,
        %get3A_243 = vector.shape_cast %get3A_242 : vector<1x1x16xf32> to vector<16xf32>
        %swap3A_244 = arith.constant 0 : i32
        %swap3A_245 = arith.index_cast %swap3A_244 : i32 to index
        %swap3A_246 = arith.index_cast %scan3A_174 : i32 to index
        %swap3A_247 = arith.constant 80 : index
        %swap3A_248 = tpu.vector_load %arg10[%swap3A_245, %swap3A_246, %swap3A_247] {strides = array<i32>} : memref<1x56x384xf32, #tpu.memory_space<vmem>>, vector<1x1x16xf32>,
        %swap3A_249 = vector.shape_cast %swap3A_248 : vector<1x1x16xf32> to vector<16xf32>
        %swap3A_250 = vector.shape_cast %get3A_243 : vector<16xf32> to vector<1x1x16xf32>
        tpu.vector_store %arg10[%swap3A_245, %swap3A_246, %swap3A_247], %swap3A_250 {add = true, strides = array<i32>} : memref<1x56x384xf32, #tpu.memory_space<vmem>>, vector<1x1x16xf32>,
        %get3A_251 = arith.constant 0 : i32
        %get3A_252 = arith.index_cast %get3A_251 : i32 to index
        %get3A_253 = arith.index_cast %scan3A_174 : i32 to index
        %get3A_254 = arith.constant 96 : index
        %get3A_255 = tpu.vector_load %arg12[%get3A_252, %get3A_253, %get3A_254] {strides = array<i32>} : memref<1x56x384xf32, #tpu.memory_space<vmem>>, vector<1x1x16xf32>,
        %get3A_256 = vector.shape_cast %get3A_255 : vector<1x1x16xf32> to vector<16xf32>
        %swap3A_257 = arith.constant 0 : i32
        %swap3A_258 = arith.index_cast %swap3A_257 : i32 to index
        %swap3A_259 = arith.index_cast %scan3A_174 : i32 to index
        %swap3A_260 = arith.constant 96 : index
        %swap3A_261 = tpu.vector_load %arg10[%swap3A_258, %swap3A_259, %swap3A_260] {strides = array<i32>} : memref<1x56x384xf32, #tpu.memory_space<vmem>>, vector<1x1x16xf32>,
        %swap3A_262 = vector.shape_cast %swap3A_261 : vector<1x1x16xf32> to vector<16xf32>
        %swap3A_263 = vector.shape_cast %get3A_256 : vector<16xf32> to vector<1x1x16xf32>
        tpu.vector_store %arg10[%swap3A_258, %swap3A_259, %swap3A_260], %swap3A_263 {add = true, strides = array<i32>} : memref<1x56x384xf32, #tpu.memory_space<vmem>>, vector<1x1x16xf32>,
        %get3A_264 = arith.constant 0 : i32
        %get3A_265 = arith.index_cast %get3A_264 : i32 to index
        %get3A_266 = arith.index_cast %scan3A_174 : i32 to index
        %get3A_267 = arith.constant 112 : index
        %get3A_268 = tpu.vector_load %arg12[%get3A_265, %get3A_266, %get3A_267] {strides = array<i32>} : memref<1x56x384xf32, #tpu.memory_space<vmem>>, vector<1x1x16xf32>,
        %get3A_269 = vector.shape_cast %get3A_268 : vector<1x1x16xf32> to vector<16xf32>
        %swap3A_270 = arith.constant 0 : i32
        %swap3A_271 = arith.index_cast %swap3A_270 : i32 to index
        %swap3A_272 = arith.index_cast %scan3A_174 : i32 to index
        %swap3A_273 = arith.constant 112 : index
        %swap3A_274 = tpu.vector_load %arg10[%swap3A_271, %swap3A_272, %swap3A_273] {strides = array<i32>} : memref<1x56x384xf32, #tpu.memory_space<vmem>>, vector<1x1x16xf32>,
        %swap3A_275 = vector.shape_cast %swap3A_274 : vector<1x1x16xf32> to vector<16xf32>
        %swap3A_276 = vector.shape_cast %get3A_269 : vector<16xf32> to vector<1x1x16xf32>
        tpu.vector_store %arg10[%swap3A_271, %swap3A_272, %swap3A_273], %swap3A_276 {add = true, strides = array<i32>} : memref<1x56x384xf32, #tpu.memory_space<vmem>>, vector<1x1x16xf32>,
        %get3A_277 = arith.constant 0 : i32
        %get3A_278 = arith.index_cast %get3A_277 : i32 to index
        %get3A_279 = arith.index_cast %scan3A_174 : i32 to index
        %get3A_280 = arith.constant 128 : index
        %get3A_281 = tpu.vector_load %arg12[%get3A_278, %get3A_279, %get3A_280] {strides = array<i32>} : memref<1x56x384xf32, #tpu.memory_space<vmem>>, vector<1x1x16xf32>,
        %get3A_282 = vector.shape_cast %get3A_281 : vector<1x1x16xf32> to vector<16xf32>
        %swap3A_283 = arith.constant 0 : i32
        %swap3A_284 = arith.index_cast %swap3A_283 : i32 to index
        %swap3A_285 = arith.index_cast %scan3A_174 : i32 to index
        %swap3A_286 = arith.constant 128 : index
        %swap3A_287 = tpu.vector_load %arg10[%swap3A_284, %swap3A_285, %swap3A_286] {strides = array<i32>} : memref<1x56x384xf32, #tpu.memory_space<vmem>>, vector<1x1x16xf32>,
        %swap3A_288 = vector.shape_cast %swap3A_287 : vector<1x1x16xf32> to vector<16xf32>
        %swap3A_289 = vector.shape_cast %get3A_282 : vector<16xf32> to vector<1x1x16xf32>
        tpu.vector_store %arg10[%swap3A_284, %swap3A_285, %swap3A_286], %swap3A_289 {add = true, strides = array<i32>} : memref<1x56x384xf32, #tpu.memory_space<vmem>>, vector<1x1x16xf32>,
        %get3A_290 = arith.constant 0 : i32
        %get3A_291 = arith.index_cast %get3A_290 : i32 to index
        %get3A_292 = arith.index_cast %scan3A_174 : i32 to index
        %get3A_293 = arith.constant 144 : index
        %get3A_294 = tpu.vector_load %arg12[%get3A_291, %get3A_292, %get3A_293] {strides = array<i32>} : memref<1x56x384xf32, #tpu.memory_space<vmem>>, vector<1x1x16xf32>,
        %get3A_295 = vector.shape_cast %get3A_294 : vector<1x1x16xf32> to vector<16xf32>
        %swap3A_296 = arith.constant 0 : i32
        %swap3A_297 = arith.index_cast %swap3A_296 : i32 to index
        %swap3A_298 = arith.index_cast %scan3A_174 : i32 to index
        %swap3A_299 = arith.constant 144 : index
        %swap3A_300 = tpu.vector_load %arg10[%swap3A_297, %swap3A_298, %swap3A_299] {strides = array<i32>} : memref<1x56x384xf32, #tpu.memory_space<vmem>>, vector<1x1x16xf32>,
        %swap3A_301 = vector.shape_cast %swap3A_300 : vector<1x1x16xf32> to vector<16xf32>
        %swap3A_302 = vector.shape_cast %get3A_295 : vector<16xf32> to vector<1x1x16xf32>
        tpu.vector_store %arg10[%swap3A_297, %swap3A_298, %swap3A_299], %swap3A_302 {add = true, strides = array<i32>} : memref<1x56x384xf32, #tpu.memory_space<vmem>>, vector<1x1x16xf32>,
        %get3A_303 = arith.constant 0 : i32
        %get3A_304 = arith.index_cast %get3A_303 : i32 to index
        %get3A_305 = arith.index_cast %scan3A_174 : i32 to index
        %get3A_306 = arith.constant 160 : index
        %get3A_307 = tpu.vector_load %arg12[%get3A_304, %get3A_305, %get3A_306] {strides = array<i32>} : memref<1x56x384xf32, #tpu.memory_space<vmem>>, vector<1x1x16xf32>,
        %get3A_308 = vector.shape_cast %get3A_307 : vector<1x1x16xf32> to vector<16xf32>
        %swap3A_309 = arith.constant 0 : i32
        %swap3A_310 = arith.index_cast %swap3A_309 : i32 to index
        %swap3A_311 = arith.index_cast %scan3A_174 : i32 to index
        %swap3A_312 = arith.constant 160 : index
        %swap3A_313 = tpu.vector_load %arg10[%swap3A_310, %swap3A_311, %swap3A_312] {strides = array<i32>} : memref<1x56x384xf32, #tpu.memory_space<vmem>>, vector<1x1x16xf32>,
        %swap3A_314 = vector.shape_cast %swap3A_313 : vector<1x1x16xf32> to vector<16xf32>
        %swap3A_315 = vector.shape_cast %get3A_308 : vector<16xf32> to vector<1x1x16xf32>
        tpu.vector_store %arg10[%swap3A_310, %swap3A_311, %swap3A_312], %swap3A_315 {add = true, strides = array<i32>} : memref<1x56x384xf32, #tpu.memory_space<vmem>>, vector<1x1x16xf32>,
        %get3A_316 = arith.constant 0 : i32
        %get3A_317 = arith.index_cast %get3A_316 : i32 to index
        %get3A_318 = arith.index_cast %scan3A_174 : i32 to index
        %get3A_319 = arith.constant 176 : index
        %get3A_320 = tpu.vector_load %arg12[%get3A_317, %get3A_318, %get3A_319] {strides = array<i32>} : memref<1x56x384xf32, #tpu.memory_space<vmem>>, vector<1x1x16xf32>,
        %get3A_321 = vector.shape_cast %get3A_320 : vector<1x1x16xf32> to vector<16xf32>
        %swap3A_322 = arith.constant 0 : i32
        %swap3A_323 = arith.index_cast %swap3A_322 : i32 to index
        %swap3A_324 = arith.index_cast %scan3A_174 : i32 to index
        %swap3A_325 = arith.constant 176 : index
        %swap3A_326 = tpu.vector_load %arg10[%swap3A_323, %swap3A_324, %swap3A_325] {strides = array<i32>} : memref<1x56x384xf32, #tpu.memory_space<vmem>>, vector<1x1x16xf32>,
        %swap3A_327 = vector.shape_cast %swap3A_326 : vector<1x1x16xf32> to vector<16xf32>
        %swap3A_328 = vector.shape_cast %get3A_321 : vector<16xf32> to vector<1x1x16xf32>
        tpu.vector_store %arg10[%swap3A_323, %swap3A_324, %swap3A_325], %swap3A_328 {add = true, strides = array<i32>} : memref<1x56x384xf32, #tpu.memory_space<vmem>>, vector<1x1x16xf32>,
        %get3A_329 = arith.constant 0 : i32
        %get3A_330 = arith.index_cast %get3A_329 : i32 to index
        %get3A_331 = arith.index_cast %scan3A_174 : i32 to index
        %get3A_332 = arith.constant 192 : index
        %get3A_333 = tpu.vector_load %arg12[%get3A_330, %get3A_331, %get3A_332] {strides = array<i32>} : memref<1x56x384xf32, #tpu.memory_space<vmem>>, vector<1x1x16xf32>,
        %get3A_334 = vector.shape_cast %get3A_333 : vector<1x1x16xf32> to vector<16xf32>
        %swap3A_335 = arith.constant 0 : i32
        %swap3A_336 = arith.index_cast %swap3A_335 : i32 to index
        %swap3A_337 = arith.index_cast %scan3A_174 : i32 to index
        %swap3A_338 = arith.constant 192 : index
        %swap3A_339 = tpu.vector_load %arg10[%swap3A_336, %swap3A_337, %swap3A_338] {strides = array<i32>} : memref<1x56x384xf32, #tpu.memory_space<vmem>>, vector<1x1x16xf32>,
        %swap3A_340 = vector.shape_cast %swap3A_339 : vector<1x1x16xf32> to vector<16xf32>
        %swap3A_341 = vector.shape_cast %get3A_334 : vector<16xf32> to vector<1x1x16xf32>
        tpu.vector_store %arg10[%swap3A_336, %swap3A_337, %swap3A_338], %swap3A_341 {add = true, strides = array<i32>} : memref<1x56x384xf32, #tpu.memory_space<vmem>>, vector<1x1x16xf32>,
        %get3A_342 = arith.constant 0 : i32
        %get3A_343 = arith.index_cast %get3A_342 : i32 to index
        %get3A_344 = arith.index_cast %scan3A_174 : i32 to index
        %get3A_345 = arith.constant 208 : index
        %get3A_346 = tpu.vector_load %arg12[%get3A_343, %get3A_344, %get3A_345] {strides = array<i32>} : memref<1x56x384xf32, #tpu.memory_space<vmem>>, vector<1x1x16xf32>,
        %get3A_347 = vector.shape_cast %get3A_346 : vector<1x1x16xf32> to vector<16xf32>
        %swap3A_348 = arith.constant 0 : i32
        %swap3A_349 = arith.index_cast %swap3A_348 : i32 to index
        %swap3A_350 = arith.index_cast %scan3A_174 : i32 to index
        %swap3A_351 = arith.constant 208 : index
        %swap3A_352 = tpu.vector_load %arg10[%swap3A_349, %swap3A_350, %swap3A_351] {strides = array<i32>} : memref<1x56x384xf32, #tpu.memory_space<vmem>>, vector<1x1x16xf32>,
        %swap3A_353 = vector.shape_cast %swap3A_352 : vector<1x1x16xf32> to vector<16xf32>
        %swap3A_354 = vector.shape_cast %get3A_347 : vector<16xf32> to vector<1x1x16xf32>
        tpu.vector_store %arg10[%swap3A_349, %swap3A_350, %swap3A_351], %swap3A_354 {add = true, strides = array<i32>} : memref<1x56x384xf32, #tpu.memory_space<vmem>>, vector<1x1x16xf32>,
        %get3A_355 = arith.constant 0 : i32
        %get3A_356 = arith.index_cast %get3A_355 : i32 to index
        %get3A_357 = arith.index_cast %scan3A_174 : i32 to index
        %get3A_358 = arith.constant 224 : index
        %get3A_359 = tpu.vector_load %arg12[%get3A_356, %get3A_357, %get3A_358] {strides = array<i32>} : memref<1x56x384xf32, #tpu.memory_space<vmem>>, vector<1x1x16xf32>,
        %get3A_360 = vector.shape_cast %get3A_359 : vector<1x1x16xf32> to vector<16xf32>
        %swap3A_361 = arith.constant 0 : i32
        %swap3A_362 = arith.index_cast %swap3A_361 : i32 to index
        %swap3A_363 = arith.index_cast %scan3A_174 : i32 to index
        %swap3A_364 = arith.constant 224 : index
        %swap3A_365 = tpu.vector_load %arg10[%swap3A_362, %swap3A_363, %swap3A_364] {strides = array<i32>} : memref<1x56x384xf32, #tpu.memory_space<vmem>>, vector<1x1x16xf32>,
        %swap3A_366 = vector.shape_cast %swap3A_365 : vector<1x1x16xf32> to vector<16xf32>
        %swap3A_367 = vector.shape_cast %get3A_360 : vector<16xf32> to vector<1x1x16xf32>
        tpu.vector_store %arg10[%swap3A_362, %swap3A_363, %swap3A_364], %swap3A_367 {add = true, strides = array<i32>} : memref<1x56x384xf32, #tpu.memory_space<vmem>>, vector<1x1x16xf32>,
        %get3A_368 = arith.constant 0 : i32
        %get3A_369 = arith.index_cast %get3A_368 : i32 to index
        %get3A_370 = arith.index_cast %scan3A_174 : i32 to index
        %get3A_371 = arith.constant 240 : index
        %get3A_372 = tpu.vector_load %arg12[%get3A_369, %get3A_370, %get3A_371] {strides = array<i32>} : memref<1x56x384xf32, #tpu.memory_space<vmem>>, vector<1x1x16xf32>,
        %get3A_373 = vector.shape_cast %get3A_372 : vector<1x1x16xf32> to vector<16xf32>
        %swap3A_374 = arith.constant 0 : i32
        %swap3A_375 = arith.index_cast %swap3A_374 : i32 to index
        %swap3A_376 = arith.index_cast %scan3A_174 : i32 to index
        %swap3A_377 = arith.constant 240 : index
        %swap3A_378 = tpu.vector_load %arg10[%swap3A_375, %swap3A_376, %swap3A_377] {strides = array<i32>} : memref<1x56x384xf32, #tpu.memory_space<vmem>>, vector<1x1x16xf32>,
        %swap3A_379 = vector.shape_cast %swap3A_378 : vector<1x1x16xf32> to vector<16xf32>
        %swap3A_380 = vector.shape_cast %get3A_373 : vector<16xf32> to vector<1x1x16xf32>
        tpu.vector_store %arg10[%swap3A_375, %swap3A_376, %swap3A_377], %swap3A_380 {add = true, strides = array<i32>} : memref<1x56x384xf32, #tpu.memory_space<vmem>>, vector<1x1x16xf32>,
        %get3A_381 = arith.constant 0 : i32
        %get3A_382 = arith.index_cast %get3A_381 : i32 to index
        %get3A_383 = arith.index_cast %scan3A_174 : i32 to index
        %get3A_384 = arith.constant 256 : index
        %get3A_385 = tpu.vector_load %arg12[%get3A_382, %get3A_383, %get3A_384] {strides = array<i32>} : memref<1x56x384xf32, #tpu.memory_space<vmem>>, vector<1x1x16xf32>,
        %get3A_386 = vector.shape_cast %get3A_385 : vector<1x1x16xf32> to vector<16xf32>
        %swap3A_387 = arith.constant 0 : i32
        %swap3A_388 = arith.index_cast %swap3A_387 : i32 to index
        %swap3A_389 = arith.index_cast %scan3A_174 : i32 to index
        %swap3A_390 = arith.constant 256 : index
        %swap3A_391 = tpu.vector_load %arg10[%swap3A_388, %swap3A_389, %swap3A_390] {strides = array<i32>} : memref<1x56x384xf32, #tpu.memory_space<vmem>>, vector<1x1x16xf32>,
        %swap3A_392 = vector.shape_cast %swap3A_391 : vector<1x1x16xf32> to vector<16xf32>
        %swap3A_393 = vector.shape_cast %get3A_386 : vector<16xf32> to vector<1x1x16xf32>
        tpu.vector_store %arg10[%swap3A_388, %swap3A_389, %swap3A_390], %swap3A_393 {add = true, strides = array<i32>} : memref<1x56x384xf32, #tpu.memory_space<vmem>>, vector<1x1x16xf32>,
        %get3A_394 = arith.constant 0 : i32
        %get3A_395 = arith.index_cast %get3A_394 : i32 to index
        %get3A_396 = arith.index_cast %scan3A_174 : i32 to index
        %get3A_397 = arith.constant 272 : index
        %get3A_398 = tpu.vector_load %arg12[%get3A_395, %get3A_396, %get3A_397] {strides = array<i32>} : memref<1x56x384xf32, #tpu.memory_space<vmem>>, vector<1x1x16xf32>,
        %get3A_399 = vector.shape_cast %get3A_398 : vector<1x1x16xf32> to vector<16xf32>
        %swap3A_400 = arith.constant 0 : i32
        %swap3A_401 = arith.index_cast %swap3A_400 : i32 to index
        %swap3A_402 = arith.index_cast %scan3A_174 : i32 to index
        %swap3A_403 = arith.constant 272 : index
        %swap3A_404 = tpu.vector_load %arg10[%swap3A_401, %swap3A_402, %swap3A_403] {strides = array<i32>} : memref<1x56x384xf32, #tpu.memory_space<vmem>>, vector<1x1x16xf32>,
        %swap3A_405 = vector.shape_cast %swap3A_404 : vector<1x1x16xf32> to vector<16xf32>
        %swap3A_406 = vector.shape_cast %get3A_399 : vector<16xf32> to vector<1x1x16xf32>
        tpu.vector_store %arg10[%swap3A_401, %swap3A_402, %swap3A_403], %swap3A_406 {add = true, strides = array<i32>} : memref<1x56x384xf32, #tpu.memory_space<vmem>>, vector<1x1x16xf32>,
        %get3A_407 = arith.constant 0 : i32
        %get3A_408 = arith.index_cast %get3A_407 : i32 to index
        %get3A_409 = arith.index_cast %scan3A_174 : i32 to index
        %get3A_410 = arith.constant 288 : index
        %get3A_411 = tpu.vector_load %arg12[%get3A_408, %get3A_409, %get3A_410] {strides = array<i32>} : memref<1x56x384xf32, #tpu.memory_space<vmem>>, vector<1x1x16xf32>,
        %get3A_412 = vector.shape_cast %get3A_411 : vector<1x1x16xf32> to vector<16xf32>
        %swap3A_413 = arith.constant 0 : i32
        %swap3A_414 = arith.index_cast %swap3A_413 : i32 to index
        %swap3A_415 = arith.index_cast %scan3A_174 : i32 to index
        %swap3A_416 = arith.constant 288 : index
        %swap3A_417 = tpu.vector_load %arg10[%swap3A_414, %swap3A_415, %swap3A_416] {strides = array<i32>} : memref<1x56x384xf32, #tpu.memory_space<vmem>>, vector<1x1x16xf32>,
        %swap3A_418 = vector.shape_cast %swap3A_417 : vector<1x1x16xf32> to vector<16xf32>
        %swap3A_419 = vector.shape_cast %get3A_412 : vector<16xf32> to vector<1x1x16xf32>
        tpu.vector_store %arg10[%swap3A_414, %swap3A_415, %swap3A_416], %swap3A_419 {add = true, strides = array<i32>} : memref<1x56x384xf32, #tpu.memory_space<vmem>>, vector<1x1x16xf32>,
        %get3A_420 = arith.constant 0 : i32
        %get3A_421 = arith.index_cast %get3A_420 : i32 to index
        %get3A_422 = arith.index_cast %scan3A_174 : i32 to index
        %get3A_423 = arith.constant 304 : index
        %get3A_424 = tpu.vector_load %arg12[%get3A_421, %get3A_422, %get3A_423] {strides = array<i32>} : memref<1x56x384xf32, #tpu.memory_space<vmem>>, vector<1x1x16xf32>,
        %get3A_425 = vector.shape_cast %get3A_424 : vector<1x1x16xf32> to vector<16xf32>
        %swap3A_426 = arith.constant 0 : i32
        %swap3A_427 = arith.index_cast %swap3A_426 : i32 to index
        %swap3A_428 = arith.index_cast %scan3A_174 : i32 to index
        %swap3A_429 = arith.constant 304 : index
        %swap3A_430 = tpu.vector_load %arg10[%swap3A_427, %swap3A_428, %swap3A_429] {strides = array<i32>} : memref<1x56x384xf32, #tpu.memory_space<vmem>>, vector<1x1x16xf32>,
        %swap3A_431 = vector.shape_cast %swap3A_430 : vector<1x1x16xf32> to vector<16xf32>
        %swap3A_432 = vector.shape_cast %get3A_425 : vector<16xf32> to vector<1x1x16xf32>
        tpu.vector_store %arg10[%swap3A_427, %swap3A_428, %swap3A_429], %swap3A_432 {add = true, strides = array<i32>} : memref<1x56x384xf32, #tpu.memory_space<vmem>>, vector<1x1x16xf32>,
        %get3A_433 = arith.constant 0 : i32
        %get3A_434 = arith.index_cast %get3A_433 : i32 to index
        %get3A_435 = arith.index_cast %scan3A_174 : i32 to index
        %get3A_436 = arith.constant 320 : index
        %get3A_437 = tpu.vector_load %arg12[%get3A_434, %get3A_435, %get3A_436] {strides = array<i32>} : memref<1x56x384xf32, #tpu.memory_space<vmem>>, vector<1x1x16xf32>,
        %get3A_438 = vector.shape_cast %get3A_437 : vector<1x1x16xf32> to vector<16xf32>
        %swap3A_439 = arith.constant 0 : i32
        %swap3A_440 = arith.index_cast %swap3A_439 : i32 to index
        %swap3A_441 = arith.index_cast %scan3A_174 : i32 to index
        %swap3A_442 = arith.constant 320 : index
        %swap3A_443 = tpu.vector_load %arg10[%swap3A_440, %swap3A_441, %swap3A_442] {strides = array<i32>} : memref<1x56x384xf32, #tpu.memory_space<vmem>>, vector<1x1x16xf32>,
        %swap3A_444 = vector.shape_cast %swap3A_443 : vector<1x1x16xf32> to vector<16xf32>
        %swap3A_445 = vector.shape_cast %get3A_438 : vector<16xf32> to vector<1x1x16xf32>
        tpu.vector_store %arg10[%swap3A_440, %swap3A_441, %swap3A_442], %swap3A_445 {add = true, strides = array<i32>} : memref<1x56x384xf32, #tpu.memory_space<vmem>>, vector<1x1x16xf32>,
        %get3A_446 = arith.constant 0 : i32
        %get3A_447 = arith.index_cast %get3A_446 : i32 to index
        %get3A_448 = arith.index_cast %scan3A_174 : i32 to index
        %get3A_449 = arith.constant 336 : index
        %get3A_450 = tpu.vector_load %arg12[%get3A_447, %get3A_448, %get3A_449] {strides = array<i32>} : memref<1x56x384xf32, #tpu.memory_space<vmem>>, vector<1x1x16xf32>,
        %get3A_451 = vector.shape_cast %get3A_450 : vector<1x1x16xf32> to vector<16xf32>
        %swap3A_452 = arith.constant 0 : i32
        %swap3A_453 = arith.index_cast %swap3A_452 : i32 to index
        %swap3A_454 = arith.index_cast %scan3A_174 : i32 to index
        %swap3A_455 = arith.constant 336 : index
        %swap3A_456 = tpu.vector_load %arg10[%swap3A_453, %swap3A_454, %swap3A_455] {strides = array<i32>} : memref<1x56x384xf32, #tpu.memory_space<vmem>>, vector<1x1x16xf32>,
        %swap3A_457 = vector.shape_cast %swap3A_456 : vector<1x1x16xf32> to vector<16xf32>
        %swap3A_458 = vector.shape_cast %get3A_451 : vector<16xf32> to vector<1x1x16xf32>
        tpu.vector_store %arg10[%swap3A_453, %swap3A_454, %swap3A_455], %swap3A_458 {add = true, strides = array<i32>} : memref<1x56x384xf32, #tpu.memory_space<vmem>>, vector<1x1x16xf32>,
        %get3A_459 = arith.constant 0 : i32
        %get3A_460 = arith.index_cast %get3A_459 : i32 to index
        %get3A_461 = arith.index_cast %scan3A_174 : i32 to index
        %get3A_462 = arith.constant 352 : index
        %get3A_463 = tpu.vector_load %arg12[%get3A_460, %get3A_461, %get3A_462] {strides = array<i32>} : memref<1x56x384xf32, #tpu.memory_space<vmem>>, vector<1x1x16xf32>,
        %get3A_464 = vector.shape_cast %get3A_463 : vector<1x1x16xf32> to vector<16xf32>
        %swap3A_465 = arith.constant 0 : i32
        %swap3A_466 = arith.index_cast %swap3A_465 : i32 to index
        %swap3A_467 = arith.index_cast %scan3A_174 : i32 to index
        %swap3A_468 = arith.constant 352 : index
        %swap3A_469 = tpu.vector_load %arg10[%swap3A_466, %swap3A_467, %swap3A_468] {strides = array<i32>} : memref<1x56x384xf32, #tpu.memory_space<vmem>>, vector<1x1x16xf32>,
        %swap3A_470 = vector.shape_cast %swap3A_469 : vector<1x1x16xf32> to vector<16xf32>
        %swap3A_471 = vector.shape_cast %get3A_464 : vector<16xf32> to vector<1x1x16xf32>
        tpu.vector_store %arg10[%swap3A_466, %swap3A_467, %swap3A_468], %swap3A_471 {add = true, strides = array<i32>} : memref<1x56x384xf32, #tpu.memory_space<vmem>>, vector<1x1x16xf32>,
        %get3A_472 = arith.constant 0 : i32
        %get3A_473 = arith.index_cast %get3A_472 : i32 to index
        %get3A_474 = arith.index_cast %scan3A_174 : i32 to index
        %get3A_475 = arith.constant 368 : index
        %get3A_476 = tpu.vector_load %arg12[%get3A_473, %get3A_474, %get3A_475] {strides = array<i32>} : memref<1x56x384xf32, #tpu.memory_space<vmem>>, vector<1x1x16xf32>,
        %get3A_477 = vector.shape_cast %get3A_476 : vector<1x1x16xf32> to vector<16xf32>
        %swap3A_478 = arith.constant 0 : i32
        %swap3A_479 = arith.index_cast %swap3A_478 : i32 to index
        %swap3A_480 = arith.index_cast %scan3A_174 : i32 to index
        %swap3A_481 = arith.constant 368 : index
        %swap3A_482 = tpu.vector_load %arg10[%swap3A_479, %swap3A_480, %swap3A_481] {strides = array<i32>} : memref<1x56x384xf32, #tpu.memory_space<vmem>>, vector<1x1x16xf32>,
        %swap3A_483 = vector.shape_cast %swap3A_482 : vector<1x1x16xf32> to vector<16xf32>
        %swap3A_484 = vector.shape_cast %get3A_477 : vector<16xf32> to vector<1x1x16xf32>
        tpu.vector_store %arg10[%swap3A_479, %swap3A_480, %swap3A_481], %swap3A_484 {add = true, strides = array<i32>} : memref<1x56x384xf32, #tpu.memory_space<vmem>>, vector<1x1x16xf32>,
        %scan3A_485 = arith.constant 1 : i32
        %scan3A_486 = arith.addi %scan3A_174, %scan3A_485 : i32
        %get3A_487 = arith.constant 0 : i32
        %get3A_488 = arith.index_cast %get3A_487 : i32 to index
        %get3A_489 = arith.index_cast %scan3A_486 : i32 to index
        %get3A_490 = arith.constant 0 : index
        %get3A_491 = tpu.vector_load %arg12[%get3A_488, %get3A_489, %get3A_490] {strides = array<i32>} : memref<1x56x384xf32, #tpu.memory_space<vmem>>, vector<1x1x16xf32>,
        %get3A_492 = vector.shape_cast %get3A_491 : vector<1x1x16xf32> to vector<16xf32>
        %swap3A_493 = arith.constant 0 : i32
        %swap3A_494 = arith.index_cast %swap3A_493 : i32 to index
        %swap3A_495 = arith.index_cast %scan3A_486 : i32 to index
        %swap3A_496 = arith.constant 0 : index
        %swap3A_497 = tpu.vector_load %arg10[%swap3A_494, %swap3A_495, %swap3A_496] {strides = array<i32>} : memref<1x56x384xf32, #tpu.memory_space<vmem>>, vector<1x1x16xf32>,
        %swap3A_498 = vector.shape_cast %swap3A_497 : vector<1x1x16xf32> to vector<16xf32>
        %swap3A_499 = vector.shape_cast %get3A_492 : vector<16xf32> to vector<1x1x16xf32>
        tpu.vector_store %arg10[%swap3A_494, %swap3A_495, %swap3A_496], %swap3A_499 {add = true, strides = array<i32>} : memref<1x56x384xf32, #tpu.memory_space<vmem>>, vector<1x1x16xf32>,
        %get3A_500 = arith.constant 0 : i32
        %get3A_501 = arith.index_cast %get3A_500 : i32 to index
        %get3A_502 = arith.index_cast %scan3A_486 : i32 to index
        %get3A_503 = arith.constant 16 : index
        %get3A_504 = tpu.vector_load %arg12[%get3A_501, %get3A_502, %get3A_503] {strides = array<i32>} : memref<1x56x384xf32, #tpu.memory_space<vmem>>, vector<1x1x16xf32>,
        %get3A_505 = vector.shape_cast %get3A_504 : vector<1x1x16xf32> to vector<16xf32>
        %swap3A_506 = arith.constant 0 : i32
        %swap3A_507 = arith.index_cast %swap3A_506 : i32 to index
        %swap3A_508 = arith.index_cast %scan3A_486 : i32 to index
        %swap3A_509 = arith.constant 16 : index
        %swap3A_510 = tpu.vector_load %arg10[%swap3A_507, %swap3A_508, %swap3A_509] {strides = array<i32>} : memref<1x56x384xf32, #tpu.memory_space<vmem>>, vector<1x1x16xf32>,
        %swap3A_511 = vector.shape_cast %swap3A_510 : vector<1x1x16xf32> to vector<16xf32>
        %swap3A_512 = vector.shape_cast %get3A_505 : vector<16xf32> to vector<1x1x16xf32>
        tpu.vector_store %arg10[%swap3A_507, %swap3A_508, %swap3A_509], %swap3A_512 {add = true, strides = array<i32>} : memref<1x56x384xf32, #tpu.memory_space<vmem>>, vector<1x1x16xf32>,
        %get3A_513 = arith.constant 0 : i32
        %get3A_514 = arith.index_cast %get3A_513 : i32 to index
        %get3A_515 = arith.index_cast %scan3A_486 : i32 to index
        %get3A_516 = arith.constant 32 : index
        %get3A_517 = tpu.vector_load %arg12[%get3A_514, %get3A_515, %get3A_516] {strides = array<i32>} : memref<1x56x384xf32, #tpu.memory_space<vmem>>, vector<1x1x16xf32>,
        %get3A_518 = vector.shape_cast %get3A_517 : vector<1x1x16xf32> to vector<16xf32>
        %swap3A_519 = arith.constant 0 : i32
        %swap3A_520 = arith.index_cast %swap3A_519 : i32 to index
        %swap3A_521 = arith.index_cast %scan3A_486 : i32 to index
        %swap3A_522 = arith.constant 32 : index
        %swap3A_523 = tpu.vector_load %arg10[%swap3A_520, %swap3A_521, %swap3A_522] {strides = array<i32>} : memref<1x56x384xf32, #tpu.memory_space<vmem>>, vector<1x1x16xf32>,
        %swap3A_524 = vector.shape_cast %swap3A_523 : vector<1x1x16xf32> to vector<16xf32>
        %swap3A_525 = vector.shape_cast %get3A_518 : vector<16xf32> to vector<1x1x16xf32>
        tpu.vector_store %arg10[%swap3A_520, %swap3A_521, %swap3A_522], %swap3A_525 {add = true, strides = array<i32>} : memref<1x56x384xf32, #tpu.memory_space<vmem>>, vector<1x1x16xf32>,
        %get3A_526 = arith.constant 0 : i32
        %get3A_527 = arith.index_cast %get3A_526 : i32 to index
        %get3A_528 = arith.index_cast %scan3A_486 : i32 to index
        %get3A_529 = arith.constant 48 : index
        %get3A_530 = tpu.vector_load %arg12[%get3A_527, %get3A_528, %get3A_529] {strides = array<i32>} : memref<1x56x384xf32, #tpu.memory_space<vmem>>, vector<1x1x16xf32>,
        %get3A_531 = vector.shape_cast %get3A_530 : vector<1x1x16xf32> to vector<16xf32>
        %swap3A_532 = arith.constant 0 : i32
        %swap3A_533 = arith.index_cast %swap3A_532 : i32 to index
        %swap3A_534 = arith.index_cast %scan3A_486 : i32 to index
        %swap3A_535 = arith.constant 48 : index
        %swap3A_536 = tpu.vector_load %arg10[%swap3A_533, %swap3A_534, %swap3A_535] {strides = array<i32>} : memref<1x56x384xf32, #tpu.memory_space<vmem>>, vector<1x1x16xf32>,
        %swap3A_537 = vector.shape_cast %swap3A_536 : vector<1x1x16xf32> to vector<16xf32>
        %swap3A_538 = vector.shape_cast %get3A_531 : vector<16xf32> to vector<1x1x16xf32>
        tpu.vector_store %arg10[%swap3A_533, %swap3A_534, %swap3A_535], %swap3A_538 {add = true, strides = array<i32>} : memref<1x56x384xf32, #tpu.memory_space<vmem>>, vector<1x1x16xf32>,
        %get3A_539 = arith.constant 0 : i32
        %get3A_540 = arith.index_cast %get3A_539 : i32 to index
        %get3A_541 = arith.index_cast %scan3A_486 : i32 to index
        %get3A_542 = arith.constant 64 : index
        %get3A_543 = tpu.vector_load %arg12[%get3A_540, %get3A_541, %get3A_542] {strides = array<i32>} : memref<1x56x384xf32, #tpu.memory_space<vmem>>, vector<1x1x16xf32>,
        %get3A_544 = vector.shape_cast %get3A_543 : vector<1x1x16xf32> to vector<16xf32>
        %swap3A_545 = arith.constant 0 : i32
        %swap3A_546 = arith.index_cast %swap3A_545 : i32 to index
        %swap3A_547 = arith.index_cast %scan3A_486 : i32 to index
        %swap3A_548 = arith.constant 64 : index
        %swap3A_549 = tpu.vector_load %arg10[%swap3A_546, %swap3A_547, %swap3A_548] {strides = array<i32>} : memref<1x56x384xf32, #tpu.memory_space<vmem>>, vector<1x1x16xf32>,
        %swap3A_550 = vector.shape_cast %swap3A_549 : vector<1x1x16xf32> to vector<16xf32>
        %swap3A_551 = vector.shape_cast %get3A_544 : vector<16xf32> to vector<1x1x16xf32>
        tpu.vector_store %arg10[%swap3A_546, %swap3A_547, %swap3A_548], %swap3A_551 {add = true, strides = array<i32>} : memref<1x56x384xf32, #tpu.memory_space<vmem>>, vector<1x1x16xf32>,
        %get3A_552 = arith.constant 0 : i32
        %get3A_553 = arith.index_cast %get3A_552 : i32 to index
        %get3A_554 = arith.index_cast %scan3A_486 : i32 to index
        %get3A_555 = arith.constant 80 : index
        %get3A_556 = tpu.vector_load %arg12[%get3A_553, %get3A_554, %get3A_555] {strides = array<i32>} : memref<1x56x384xf32, #tpu.memory_space<vmem>>, vector<1x1x16xf32>,
        %get3A_557 = vector.shape_cast %get3A_556 : vector<1x1x16xf32> to vector<16xf32>
        %swap3A_558 = arith.constant 0 : i32
        %swap3A_559 = arith.index_cast %swap3A_558 : i32 to index
        %swap3A_560 = arith.index_cast %scan3A_486 : i32 to index
        %swap3A_561 = arith.constant 80 : index
        %swap3A_562 = tpu.vector_load %arg10[%swap3A_559, %swap3A_560, %swap3A_561] {strides = array<i32>} : memref<1x56x384xf32, #tpu.memory_space<vmem>>, vector<1x1x16xf32>,
        %swap3A_563 = vector.shape_cast %swap3A_562 : vector<1x1x16xf32> to vector<16xf32>
        %swap3A_564 = vector.shape_cast %get3A_557 : vector<16xf32> to vector<1x1x16xf32>
        tpu.vector_store %arg10[%swap3A_559, %swap3A_560, %swap3A_561], %swap3A_564 {add = true, strides = array<i32>} : memref<1x56x384xf32, #tpu.memory_space<vmem>>, vector<1x1x16xf32>,
        %get3A_565 = arith.constant 0 : i32
        %get3A_566 = arith.index_cast %get3A_565 : i32 to index
        %get3A_567 = arith.index_cast %scan3A_486 : i32 to index
        %get3A_568 = arith.constant 96 : index
        %get3A_569 = tpu.vector_load %arg12[%get3A_566, %get3A_567, %get3A_568] {strides = array<i32>} : memref<1x56x384xf32, #tpu.memory_space<vmem>>, vector<1x1x16xf32>,
        %get3A_570 = vector.shape_cast %get3A_569 : vector<1x1x16xf32> to vector<16xf32>
        %swap3A_571 = arith.constant 0 : i32
        %swap3A_572 = arith.index_cast %swap3A_571 : i32 to index
        %swap3A_573 = arith.index_cast %scan3A_486 : i32 to index
        %swap3A_574 = arith.constant 96 : index
        %swap3A_575 = tpu.vector_load %arg10[%swap3A_572, %swap3A_573, %swap3A_574] {strides = array<i32>} : memref<1x56x384xf32, #tpu.memory_space<vmem>>, vector<1x1x16xf32>,
        %swap3A_576 = vector.shape_cast %swap3A_575 : vector<1x1x16xf32> to vector<16xf32>
        %swap3A_577 = vector.shape_cast %get3A_570 : vector<16xf32> to vector<1x1x16xf32>
        tpu.vector_store %arg10[%swap3A_572, %swap3A_573, %swap3A_574], %swap3A_577 {add = true, strides = array<i32>} : memref<1x56x384xf32, #tpu.memory_space<vmem>>, vector<1x1x16xf32>,
        %get3A_578 = arith.constant 0 : i32
        %get3A_579 = arith.index_cast %get3A_578 : i32 to index
        %get3A_580 = arith.index_cast %scan3A_486 : i32 to index
        %get3A_581 = arith.constant 112 : index
        %get3A_582 = tpu.vector_load %arg12[%get3A_579, %get3A_580, %get3A_581] {strides = array<i32>} : memref<1x56x384xf32, #tpu.memory_space<vmem>>, vector<1x1x16xf32>,
        %get3A_583 = vector.shape_cast %get3A_582 : vector<1x1x16xf32> to vector<16xf32>
        %swap3A_584 = arith.constant 0 : i32
        %swap3A_585 = arith.index_cast %swap3A_584 : i32 to index
        %swap3A_586 = arith.index_cast %scan3A_486 : i32 to index
        %swap3A_587 = arith.constant 112 : index
        %swap3A_588 = tpu.vector_load %arg10[%swap3A_585, %swap3A_586, %swap3A_587] {strides = array<i32>} : memref<1x56x384xf32, #tpu.memory_space<vmem>>, vector<1x1x16xf32>,
        %swap3A_589 = vector.shape_cast %swap3A_588 : vector<1x1x16xf32> to vector<16xf32>
        %swap3A_590 = vector.shape_cast %get3A_583 : vector<16xf32> to vector<1x1x16xf32>
        tpu.vector_store %arg10[%swap3A_585, %swap3A_586, %swap3A_587], %swap3A_590 {add = true, strides = array<i32>} : memref<1x56x384xf32, #tpu.memory_space<vmem>>, vector<1x1x16xf32>,
        %get3A_591 = arith.constant 0 : i32
        %get3A_592 = arith.index_cast %get3A_591 : i32 to index
        %get3A_593 = arith.index_cast %scan3A_486 : i32 to index
        %get3A_594 = arith.constant 128 : index
        %get3A_595 = tpu.vector_load %arg12[%get3A_592, %get3A_593, %get3A_594] {strides = array<i32>} : memref<1x56x384xf32, #tpu.memory_space<vmem>>, vector<1x1x16xf32>,
        %get3A_596 = vector.shape_cast %get3A_595 : vector<1x1x16xf32> to vector<16xf32>
        %swap3A_597 = arith.constant 0 : i32
        %swap3A_598 = arith.index_cast %swap3A_597 : i32 to index
        %swap3A_599 = arith.index_cast %scan3A_486 : i32 to index
        %swap3A_600 = arith.constant 128 : index
        %swap3A_601 = tpu.vector_load %arg10[%swap3A_598, %swap3A_599, %swap3A_600] {strides = array<i32>} : memref<1x56x384xf32, #tpu.memory_space<vmem>>, vector<1x1x16xf32>,
        %swap3A_602 = vector.shape_cast %swap3A_601 : vector<1x1x16xf32> to vector<16xf32>
        %swap3A_603 = vector.shape_cast %get3A_596 : vector<16xf32> to vector<1x1x16xf32>
        tpu.vector_store %arg10[%swap3A_598, %swap3A_599, %swap3A_600], %swap3A_603 {add = true, strides = array<i32>} : memref<1x56x384xf32, #tpu.memory_space<vmem>>, vector<1x1x16xf32>,
        %get3A_604 = arith.constant 0 : i32
        %get3A_605 = arith.index_cast %get3A_604 : i32 to index
        %get3A_606 = arith.index_cast %scan3A_486 : i32 to index
        %get3A_607 = arith.constant 144 : index
        %get3A_608 = tpu.vector_load %arg12[%get3A_605, %get3A_606, %get3A_607] {strides = array<i32>} : memref<1x56x384xf32, #tpu.memory_space<vmem>>, vector<1x1x16xf32>,
        %get3A_609 = vector.shape_cast %get3A_608 : vector<1x1x16xf32> to vector<16xf32>
        %swap3A_610 = arith.constant 0 : i32
        %swap3A_611 = arith.index_cast %swap3A_610 : i32 to index
        %swap3A_612 = arith.index_cast %scan3A_486 : i32 to index
        %swap3A_613 = arith.constant 144 : index
        %swap3A_614 = tpu.vector_load %arg10[%swap3A_611, %swap3A_612, %swap3A_613] {strides = array<i32>} : memref<1x56x384xf32, #tpu.memory_space<vmem>>, vector<1x1x16xf32>,
        %swap3A_615 = vector.shape_cast %swap3A_614 : vector<1x1x16xf32> to vector<16xf32>
        %swap3A_616 = vector.shape_cast %get3A_609 : vector<16xf32> to vector<1x1x16xf32>
        tpu.vector_store %arg10[%swap3A_611, %swap3A_612, %swap3A_613], %swap3A_616 {add = true, strides = array<i32>} : memref<1x56x384xf32, #tpu.memory_space<vmem>>, vector<1x1x16xf32>,
        %get3A_617 = arith.constant 0 : i32
        %get3A_618 = arith.index_cast %get3A_617 : i32 to index
        %get3A_619 = arith.index_cast %scan3A_486 : i32 to index
        %get3A_620 = arith.constant 160 : index
        %get3A_621 = tpu.vector_load %arg12[%get3A_618, %get3A_619, %get3A_620] {strides = array<i32>} : memref<1x56x384xf32, #tpu.memory_space<vmem>>, vector<1x1x16xf32>,
        %get3A_622 = vector.shape_cast %get3A_621 : vector<1x1x16xf32> to vector<16xf32>
        %swap3A_623 = arith.constant 0 : i32
        %swap3A_624 = arith.index_cast %swap3A_623 : i32 to index
        %swap3A_625 = arith.index_cast %scan3A_486 : i32 to index
        %swap3A_626 = arith.constant 160 : index
        %swap3A_627 = tpu.vector_load %arg10[%swap3A_624, %swap3A_625, %swap3A_626] {strides = array<i32>} : memref<1x56x384xf32, #tpu.memory_space<vmem>>, vector<1x1x16xf32>,
        %swap3A_628 = vector.shape_cast %swap3A_627 : vector<1x1x16xf32> to vector<16xf32>
        %swap3A_629 = vector.shape_cast %get3A_622 : vector<16xf32> to vector<1x1x16xf32>
        tpu.vector_store %arg10[%swap3A_624, %swap3A_625, %swap3A_626], %swap3A_629 {add = true, strides = array<i32>} : memref<1x56x384xf32, #tpu.memory_space<vmem>>, vector<1x1x16xf32>,
        %get3A_630 = arith.constant 0 : i32
        %get3A_631 = arith.index_cast %get3A_630 : i32 to index
        %get3A_632 = arith.index_cast %scan3A_486 : i32 to index
        %get3A_633 = arith.constant 176 : index
        %get3A_634 = tpu.vector_load %arg12[%get3A_631, %get3A_632, %get3A_633] {strides = array<i32>} : memref<1x56x384xf32, #tpu.memory_space<vmem>>, vector<1x1x16xf32>,
        %get3A_635 = vector.shape_cast %get3A_634 : vector<1x1x16xf32> to vector<16xf32>
        %swap3A_636 = arith.constant 0 : i32
        %swap3A_637 = arith.index_cast %swap3A_636 : i32 to index
        %swap3A_638 = arith.index_cast %scan3A_486 : i32 to index
        %swap3A_639 = arith.constant 176 : index
        %swap3A_640 = tpu.vector_load %arg10[%swap3A_637, %swap3A_638, %swap3A_639] {strides = array<i32>} : memref<1x56x384xf32, #tpu.memory_space<vmem>>, vector<1x1x16xf32>,
        %swap3A_641 = vector.shape_cast %swap3A_640 : vector<1x1x16xf32> to vector<16xf32>
        %swap3A_642 = vector.shape_cast %get3A_635 : vector<16xf32> to vector<1x1x16xf32>
        tpu.vector_store %arg10[%swap3A_637, %swap3A_638, %swap3A_639], %swap3A_642 {add = true, strides = array<i32>} : memref<1x56x384xf32, #tpu.memory_space<vmem>>, vector<1x1x16xf32>,
        %get3A_643 = arith.constant 0 : i32
        %get3A_644 = arith.index_cast %get3A_643 : i32 to index
        %get3A_645 = arith.index_cast %scan3A_486 : i32 to index
        %get3A_646 = arith.constant 192 : index
        %get3A_647 = tpu.vector_load %arg12[%get3A_644, %get3A_645, %get3A_646] {strides = array<i32>} : memref<1x56x384xf32, #tpu.memory_space<vmem>>, vector<1x1x16xf32>,
        %get3A_648 = vector.shape_cast %get3A_647 : vector<1x1x16xf32> to vector<16xf32>
        %swap3A_649 = arith.constant 0 : i32
        %swap3A_650 = arith.index_cast %swap3A_649 : i32 to index
        %swap3A_651 = arith.index_cast %scan3A_486 : i32 to index
        %swap3A_652 = arith.constant 192 : index
        %swap3A_653 = tpu.vector_load %arg10[%swap3A_650, %swap3A_651, %swap3A_652] {strides = array<i32>} : memref<1x56x384xf32, #tpu.memory_space<vmem>>, vector<1x1x16xf32>,
        %swap3A_654 = vector.shape_cast %swap3A_653 : vector<1x1x16xf32> to vector<16xf32>
        %swap3A_655 = vector.shape_cast %get3A_648 : vector<16xf32> to vector<1x1x16xf32>
        tpu.vector_store %arg10[%swap3A_650, %swap3A_651, %swap3A_652], %swap3A_655 {add = true, strides = array<i32>} : memref<1x56x384xf32, #tpu.memory_space<vmem>>, vector<1x1x16xf32>,
        %get3A_656 = arith.constant 0 : i32
        %get3A_657 = arith.index_cast %get3A_656 : i32 to index
        %get3A_658 = arith.index_cast %scan3A_486 : i32 to index
        %get3A_659 = arith.constant 208 : index
        %get3A_660 = tpu.vector_load %arg12[%get3A_657, %get3A_658, %get3A_659] {strides = array<i32>} : memref<1x56x384xf32, #tpu.memory_space<vmem>>, vector<1x1x16xf32>,
        %get3A_661 = vector.shape_cast %get3A_660 : vector<1x1x16xf32> to vector<16xf32>
        %swap3A_662 = arith.constant 0 : i32
        %swap3A_663 = arith.index_cast %swap3A_662 : i32 to index
        %swap3A_664 = arith.index_cast %scan3A_486 : i32 to index
        %swap3A_665 = arith.constant 208 : index
        %swap3A_666 = tpu.vector_load %arg10[%swap3A_663, %swap3A_664, %swap3A_665] {strides = array<i32>} : memref<1x56x384xf32, #tpu.memory_space<vmem>>, vector<1x1x16xf32>,
        %swap3A_667 = vector.shape_cast %swap3A_666 : vector<1x1x16xf32> to vector<16xf32>
        %swap3A_668 = vector.shape_cast %get3A_661 : vector<16xf32> to vector<1x1x16xf32>
        tpu.vector_store %arg10[%swap3A_663, %swap3A_664, %swap3A_665], %swap3A_668 {add = true, strides = array<i32>} : memref<1x56x384xf32, #tpu.memory_space<vmem>>, vector<1x1x16xf32>,
        %get3A_669 = arith.constant 0 : i32
        %get3A_670 = arith.index_cast %get3A_669 : i32 to index
        %get3A_671 = arith.index_cast %scan3A_486 : i32 to index
        %get3A_672 = arith.constant 224 : index
        %get3A_673 = tpu.vector_load %arg12[%get3A_670, %get3A_671, %get3A_672] {strides = array<i32>} : memref<1x56x384xf32, #tpu.memory_space<vmem>>, vector<1x1x16xf32>,
        %get3A_674 = vector.shape_cast %get3A_673 : vector<1x1x16xf32> to vector<16xf32>
        %swap3A_675 = arith.constant 0 : i32
        %swap3A_676 = arith.index_cast %swap3A_675 : i32 to index
        %swap3A_677 = arith.index_cast %scan3A_486 : i32 to index
        %swap3A_678 = arith.constant 224 : index
        %swap3A_679 = tpu.vector_load %arg10[%swap3A_676, %swap3A_677, %swap3A_678] {strides = array<i32>} : memref<1x56x384xf32, #tpu.memory_space<vmem>>, vector<1x1x16xf32>,
        %swap3A_680 = vector.shape_cast %swap3A_679 : vector<1x1x16xf32> to vector<16xf32>
        %swap3A_681 = vector.shape_cast %get3A_674 : vector<16xf32> to vector<1x1x16xf32>
        tpu.vector_store %arg10[%swap3A_676, %swap3A_677, %swap3A_678], %swap3A_681 {add = true, strides = array<i32>} : memref<1x56x384xf32, #tpu.memory_space<vmem>>, vector<1x1x16xf32>,
        %get3A_682 = arith.constant 0 : i32
        %get3A_683 = arith.index_cast %get3A_682 : i32 to index
        %get3A_684 = arith.index_cast %scan3A_486 : i32 to index
        %get3A_685 = arith.constant 240 : index
        %get3A_686 = tpu.vector_load %arg12[%get3A_683, %get3A_684, %get3A_685] {strides = array<i32>} : memref<1x56x384xf32, #tpu.memory_space<vmem>>, vector<1x1x16xf32>,
        %get3A_687 = vector.shape_cast %get3A_686 : vector<1x1x16xf32> to vector<16xf32>
        %swap3A_688 = arith.constant 0 : i32
        %swap3A_689 = arith.index_cast %swap3A_688 : i32 to index
        %swap3A_690 = arith.index_cast %scan3A_486 : i32 to index
        %swap3A_691 = arith.constant 240 : index
        %swap3A_692 = tpu.vector_load %arg10[%swap3A_689, %swap3A_690, %swap3A_691] {strides = array<i32>} : memref<1x56x384xf32, #tpu.memory_space<vmem>>, vector<1x1x16xf32>,
        %swap3A_693 = vector.shape_cast %swap3A_692 : vector<1x1x16xf32> to vector<16xf32>
        %swap3A_694 = vector.shape_cast %get3A_687 : vector<16xf32> to vector<1x1x16xf32>
        tpu.vector_store %arg10[%swap3A_689, %swap3A_690, %swap3A_691], %swap3A_694 {add = true, strides = array<i32>} : memref<1x56x384xf32, #tpu.memory_space<vmem>>, vector<1x1x16xf32>,
        %get3A_695 = arith.constant 0 : i32
        %get3A_696 = arith.index_cast %get3A_695 : i32 to index
        %get3A_697 = arith.index_cast %scan3A_486 : i32 to index
        %get3A_698 = arith.constant 256 : index
        %get3A_699 = tpu.vector_load %arg12[%get3A_696, %get3A_697, %get3A_698] {strides = array<i32>} : memref<1x56x384xf32, #tpu.memory_space<vmem>>, vector<1x1x16xf32>,
        %get3A_700 = vector.shape_cast %get3A_699 : vector<1x1x16xf32> to vector<16xf32>
        %swap3A_701 = arith.constant 0 : i32
        %swap3A_702 = arith.index_cast %swap3A_701 : i32 to index
        %swap3A_703 = arith.index_cast %scan3A_486 : i32 to index
        %swap3A_704 = arith.constant 256 : index
        %swap3A_705 = tpu.vector_load %arg10[%swap3A_702, %swap3A_703, %swap3A_704] {strides = array<i32>} : memref<1x56x384xf32, #tpu.memory_space<vmem>>, vector<1x1x16xf32>,
        %swap3A_706 = vector.shape_cast %swap3A_705 : vector<1x1x16xf32> to vector<16xf32>
        %swap3A_707 = vector.shape_cast %get3A_700 : vector<16xf32> to vector<1x1x16xf32>
        tpu.vector_store %arg10[%swap3A_702, %swap3A_703, %swap3A_704], %swap3A_707 {add = true, strides = array<i32>} : memref<1x56x384xf32, #tpu.memory_space<vmem>>, vector<1x1x16xf32>,
        %get3A_708 = arith.constant 0 : i32
        %get3A_709 = arith.index_cast %get3A_708 : i32 to index
        %get3A_710 = arith.index_cast %scan3A_486 : i32 to index
        %get3A_711 = arith.constant 272 : index
        %get3A_712 = tpu.vector_load %arg12[%get3A_709, %get3A_710, %get3A_711] {strides = array<i32>} : memref<1x56x384xf32, #tpu.memory_space<vmem>>, vector<1x1x16xf32>,
        %get3A_713 = vector.shape_cast %get3A_712 : vector<1x1x16xf32> to vector<16xf32>
        %swap3A_714 = arith.constant 0 : i32
        %swap3A_715 = arith.index_cast %swap3A_714 : i32 to index
        %swap3A_716 = arith.index_cast %scan3A_486 : i32 to index
        %swap3A_717 = arith.constant 272 : index
        %swap3A_718 = tpu.vector_load %arg10[%swap3A_715, %swap3A_716, %swap3A_717] {strides = array<i32>} : memref<1x56x384xf32, #tpu.memory_space<vmem>>, vector<1x1x16xf32>,
        %swap3A_719 = vector.shape_cast %swap3A_718 : vector<1x1x16xf32> to vector<16xf32>
        %swap3A_720 = vector.shape_cast %get3A_713 : vector<16xf32> to vector<1x1x16xf32>
        tpu.vector_store %arg10[%swap3A_715, %swap3A_716, %swap3A_717], %swap3A_720 {add = true, strides = array<i32>} : memref<1x56x384xf32, #tpu.memory_space<vmem>>, vector<1x1x16xf32>,
        %get3A_721 = arith.constant 0 : i32
        %get3A_722 = arith.index_cast %get3A_721 : i32 to index
        %get3A_723 = arith.index_cast %scan3A_486 : i32 to index
        %get3A_724 = arith.constant 288 : index
        %get3A_725 = tpu.vector_load %arg12[%get3A_722, %get3A_723, %get3A_724] {strides = array<i32>} : memref<1x56x384xf32, #tpu.memory_space<vmem>>, vector<1x1x16xf32>,
        %get3A_726 = vector.shape_cast %get3A_725 : vector<1x1x16xf32> to vector<16xf32>
        %swap3A_727 = arith.constant 0 : i32
        %swap3A_728 = arith.index_cast %swap3A_727 : i32 to index
        %swap3A_729 = arith.index_cast %scan3A_486 : i32 to index
        %swap3A_730 = arith.constant 288 : index
        %swap3A_731 = tpu.vector_load %arg10[%swap3A_728, %swap3A_729, %swap3A_730] {strides = array<i32>} : memref<1x56x384xf32, #tpu.memory_space<vmem>>, vector<1x1x16xf32>,
        %swap3A_732 = vector.shape_cast %swap3A_731 : vector<1x1x16xf32> to vector<16xf32>
        %swap3A_733 = vector.shape_cast %get3A_726 : vector<16xf32> to vector<1x1x16xf32>
        tpu.vector_store %arg10[%swap3A_728, %swap3A_729, %swap3A_730], %swap3A_733 {add = true, strides = array<i32>} : memref<1x56x384xf32, #tpu.memory_space<vmem>>, vector<1x1x16xf32>,
        %get3A_734 = arith.constant 0 : i32
        %get3A_735 = arith.index_cast %get3A_734 : i32 to index
        %get3A_736 = arith.index_cast %scan3A_486 : i32 to index
        %get3A_737 = arith.constant 304 : index
        %get3A_738 = tpu.vector_load %arg12[%get3A_735, %get3A_736, %get3A_737] {strides = array<i32>} : memref<1x56x384xf32, #tpu.memory_space<vmem>>, vector<1x1x16xf32>,
        %get3A_739 = vector.shape_cast %get3A_738 : vector<1x1x16xf32> to vector<16xf32>
        %swap3A_740 = arith.constant 0 : i32
        %swap3A_741 = arith.index_cast %swap3A_740 : i32 to index
        %swap3A_742 = arith.index_cast %scan3A_486 : i32 to index
        %swap3A_743 = arith.constant 304 : index
        %swap3A_744 = tpu.vector_load %arg10[%swap3A_741, %swap3A_742, %swap3A_743] {strides = array<i32>} : memref<1x56x384xf32, #tpu.memory_space<vmem>>, vector<1x1x16xf32>,
        %swap3A_745 = vector.shape_cast %swap3A_744 : vector<1x1x16xf32> to vector<16xf32>
        %swap3A_746 = vector.shape_cast %get3A_739 : vector<16xf32> to vector<1x1x16xf32>
        tpu.vector_store %arg10[%swap3A_741, %swap3A_742, %swap3A_743], %swap3A_746 {add = true, strides = array<i32>} : memref<1x56x384xf32, #tpu.memory_space<vmem>>, vector<1x1x16xf32>,
        %get3A_747 = arith.constant 0 : i32
        %get3A_748 = arith.index_cast %get3A_747 : i32 to index
        %get3A_749 = arith.index_cast %scan3A_486 : i32 to index
        %get3A_750 = arith.constant 320 : index
        %get3A_751 = tpu.vector_load %arg12[%get3A_748, %get3A_749, %get3A_750] {strides = array<i32>} : memref<1x56x384xf32, #tpu.memory_space<vmem>>, vector<1x1x16xf32>,
        %get3A_752 = vector.shape_cast %get3A_751 : vector<1x1x16xf32> to vector<16xf32>
        %swap3A_753 = arith.constant 0 : i32
        %swap3A_754 = arith.index_cast %swap3A_753 : i32 to index
        %swap3A_755 = arith.index_cast %scan3A_486 : i32 to index
        %swap3A_756 = arith.constant 320 : index
        %swap3A_757 = tpu.vector_load %arg10[%swap3A_754, %swap3A_755, %swap3A_756] {strides = array<i32>} : memref<1x56x384xf32, #tpu.memory_space<vmem>>, vector<1x1x16xf32>,
        %swap3A_758 = vector.shape_cast %swap3A_757 : vector<1x1x16xf32> to vector<16xf32>
        %swap3A_759 = vector.shape_cast %get3A_752 : vector<16xf32> to vector<1x1x16xf32>
        tpu.vector_store %arg10[%swap3A_754, %swap3A_755, %swap3A_756], %swap3A_759 {add = true, strides = array<i32>} : memref<1x56x384xf32, #tpu.memory_space<vmem>>, vector<1x1x16xf32>,
        %get3A_760 = arith.constant 0 : i32
        %get3A_761 = arith.index_cast %get3A_760 : i32 to index
        %get3A_762 = arith.index_cast %scan3A_486 : i32 to index
        %get3A_763 = arith.constant 336 : index
        %get3A_764 = tpu.vector_load %arg12[%get3A_761, %get3A_762, %get3A_763] {strides = array<i32>} : memref<1x56x384xf32, #tpu.memory_space<vmem>>, vector<1x1x16xf32>,
        %get3A_765 = vector.shape_cast %get3A_764 : vector<1x1x16xf32> to vector<16xf32>
        %swap3A_766 = arith.constant 0 : i32
        %swap3A_767 = arith.index_cast %swap3A_766 : i32 to index
        %swap3A_768 = arith.index_cast %scan3A_486 : i32 to index
        %swap3A_769 = arith.constant 336 : index
        %swap3A_770 = tpu.vector_load %arg10[%swap3A_767, %swap3A_768, %swap3A_769] {strides = array<i32>} : memref<1x56x384xf32, #tpu.memory_space<vmem>>, vector<1x1x16xf32>,
        %swap3A_771 = vector.shape_cast %swap3A_770 : vector<1x1x16xf32> to vector<16xf32>
        %swap3A_772 = vector.shape_cast %get3A_765 : vector<16xf32> to vector<1x1x16xf32>
        tpu.vector_store %arg10[%swap3A_767, %swap3A_768, %swap3A_769], %swap3A_772 {add = true, strides = array<i32>} : memref<1x56x384xf32, #tpu.memory_space<vmem>>, vector<1x1x16xf32>,
        %get3A_773 = arith.constant 0 : i32
        %get3A_774 = arith.index_cast %get3A_773 : i32 to index
        %get3A_775 = arith.index_cast %scan3A_486 : i32 to index
        %get3A_776 = arith.constant 352 : index
        %get3A_777 = tpu.vector_load %arg12[%get3A_774, %get3A_775, %get3A_776] {strides = array<i32>} : memref<1x56x384xf32, #tpu.memory_space<vmem>>, vector<1x1x16xf32>,
        %get3A_778 = vector.shape_cast %get3A_777 : vector<1x1x16xf32> to vector<16xf32>
        %swap3A_779 = arith.constant 0 : i32
        %swap3A_780 = arith.index_cast %swap3A_779 : i32 to index
        %swap3A_781 = arith.index_cast %scan3A_486 : i32 to index
        %swap3A_782 = arith.constant 352 : index
        %swap3A_783 = tpu.vector_load %arg10[%swap3A_780, %swap3A_781, %swap3A_782] {strides = array<i32>} : memref<1x56x384xf32, #tpu.memory_space<vmem>>, vector<1x1x16xf32>,
        %swap3A_784 = vector.shape_cast %swap3A_783 : vector<1x1x16xf32> to vector<16xf32>
        %swap3A_785 = vector.shape_cast %get3A_778 : vector<16xf32> to vector<1x1x16xf32>
        tpu.vector_store %arg10[%swap3A_780, %swap3A_781, %swap3A_782], %swap3A_785 {add = true, strides = array<i32>} : memref<1x56x384xf32, #tpu.memory_space<vmem>>, vector<1x1x16xf32>,
        %get3A_786 = arith.constant 0 : i32
        %get3A_787 = arith.index_cast %get3A_786 : i32 to index
        %get3A_788 = arith.index_cast %scan3A_486 : i32 to index
        %get3A_789 = arith.constant 368 : index
        %get3A_790 = tpu.vector_load %arg12[%get3A_787, %get3A_788, %get3A_789] {strides = array<i32>} : memref<1x56x384xf32, #tpu.memory_space<vmem>>, vector<1x1x16xf32>,
        %get3A_791 = vector.shape_cast %get3A_790 : vector<1x1x16xf32> to vector<16xf32>
        %swap3A_792 = arith.constant 0 : i32
        %swap3A_793 = arith.index_cast %swap3A_792 : i32 to index
        %swap3A_794 = arith.index_cast %scan3A_486 : i32 to index
        %swap3A_795 = arith.constant 368 : index
        %swap3A_796 = tpu.vector_load %arg10[%swap3A_793, %swap3A_794, %swap3A_795] {strides = array<i32>} : memref<1x56x384xf32, #tpu.memory_space<vmem>>, vector<1x1x16xf32>,
        %swap3A_797 = vector.shape_cast %swap3A_796 : vector<1x1x16xf32> to vector<16xf32>
        %swap3A_798 = vector.shape_cast %get3A_791 : vector<16xf32> to vector<1x1x16xf32>
        tpu.vector_store %arg10[%swap3A_793, %swap3A_794, %swap3A_795], %swap3A_798 {add = true, strides = array<i32>} : memref<1x56x384xf32, #tpu.memory_space<vmem>>, vector<1x1x16xf32>,
      }
      %scan3A_106 = arith.constant 50 : i32
      %add3A_107 = arith.addi %mul3A_4, %add3A_60 : i32
      %dma_start3A_108 = arith.constant 0 : i32
      %dma_start3A_109 = arith.constant 0 : i32
      %dma_start3A_110 = tpu.memref_slice %arg6[%add3A_107, %dma_start3A_108, %dma_start3A_109] : memref<4096x56x384xf32, #tpu.memory_space<hbm>> -> memref<1x56x384xf32, #tpu.memory_space<hbm>>
      %dma_start3A_111 = arith.constant 0 : i32
      %dma_start3A_112 = arith.constant 0 : i32
      %dma_start3A_113 = tpu.memref_slice %arg6[%add3A_107, %dma_start3A_111, %dma_start3A_112] : memref<4096x56x384xf32, #tpu.memory_space<hbm>> -> memref<1x56x384xf32, #tpu.memory_space<hbm>>
      tpu.enqueue_dma source(%arg10 : memref<1x56x384xf32, #tpu.memory_space<vmem>>) target(%dma_start3A_113 : memref<1x56x384xf32, #tpu.memory_space<hbm>>) target_semaphore(%arg18 : memref<!tpu.dma_semaphore, #tpu.memory_space<semaphore_mem>>)
      %mul3A_114 = arith.constant 2 : i32
      %mul3A_115 = arith.muli %scan3A_56, %mul3A_114 : i32
      %add3A_116 = arith.constant 1 : i32
      %add3A_117 = arith.addi %mul3A_115, %add3A_116 : i32
      %add3A_118 = arith.constant 1 : i32
      %add3A_119 = arith.addi %add3A_117, %add3A_118 : i32
      %lt3A_120 = arith.constant 128 : i32
      %lt3A_121 = arith.cmpi slt, %add3A_119, %lt3A_120 : i32
      %convert_element_type3A_122 = arith.extui %lt3A_121 : i1 to i32
      %cond3A_123 = arith.constant 0 : i32
      %cond3A_124 = arith.cmpi ne, %convert_element_type3A_122, %cond3A_123 : i32
      scf.if %cond3A_124 {
        %ge3A = arith.constant 2 : i32
        %ge3A_174 = arith.cmpi sge, %add3A_119, %ge3A : i32
        %convert_element_type3A_175 = arith.extui %ge3A_174 : i1 to i32
        %cond3A_176 = arith.constant 0 : i32
        %cond3A_177 = arith.cmpi ne, %convert_element_type3A_175, %cond3A_176 : i32
        scf.if %cond3A_177 {
          %dma_wait3A_198 = arith.constant 0 : i32
          %dma_wait3A_199 = arith.constant 0 : i32
          %dma_wait3A_200 = arith.constant 0 : i32
          %dma_wait3A_201 = tpu.memref_slice %arg6[%dma_wait3A_198, %dma_wait3A_199, %dma_wait3A_200] : memref<4096x56x384xf32, #tpu.memory_space<hbm>> -> memref<1x56x384xf32, #tpu.memory_space<hbm>>
          %dma_wait3A_202 = arith.constant 0 : i32
          %dma_wait3A_203 = arith.constant 0 : i32
          %dma_wait3A_204 = arith.constant 0 : i32
          %dma_wait3A_205 = tpu.memref_slice %arg6[%dma_wait3A_202, %dma_wait3A_203, %dma_wait3A_204] : memref<4096x56x384xf32, #tpu.memory_space<hbm>> -> memref<1x56x384xf32, #tpu.memory_space<hbm>>
          tpu.wait_dma2 semaphore(%arg18 : memref<!tpu.dma_semaphore, #tpu.memory_space<semaphore_mem>>) src(%arg10 : memref<1x56x384xf32, #tpu.memory_space<vmem>>) dst(%dma_wait3A_205 : memref<1x56x384xf32, #tpu.memory_space<hbm>>)
        } else {
        }
        %mul3A_178 = arith.constant 64 : i32
        %mul3A_179 = arith.muli %add3A_119, %mul3A_178 : i32
        %dma_start3A_180 = arith.constant 0 : i32
        %dma_start3A_181 = arith.constant 0 : i32
        %dma_start3A_182 = arith.constant 0 : i32
        %dma_start3A_183 = tpu.memref_slice %arg10[%dma_start3A_180, %dma_start3A_181, %dma_start3A_182] : memref<1x56x384xf32, #tpu.memory_space<vmem>> -> memref<1x56x384xf32, #tpu.memory_space<vmem>>
        %dma_start3A_184 = tpu.memref_squeeze %dma_start3A_183 : memref<1x56x384xf32, #tpu.memory_space<vmem>> -> memref<56x384xf32, #tpu.memory_space<vmem>>
        %dma_start3A_185 = tpu.memref_slice %arg8[%mul3A_179] : memref<8192xi32, #tpu.memory_space<vmem>> -> memref<56xi32, #tpu.memory_space<vmem>>
        %dma_start3A_186 = arith.constant 0 : i32
        %dma_start3A_187 = arith.constant 0 : i32
        %dma_start3A_188 = tpu.memref_slice %arg4[%dma_start3A_186, %dma_start3A_187] : memref<1800x384xf32, #tpu.memory_space<hbm>> -> memref<1800x384xf32, #tpu.memory_space<hbm>>
        tpu.enqueue_indirect_dma source(%dma_start3A_188 : memref<1800x384xf32, #tpu.memory_space<hbm>>) target(%dma_start3A_184 : memref<56x384xf32, #tpu.memory_space<vmem>>) offsets(%dma_start3A_185 : memref<56xi32, #tpu.memory_space<vmem>>) semaphore(%arg14 : memref<!tpu.dma_semaphore, #tpu.memory_space<semaphore_mem>>)
        %dma_start3A_189 = arith.constant 0 : i32
        %dma_start3A_190 = arith.constant 0 : i32
        %dma_start3A_191 = arith.constant 0 : i32
        %dma_start3A_192 = tpu.memref_slice %arg12[%dma_start3A_189, %dma_start3A_190, %dma_start3A_191] : memref<1x56x384xf32, #tpu.memory_space<vmem>> -> memref<1x56x384xf32, #tpu.memory_space<vmem>>
        %dma_start3A_193 = tpu.memref_squeeze %dma_start3A_192 : memref<1x56x384xf32, #tpu.memory_space<vmem>> -> memref<56x384xf32, #tpu.memory_space<vmem>>
        %dma_start3A_194 = tpu.memref_slice %arg9[%mul3A_179] : memref<8192xi32, #tpu.memory_space<vmem>> -> memref<56xi32, #tpu.memory_space<vmem>>
        %dma_start3A_195 = arith.constant 0 : i32
        %dma_start3A_196 = arith.constant 0 : i32
        %dma_start3A_197 = tpu.memref_slice %arg5[%dma_start3A_195, %dma_start3A_196] : memref<3600x384xf32, #tpu.memory_space<hbm>> -> memref<3600x384xf32, #tpu.memory_space<hbm>>
        tpu.enqueue_indirect_dma source(%dma_start3A_197 : memref<3600x384xf32, #tpu.memory_space<hbm>>) target(%dma_start3A_193 : memref<56x384xf32, #tpu.memory_space<vmem>>) offsets(%dma_start3A_194 : memref<56xi32, #tpu.memory_space<vmem>>) semaphore(%arg16 : memref<!tpu.dma_semaphore, #tpu.memory_space<semaphore_mem>>)
      } else {
      }
      %dma_wait3A_125 = arith.constant 0 : i32
      %dma_wait3A_126 = arith.constant 0 : i32
      %dma_wait3A_127 = arith.constant 0 : i32
      %dma_wait3A_128 = arith.constant 0 : i32
      %dma_wait3A_129 = tpu.memref_slice %arg11[%dma_wait3A_126, %dma_wait3A_127, %dma_wait3A_128] : memref<1x56x384xf32, #tpu.memory_space<vmem>> -> memref<1x56x384xf32, #tpu.memory_space<vmem>>
      %dma_wait3A_130 = tpu.memref_squeeze %dma_wait3A_129 : memref<1x56x384xf32, #tpu.memory_space<vmem>> -> memref<56x384xf32, #tpu.memory_space<vmem>>
      %dma_wait3A_131 = arith.constant 0 : i32
      %dma_wait3A_132 = arith.constant 0 : i32
      %dma_wait3A_133 = tpu.memref_slice %arg6[%dma_wait3A_125, %dma_wait3A_131, %dma_wait3A_132] : memref<4096x56x384xf32, #tpu.memory_space<hbm>> -> memref<1x56x384xf32, #tpu.memory_space<hbm>>
      %dma_wait3A_134 = tpu.memref_squeeze %dma_wait3A_133 : memref<1x56x384xf32, #tpu.memory_space<hbm>> -> memref<56x384xf32, #tpu.memory_space<hbm>>
      %dma_wait3A_135 = arith.constant 0 : i32
      %dma_wait3A_136 = arith.constant 0 : i32
      %dma_wait3A_137 = tpu.memref_slice %arg11[%dma_wait3A_126, %dma_wait3A_135, %dma_wait3A_136] : memref<1x56x384xf32, #tpu.memory_space<vmem>> -> memref<1x56x384xf32, #tpu.memory_space<vmem>>
      %dma_wait3A_138 = tpu.memref_squeeze %dma_wait3A_137 : memref<1x56x384xf32, #tpu.memory_space<vmem>> -> memref<56x384xf32, #tpu.memory_space<vmem>>
      %dma_wait3A_139 = arith.constant 0 : i32
      %dma_wait3A_140 = arith.constant 0 : i32
      %dma_wait3A_141 = tpu.memref_slice %arg6[%dma_wait3A_125, %dma_wait3A_139, %dma_wait3A_140] : memref<4096x56x384xf32, #tpu.memory_space<hbm>> -> memref<1x56x384xf32, #tpu.memory_space<hbm>>
      %dma_wait3A_142 = tpu.memref_squeeze %dma_wait3A_141 : memref<1x56x384xf32, #tpu.memory_space<hbm>> -> memref<56x384xf32, #tpu.memory_space<hbm>>
      tpu.wait_dma2 semaphore(%arg15 : memref<!tpu.dma_semaphore, #tpu.memory_space<semaphore_mem>>) src(%dma_wait3A_142 : memref<56x384xf32, #tpu.memory_space<hbm>>) dst(%dma_wait3A_138 : memref<56x384xf32, #tpu.memory_space<vmem>>)
      %dma_wait3A_143 = arith.constant 0 : i32
      %dma_wait3A_144 = arith.constant 0 : i32
      %dma_wait3A_145 = arith.constant 0 : i32
      %dma_wait3A_146 = arith.constant 0 : i32
      %dma_wait3A_147 = tpu.memref_slice %arg13[%dma_wait3A_144, %dma_wait3A_145, %dma_wait3A_146] : memref<1x56x384xf32, #tpu.memory_space<vmem>> -> memref<1x56x384xf32, #tpu.memory_space<vmem>>
      %dma_wait3A_148 = tpu.memref_squeeze %dma_wait3A_147 : memref<1x56x384xf32, #tpu.memory_space<vmem>> -> memref<56x384xf32, #tpu.memory_space<vmem>>
      %dma_wait3A_149 = arith.constant 0 : i32
      %dma_wait3A_150 = arith.constant 0 : i32
      %dma_wait3A_151 = tpu.memref_slice %arg6[%dma_wait3A_143, %dma_wait3A_149, %dma_wait3A_150] : memref<4096x56x384xf32, #tpu.memory_space<hbm>> -> memref<1x56x384xf32, #tpu.memory_space<hbm>>
      %dma_wait3A_152 = tpu.memref_squeeze %dma_wait3A_151 : memref<1x56x384xf32, #tpu.memory_space<hbm>> -> memref<56x384xf32, #tpu.memory_space<hbm>>
      %dma_wait3A_153 = arith.constant 0 : i32
      %dma_wait3A_154 = arith.constant 0 : i32
      %dma_wait3A_155 = tpu.memref_slice %arg13[%dma_wait3A_144, %dma_wait3A_153, %dma_wait3A_154] : memref<1x56x384xf32, #tpu.memory_space<vmem>> -> memref<1x56x384xf32, #tpu.memory_space<vmem>>
      %dma_wait3A_156 = tpu.memref_squeeze %dma_wait3A_155 : memref<1x56x384xf32, #tpu.memory_space<vmem>> -> memref<56x384xf32, #tpu.memory_space<vmem>>
      %dma_wait3A_157 = arith.constant 0 : i32
      %dma_wait3A_158 = arith.constant 0 : i32
      %dma_wait3A_159 = tpu.memref_slice %arg6[%dma_wait3A_143, %dma_wait3A_157, %dma_wait3A_158] : memref<4096x56x384xf32, #tpu.memory_space<hbm>> -> memref<1x56x384xf32, #tpu.memory_space<hbm>>
      %dma_wait3A_160 = tpu.memref_squeeze %dma_wait3A_159 : memref<1x56x384xf32, #tpu.memory_space<hbm>> -> memref<56x384xf32, #tpu.memory_space<hbm>>
      tpu.wait_dma2 semaphore(%arg17 : memref<!tpu.dma_semaphore, #tpu.memory_space<semaphore_mem>>) src(%dma_wait3A_160 : memref<56x384xf32, #tpu.memory_space<hbm>>) dst(%dma_wait3A_156 : memref<56x384xf32, #tpu.memory_space<vmem>>)
      %scan3A_161 = arith.constant 0 : i32
      %scan3A_162 = arith.constant 0 : i32
      %scan3A_163 = arith.constant 50 : i32
      %scan3A_164 = arith.addi %scan3A_162, %scan3A_163 : i32
      %scan3A_165 = arith.constant 2 : i32
      scf.for %scan3A_174 = %scan3A_162 to %scan3A_164 step %scan3A_165  : i32 {
        %get3A = arith.constant 0 : i32
        %get3A_175 = arith.index_cast %get3A : i32 to index
        %get3A_176 = arith.index_cast %scan3A_174 : i32 to index
        %get3A_177 = arith.constant 0 : index
        %get3A_178 = tpu.vector_load %arg13[%get3A_175, %get3A_176, %get3A_177] {strides = array<i32>} : memref<1x56x384xf32, #tpu.memory_space<vmem>>, vector<1x1x16xf32>,
        %get3A_179 = vector.shape_cast %get3A_178 : vector<1x1x16xf32> to vector<16xf32>
        %swap3A = arith.constant 0 : i32
        %swap3A_180 = arith.index_cast %swap3A : i32 to index
        %swap3A_181 = arith.index_cast %scan3A_174 : i32 to index
        %swap3A_182 = arith.constant 0 : index
        %swap3A_183 = tpu.vector_load %arg11[%swap3A_180, %swap3A_181, %swap3A_182] {strides = array<i32>} : memref<1x56x384xf32, #tpu.memory_space<vmem>>, vector<1x1x16xf32>,
        %swap3A_184 = vector.shape_cast %swap3A_183 : vector<1x1x16xf32> to vector<16xf32>
        %swap3A_185 = vector.shape_cast %get3A_179 : vector<16xf32> to vector<1x1x16xf32>
        tpu.vector_store %arg11[%swap3A_180, %swap3A_181, %swap3A_182], %swap3A_185 {add = true, strides = array<i32>} : memref<1x56x384xf32, #tpu.memory_space<vmem>>, vector<1x1x16xf32>,
        %get3A_186 = arith.constant 0 : i32
        %get3A_187 = arith.index_cast %get3A_186 : i32 to index
        %get3A_188 = arith.index_cast %scan3A_174 : i32 to index
        %get3A_189 = arith.constant 16 : index
        %get3A_190 = tpu.vector_load %arg13[%get3A_187, %get3A_188, %get3A_189] {strides = array<i32>} : memref<1x56x384xf32, #tpu.memory_space<vmem>>, vector<1x1x16xf32>,
        %get3A_191 = vector.shape_cast %get3A_190 : vector<1x1x16xf32> to vector<16xf32>
        %swap3A_192 = arith.constant 0 : i32
        %swap3A_193 = arith.index_cast %swap3A_192 : i32 to index
        %swap3A_194 = arith.index_cast %scan3A_174 : i32 to index
        %swap3A_195 = arith.constant 16 : index
        %swap3A_196 = tpu.vector_load %arg11[%swap3A_193, %swap3A_194, %swap3A_195] {strides = array<i32>} : memref<1x56x384xf32, #tpu.memory_space<vmem>>, vector<1x1x16xf32>,
        %swap3A_197 = vector.shape_cast %swap3A_196 : vector<1x1x16xf32> to vector<16xf32>
        %swap3A_198 = vector.shape_cast %get3A_191 : vector<16xf32> to vector<1x1x16xf32>
        tpu.vector_store %arg11[%swap3A_193, %swap3A_194, %swap3A_195], %swap3A_198 {add = true, strides = array<i32>} : memref<1x56x384xf32, #tpu.memory_space<vmem>>, vector<1x1x16xf32>,
        %get3A_199 = arith.constant 0 : i32
        %get3A_200 = arith.index_cast %get3A_199 : i32 to index
        %get3A_201 = arith.index_cast %scan3A_174 : i32 to index
        %get3A_202 = arith.constant 32 : index
        %get3A_203 = tpu.vector_load %arg13[%get3A_200, %get3A_201, %get3A_202] {strides = array<i32>} : memref<1x56x384xf32, #tpu.memory_space<vmem>>, vector<1x1x16xf32>,
        %get3A_204 = vector.shape_cast %get3A_203 : vector<1x1x16xf32> to vector<16xf32>
        %swap3A_205 = arith.constant 0 : i32
        %swap3A_206 = arith.index_cast %swap3A_205 : i32 to index
        %swap3A_207 = arith.index_cast %scan3A_174 : i32 to index
        %swap3A_208 = arith.constant 32 : index
        %swap3A_209 = tpu.vector_load %arg11[%swap3A_206, %swap3A_207, %swap3A_208] {strides = array<i32>} : memref<1x56x384xf32, #tpu.memory_space<vmem>>, vector<1x1x16xf32>,
        %swap3A_210 = vector.shape_cast %swap3A_209 : vector<1x1x16xf32> to vector<16xf32>
        %swap3A_211 = vector.shape_cast %get3A_204 : vector<16xf32> to vector<1x1x16xf32>
        tpu.vector_store %arg11[%swap3A_206, %swap3A_207, %swap3A_208], %swap3A_211 {add = true, strides = array<i32>} : memref<1x56x384xf32, #tpu.memory_space<vmem>>, vector<1x1x16xf32>,
        %get3A_212 = arith.constant 0 : i32
        %get3A_213 = arith.index_cast %get3A_212 : i32 to index
        %get3A_214 = arith.index_cast %scan3A_174 : i32 to index
        %get3A_215 = arith.constant 48 : index
        %get3A_216 = tpu.vector_load %arg13[%get3A_213, %get3A_214, %get3A_215] {strides = array<i32>} : memref<1x56x384xf32, #tpu.memory_space<vmem>>, vector<1x1x16xf32>,
        %get3A_217 = vector.shape_cast %get3A_216 : vector<1x1x16xf32> to vector<16xf32>
        %swap3A_218 = arith.constant 0 : i32
        %swap3A_219 = arith.index_cast %swap3A_218 : i32 to index
        %swap3A_220 = arith.index_cast %scan3A_174 : i32 to index
        %swap3A_221 = arith.constant 48 : index
        %swap3A_222 = tpu.vector_load %arg11[%swap3A_219, %swap3A_220, %swap3A_221] {strides = array<i32>} : memref<1x56x384xf32, #tpu.memory_space<vmem>>, vector<1x1x16xf32>,
        %swap3A_223 = vector.shape_cast %swap3A_222 : vector<1x1x16xf32> to vector<16xf32>
        %swap3A_224 = vector.shape_cast %get3A_217 : vector<16xf32> to vector<1x1x16xf32>
        tpu.vector_store %arg11[%swap3A_219, %swap3A_220, %swap3A_221], %swap3A_224 {add = true, strides = array<i32>} : memref<1x56x384xf32, #tpu.memory_space<vmem>>, vector<1x1x16xf32>,
        %get3A_225 = arith.constant 0 : i32
        %get3A_226 = arith.index_cast %get3A_225 : i32 to index
        %get3A_227 = arith.index_cast %scan3A_174 : i32 to index
        %get3A_228 = arith.constant 64 : index
        %get3A_229 = tpu.vector_load %arg13[%get3A_226, %get3A_227, %get3A_228] {strides = array<i32>} : memref<1x56x384xf32, #tpu.memory_space<vmem>>, vector<1x1x16xf32>,
        %get3A_230 = vector.shape_cast %get3A_229 : vector<1x1x16xf32> to vector<16xf32>
        %swap3A_231 = arith.constant 0 : i32
        %swap3A_232 = arith.index_cast %swap3A_231 : i32 to index
        %swap3A_233 = arith.index_cast %scan3A_174 : i32 to index
        %swap3A_234 = arith.constant 64 : index
        %swap3A_235 = tpu.vector_load %arg11[%swap3A_232, %swap3A_233, %swap3A_234] {strides = array<i32>} : memref<1x56x384xf32, #tpu.memory_space<vmem>>, vector<1x1x16xf32>,
        %swap3A_236 = vector.shape_cast %swap3A_235 : vector<1x1x16xf32> to vector<16xf32>
        %swap3A_237 = vector.shape_cast %get3A_230 : vector<16xf32> to vector<1x1x16xf32>
        tpu.vector_store %arg11[%swap3A_232, %swap3A_233, %swap3A_234], %swap3A_237 {add = true, strides = array<i32>} : memref<1x56x384xf32, #tpu.memory_space<vmem>>, vector<1x1x16xf32>,
        %get3A_238 = arith.constant 0 : i32
        %get3A_239 = arith.index_cast %get3A_238 : i32 to index
        %get3A_240 = arith.index_cast %scan3A_174 : i32 to index
        %get3A_241 = arith.constant 80 : index
        %get3A_242 = tpu.vector_load %arg13[%get3A_239, %get3A_240, %get3A_241] {strides = array<i32>} : memref<1x56x384xf32, #tpu.memory_space<vmem>>, vector<1x1x16xf32>,
        %get3A_243 = vector.shape_cast %get3A_242 : vector<1x1x16xf32> to vector<16xf32>
        %swap3A_244 = arith.constant 0 : i32
        %swap3A_245 = arith.index_cast %swap3A_244 : i32 to index
        %swap3A_246 = arith.index_cast %scan3A_174 : i32 to index
        %swap3A_247 = arith.constant 80 : index
        %swap3A_248 = tpu.vector_load %arg11[%swap3A_245, %swap3A_246, %swap3A_247] {strides = array<i32>} : memref<1x56x384xf32, #tpu.memory_space<vmem>>, vector<1x1x16xf32>,
        %swap3A_249 = vector.shape_cast %swap3A_248 : vector<1x1x16xf32> to vector<16xf32>
        %swap3A_250 = vector.shape_cast %get3A_243 : vector<16xf32> to vector<1x1x16xf32>
        tpu.vector_store %arg11[%swap3A_245, %swap3A_246, %swap3A_247], %swap3A_250 {add = true, strides = array<i32>} : memref<1x56x384xf32, #tpu.memory_space<vmem>>, vector<1x1x16xf32>,
        %get3A_251 = arith.constant 0 : i32
        %get3A_252 = arith.index_cast %get3A_251 : i32 to index
        %get3A_253 = arith.index_cast %scan3A_174 : i32 to index
        %get3A_254 = arith.constant 96 : index
        %get3A_255 = tpu.vector_load %arg13[%get3A_252, %get3A_253, %get3A_254] {strides = array<i32>} : memref<1x56x384xf32, #tpu.memory_space<vmem>>, vector<1x1x16xf32>,
        %get3A_256 = vector.shape_cast %get3A_255 : vector<1x1x16xf32> to vector<16xf32>
        %swap3A_257 = arith.constant 0 : i32
        %swap3A_258 = arith.index_cast %swap3A_257 : i32 to index
        %swap3A_259 = arith.index_cast %scan3A_174 : i32 to index
        %swap3A_260 = arith.constant 96 : index
        %swap3A_261 = tpu.vector_load %arg11[%swap3A_258, %swap3A_259, %swap3A_260] {strides = array<i32>} : memref<1x56x384xf32, #tpu.memory_space<vmem>>, vector<1x1x16xf32>,
        %swap3A_262 = vector.shape_cast %swap3A_261 : vector<1x1x16xf32> to vector<16xf32>
        %swap3A_263 = vector.shape_cast %get3A_256 : vector<16xf32> to vector<1x1x16xf32>
        tpu.vector_store %arg11[%swap3A_258, %swap3A_259, %swap3A_260], %swap3A_263 {add = true, strides = array<i32>} : memref<1x56x384xf32, #tpu.memory_space<vmem>>, vector<1x1x16xf32>,
        %get3A_264 = arith.constant 0 : i32
        %get3A_265 = arith.index_cast %get3A_264 : i32 to index
        %get3A_266 = arith.index_cast %scan3A_174 : i32 to index
        %get3A_267 = arith.constant 112 : index
        %get3A_268 = tpu.vector_load %arg13[%get3A_265, %get3A_266, %get3A_267] {strides = array<i32>} : memref<1x56x384xf32, #tpu.memory_space<vmem>>, vector<1x1x16xf32>,
        %get3A_269 = vector.shape_cast %get3A_268 : vector<1x1x16xf32> to vector<16xf32>
        %swap3A_270 = arith.constant 0 : i32
        %swap3A_271 = arith.index_cast %swap3A_270 : i32 to index
        %swap3A_272 = arith.index_cast %scan3A_174 : i32 to index
        %swap3A_273 = arith.constant 112 : index
        %swap3A_274 = tpu.vector_load %arg11[%swap3A_271, %swap3A_272, %swap3A_273] {strides = array<i32>} : memref<1x56x384xf32, #tpu.memory_space<vmem>>, vector<1x1x16xf32>,
        %swap3A_275 = vector.shape_cast %swap3A_274 : vector<1x1x16xf32> to vector<16xf32>
        %swap3A_276 = vector.shape_cast %get3A_269 : vector<16xf32> to vector<1x1x16xf32>
        tpu.vector_store %arg11[%swap3A_271, %swap3A_272, %swap3A_273], %swap3A_276 {add = true, strides = array<i32>} : memref<1x56x384xf32, #tpu.memory_space<vmem>>, vector<1x1x16xf32>,
        %get3A_277 = arith.constant 0 : i32
        %get3A_278 = arith.index_cast %get3A_277 : i32 to index
        %get3A_279 = arith.index_cast %scan3A_174 : i32 to index
        %get3A_280 = arith.constant 128 : index
        %get3A_281 = tpu.vector_load %arg13[%get3A_278, %get3A_279, %get3A_280] {strides = array<i32>} : memref<1x56x384xf32, #tpu.memory_space<vmem>>, vector<1x1x16xf32>,
        %get3A_282 = vector.shape_cast %get3A_281 : vector<1x1x16xf32> to vector<16xf32>
        %swap3A_283 = arith.constant 0 : i32
        %swap3A_284 = arith.index_cast %swap3A_283 : i32 to index
        %swap3A_285 = arith.index_cast %scan3A_174 : i32 to index
        %swap3A_286 = arith.constant 128 : index
        %swap3A_287 = tpu.vector_load %arg11[%swap3A_284, %swap3A_285, %swap3A_286] {strides = array<i32>} : memref<1x56x384xf32, #tpu.memory_space<vmem>>, vector<1x1x16xf32>,
        %swap3A_288 = vector.shape_cast %swap3A_287 : vector<1x1x16xf32> to vector<16xf32>
        %swap3A_289 = vector.shape_cast %get3A_282 : vector<16xf32> to vector<1x1x16xf32>
        tpu.vector_store %arg11[%swap3A_284, %swap3A_285, %swap3A_286], %swap3A_289 {add = true, strides = array<i32>} : memref<1x56x384xf32, #tpu.memory_space<vmem>>, vector<1x1x16xf32>,
        %get3A_290 = arith.constant 0 : i32
        %get3A_291 = arith.index_cast %get3A_290 : i32 to index
        %get3A_292 = arith.index_cast %scan3A_174 : i32 to index
        %get3A_293 = arith.constant 144 : index
        %get3A_294 = tpu.vector_load %arg13[%get3A_291, %get3A_292, %get3A_293] {strides = array<i32>} : memref<1x56x384xf32, #tpu.memory_space<vmem>>, vector<1x1x16xf32>,
        %get3A_295 = vector.shape_cast %get3A_294 : vector<1x1x16xf32> to vector<16xf32>
        %swap3A_296 = arith.constant 0 : i32
        %swap3A_297 = arith.index_cast %swap3A_296 : i32 to index
        %swap3A_298 = arith.index_cast %scan3A_174 : i32 to index
        %swap3A_299 = arith.constant 144 : index
        %swap3A_300 = tpu.vector_load %arg11[%swap3A_297, %swap3A_298, %swap3A_299] {strides = array<i32>} : memref<1x56x384xf32, #tpu.memory_space<vmem>>, vector<1x1x16xf32>,
        %swap3A_301 = vector.shape_cast %swap3A_300 : vector<1x1x16xf32> to vector<16xf32>
        %swap3A_302 = vector.shape_cast %get3A_295 : vector<16xf32> to vector<1x1x16xf32>
        tpu.vector_store %arg11[%swap3A_297, %swap3A_298, %swap3A_299], %swap3A_302 {add = true, strides = array<i32>} : memref<1x56x384xf32, #tpu.memory_space<vmem>>, vector<1x1x16xf32>,
        %get3A_303 = arith.constant 0 : i32
        %get3A_304 = arith.index_cast %get3A_303 : i32 to index
        %get3A_305 = arith.index_cast %scan3A_174 : i32 to index
        %get3A_306 = arith.constant 160 : index
        %get3A_307 = tpu.vector_load %arg13[%get3A_304, %get3A_305, %get3A_306] {strides = array<i32>} : memref<1x56x384xf32, #tpu.memory_space<vmem>>, vector<1x1x16xf32>,
        %get3A_308 = vector.shape_cast %get3A_307 : vector<1x1x16xf32> to vector<16xf32>
        %swap3A_309 = arith.constant 0 : i32
        %swap3A_310 = arith.index_cast %swap3A_309 : i32 to index
        %swap3A_311 = arith.index_cast %scan3A_174 : i32 to index
        %swap3A_312 = arith.constant 160 : index
        %swap3A_313 = tpu.vector_load %arg11[%swap3A_310, %swap3A_311, %swap3A_312] {strides = array<i32>} : memref<1x56x384xf32, #tpu.memory_space<vmem>>, vector<1x1x16xf32>,
        %swap3A_314 = vector.shape_cast %swap3A_313 : vector<1x1x16xf32> to vector<16xf32>
        %swap3A_315 = vector.shape_cast %get3A_308 : vector<16xf32> to vector<1x1x16xf32>
        tpu.vector_store %arg11[%swap3A_310, %swap3A_311, %swap3A_312], %swap3A_315 {add = true, strides = array<i32>} : memref<1x56x384xf32, #tpu.memory_space<vmem>>, vector<1x1x16xf32>,
        %get3A_316 = arith.constant 0 : i32
        %get3A_317 = arith.index_cast %get3A_316 : i32 to index
        %get3A_318 = arith.index_cast %scan3A_174 : i32 to index
        %get3A_319 = arith.constant 176 : index
        %get3A_320 = tpu.vector_load %arg13[%get3A_317, %get3A_318, %get3A_319] {strides = array<i32>} : memref<1x56x384xf32, #tpu.memory_space<vmem>>, vector<1x1x16xf32>,
        %get3A_321 = vector.shape_cast %get3A_320 : vector<1x1x16xf32> to vector<16xf32>
        %swap3A_322 = arith.constant 0 : i32
        %swap3A_323 = arith.index_cast %swap3A_322 : i32 to index
        %swap3A_324 = arith.index_cast %scan3A_174 : i32 to index
        %swap3A_325 = arith.constant 176 : index
        %swap3A_326 = tpu.vector_load %arg11[%swap3A_323, %swap3A_324, %swap3A_325] {strides = array<i32>} : memref<1x56x384xf32, #tpu.memory_space<vmem>>, vector<1x1x16xf32>,
        %swap3A_327 = vector.shape_cast %swap3A_326 : vector<1x1x16xf32> to vector<16xf32>
        %swap3A_328 = vector.shape_cast %get3A_321 : vector<16xf32> to vector<1x1x16xf32>
        tpu.vector_store %arg11[%swap3A_323, %swap3A_324, %swap3A_325], %swap3A_328 {add = true, strides = array<i32>} : memref<1x56x384xf32, #tpu.memory_space<vmem>>, vector<1x1x16xf32>,
        %get3A_329 = arith.constant 0 : i32
        %get3A_330 = arith.index_cast %get3A_329 : i32 to index
        %get3A_331 = arith.index_cast %scan3A_174 : i32 to index
        %get3A_332 = arith.constant 192 : index
        %get3A_333 = tpu.vector_load %arg13[%get3A_330, %get3A_331, %get3A_332] {strides = array<i32>} : memref<1x56x384xf32, #tpu.memory_space<vmem>>, vector<1x1x16xf32>,
        %get3A_334 = vector.shape_cast %get3A_333 : vector<1x1x16xf32> to vector<16xf32>
        %swap3A_335 = arith.constant 0 : i32
        %swap3A_336 = arith.index_cast %swap3A_335 : i32 to index
        %swap3A_337 = arith.index_cast %scan3A_174 : i32 to index
        %swap3A_338 = arith.constant 192 : index
        %swap3A_339 = tpu.vector_load %arg11[%swap3A_336, %swap3A_337, %swap3A_338] {strides = array<i32>} : memref<1x56x384xf32, #tpu.memory_space<vmem>>, vector<1x1x16xf32>,
        %swap3A_340 = vector.shape_cast %swap3A_339 : vector<1x1x16xf32> to vector<16xf32>
        %swap3A_341 = vector.shape_cast %get3A_334 : vector<16xf32> to vector<1x1x16xf32>
        tpu.vector_store %arg11[%swap3A_336, %swap3A_337, %swap3A_338], %swap3A_341 {add = true, strides = array<i32>} : memref<1x56x384xf32, #tpu.memory_space<vmem>>, vector<1x1x16xf32>,
        %get3A_342 = arith.constant 0 : i32
        %get3A_343 = arith.index_cast %get3A_342 : i32 to index
        %get3A_344 = arith.index_cast %scan3A_174 : i32 to index
        %get3A_345 = arith.constant 208 : index
        %get3A_346 = tpu.vector_load %arg13[%get3A_343, %get3A_344, %get3A_345] {strides = array<i32>} : memref<1x56x384xf32, #tpu.memory_space<vmem>>, vector<1x1x16xf32>,
        %get3A_347 = vector.shape_cast %get3A_346 : vector<1x1x16xf32> to vector<16xf32>
        %swap3A_348 = arith.constant 0 : i32
        %swap3A_349 = arith.index_cast %swap3A_348 : i32 to index
        %swap3A_350 = arith.index_cast %scan3A_174 : i32 to index
        %swap3A_351 = arith.constant 208 : index
        %swap3A_352 = tpu.vector_load %arg11[%swap3A_349, %swap3A_350, %swap3A_351] {strides = array<i32>} : memref<1x56x384xf32, #tpu.memory_space<vmem>>, vector<1x1x16xf32>,
        %swap3A_353 = vector.shape_cast %swap3A_352 : vector<1x1x16xf32> to vector<16xf32>
        %swap3A_354 = vector.shape_cast %get3A_347 : vector<16xf32> to vector<1x1x16xf32>
        tpu.vector_store %arg11[%swap3A_349, %swap3A_350, %swap3A_351], %swap3A_354 {add = true, strides = array<i32>} : memref<1x56x384xf32, #tpu.memory_space<vmem>>, vector<1x1x16xf32>,
        %get3A_355 = arith.constant 0 : i32
        %get3A_356 = arith.index_cast %get3A_355 : i32 to index
        %get3A_357 = arith.index_cast %scan3A_174 : i32 to index
        %get3A_358 = arith.constant 224 : index
        %get3A_359 = tpu.vector_load %arg13[%get3A_356, %get3A_357, %get3A_358] {strides = array<i32>} : memref<1x56x384xf32, #tpu.memory_space<vmem>>, vector<1x1x16xf32>,
        %get3A_360 = vector.shape_cast %get3A_359 : vector<1x1x16xf32> to vector<16xf32>
        %swap3A_361 = arith.constant 0 : i32
        %swap3A_362 = arith.index_cast %swap3A_361 : i32 to index
        %swap3A_363 = arith.index_cast %scan3A_174 : i32 to index
        %swap3A_364 = arith.constant 224 : index
        %swap3A_365 = tpu.vector_load %arg11[%swap3A_362, %swap3A_363, %swap3A_364] {strides = array<i32>} : memref<1x56x384xf32, #tpu.memory_space<vmem>>, vector<1x1x16xf32>,
        %swap3A_366 = vector.shape_cast %swap3A_365 : vector<1x1x16xf32> to vector<16xf32>
        %swap3A_367 = vector.shape_cast %get3A_360 : vector<16xf32> to vector<1x1x16xf32>
        tpu.vector_store %arg11[%swap3A_362, %swap3A_363, %swap3A_364], %swap3A_367 {add = true, strides = array<i32>} : memref<1x56x384xf32, #tpu.memory_space<vmem>>, vector<1x1x16xf32>,
        %get3A_368 = arith.constant 0 : i32
        %get3A_369 = arith.index_cast %get3A_368 : i32 to index
        %get3A_370 = arith.index_cast %scan3A_174 : i32 to index
        %get3A_371 = arith.constant 240 : index
        %get3A_372 = tpu.vector_load %arg13[%get3A_369, %get3A_370, %get3A_371] {strides = array<i32>} : memref<1x56x384xf32, #tpu.memory_space<vmem>>, vector<1x1x16xf32>,
        %get3A_373 = vector.shape_cast %get3A_372 : vector<1x1x16xf32> to vector<16xf32>
        %swap3A_374 = arith.constant 0 : i32
        %swap3A_375 = arith.index_cast %swap3A_374 : i32 to index
        %swap3A_376 = arith.index_cast %scan3A_174 : i32 to index
        %swap3A_377 = arith.constant 240 : index
        %swap3A_378 = tpu.vector_load %arg11[%swap3A_375, %swap3A_376, %swap3A_377] {strides = array<i32>} : memref<1x56x384xf32, #tpu.memory_space<vmem>>, vector<1x1x16xf32>,
        %swap3A_379 = vector.shape_cast %swap3A_378 : vector<1x1x16xf32> to vector<16xf32>
        %swap3A_380 = vector.shape_cast %get3A_373 : vector<16xf32> to vector<1x1x16xf32>
        tpu.vector_store %arg11[%swap3A_375, %swap3A_376, %swap3A_377], %swap3A_380 {add = true, strides = array<i32>} : memref<1x56x384xf32, #tpu.memory_space<vmem>>, vector<1x1x16xf32>,
        %get3A_381 = arith.constant 0 : i32
        %get3A_382 = arith.index_cast %get3A_381 : i32 to index
        %get3A_383 = arith.index_cast %scan3A_174 : i32 to index
        %get3A_384 = arith.constant 256 : index
        %get3A_385 = tpu.vector_load %arg13[%get3A_382, %get3A_383, %get3A_384] {strides = array<i32>} : memref<1x56x384xf32, #tpu.memory_space<vmem>>, vector<1x1x16xf32>,
        %get3A_386 = vector.shape_cast %get3A_385 : vector<1x1x16xf32> to vector<16xf32>
        %swap3A_387 = arith.constant 0 : i32
        %swap3A_388 = arith.index_cast %swap3A_387 : i32 to index
        %swap3A_389 = arith.index_cast %scan3A_174 : i32 to index
        %swap3A_390 = arith.constant 256 : index
        %swap3A_391 = tpu.vector_load %arg11[%swap3A_388, %swap3A_389, %swap3A_390] {strides = array<i32>} : memref<1x56x384xf32, #tpu.memory_space<vmem>>, vector<1x1x16xf32>,
        %swap3A_392 = vector.shape_cast %swap3A_391 : vector<1x1x16xf32> to vector<16xf32>
        %swap3A_393 = vector.shape_cast %get3A_386 : vector<16xf32> to vector<1x1x16xf32>
        tpu.vector_store %arg11[%swap3A_388, %swap3A_389, %swap3A_390], %swap3A_393 {add = true, strides = array<i32>} : memref<1x56x384xf32, #tpu.memory_space<vmem>>, vector<1x1x16xf32>,
        %get3A_394 = arith.constant 0 : i32
        %get3A_395 = arith.index_cast %get3A_394 : i32 to index
        %get3A_396 = arith.index_cast %scan3A_174 : i32 to index
        %get3A_397 = arith.constant 272 : index
        %get3A_398 = tpu.vector_load %arg13[%get3A_395, %get3A_396, %get3A_397] {strides = array<i32>} : memref<1x56x384xf32, #tpu.memory_space<vmem>>, vector<1x1x16xf32>,
        %get3A_399 = vector.shape_cast %get3A_398 : vector<1x1x16xf32> to vector<16xf32>
        %swap3A_400 = arith.constant 0 : i32
        %swap3A_401 = arith.index_cast %swap3A_400 : i32 to index
        %swap3A_402 = arith.index_cast %scan3A_174 : i32 to index
        %swap3A_403 = arith.constant 272 : index
        %swap3A_404 = tpu.vector_load %arg11[%swap3A_401, %swap3A_402, %swap3A_403] {strides = array<i32>} : memref<1x56x384xf32, #tpu.memory_space<vmem>>, vector<1x1x16xf32>,
        %swap3A_405 = vector.shape_cast %swap3A_404 : vector<1x1x16xf32> to vector<16xf32>
        %swap3A_406 = vector.shape_cast %get3A_399 : vector<16xf32> to vector<1x1x16xf32>
        tpu.vector_store %arg11[%swap3A_401, %swap3A_402, %swap3A_403], %swap3A_406 {add = true, strides = array<i32>} : memref<1x56x384xf32, #tpu.memory_space<vmem>>, vector<1x1x16xf32>,
        %get3A_407 = arith.constant 0 : i32
        %get3A_408 = arith.index_cast %get3A_407 : i32 to index
        %get3A_409 = arith.index_cast %scan3A_174 : i32 to index
        %get3A_410 = arith.constant 288 : index
        %get3A_411 = tpu.vector_load %arg13[%get3A_408, %get3A_409, %get3A_410] {strides = array<i32>} : memref<1x56x384xf32, #tpu.memory_space<vmem>>, vector<1x1x16xf32>,
        %get3A_412 = vector.shape_cast %get3A_411 : vector<1x1x16xf32> to vector<16xf32>
        %swap3A_413 = arith.constant 0 : i32
        %swap3A_414 = arith.index_cast %swap3A_413 : i32 to index
        %swap3A_415 = arith.index_cast %scan3A_174 : i32 to index
        %swap3A_416 = arith.constant 288 : index
        %swap3A_417 = tpu.vector_load %arg11[%swap3A_414, %swap3A_415, %swap3A_416] {strides = array<i32>} : memref<1x56x384xf32, #tpu.memory_space<vmem>>, vector<1x1x16xf32>,
        %swap3A_418 = vector.shape_cast %swap3A_417 : vector<1x1x16xf32> to vector<16xf32>
        %swap3A_419 = vector.shape_cast %get3A_412 : vector<16xf32> to vector<1x1x16xf32>
        tpu.vector_store %arg11[%swap3A_414, %swap3A_415, %swap3A_416], %swap3A_419 {add = true, strides = array<i32>} : memref<1x56x384xf32, #tpu.memory_space<vmem>>, vector<1x1x16xf32>,
        %get3A_420 = arith.constant 0 : i32
        %get3A_421 = arith.index_cast %get3A_420 : i32 to index
        %get3A_422 = arith.index_cast %scan3A_174 : i32 to index
        %get3A_423 = arith.constant 304 : index
        %get3A_424 = tpu.vector_load %arg13[%get3A_421, %get3A_422, %get3A_423] {strides = array<i32>} : memref<1x56x384xf32, #tpu.memory_space<vmem>>, vector<1x1x16xf32>,
        %get3A_425 = vector.shape_cast %get3A_424 : vector<1x1x16xf32> to vector<16xf32>
        %swap3A_426 = arith.constant 0 : i32
        %swap3A_427 = arith.index_cast %swap3A_426 : i32 to index
        %swap3A_428 = arith.index_cast %scan3A_174 : i32 to index
        %swap3A_429 = arith.constant 304 : index
        %swap3A_430 = tpu.vector_load %arg11[%swap3A_427, %swap3A_428, %swap3A_429] {strides = array<i32>} : memref<1x56x384xf32, #tpu.memory_space<vmem>>, vector<1x1x16xf32>,
        %swap3A_431 = vector.shape_cast %swap3A_430 : vector<1x1x16xf32> to vector<16xf32>
        %swap3A_432 = vector.shape_cast %get3A_425 : vector<16xf32> to vector<1x1x16xf32>
        tpu.vector_store %arg11[%swap3A_427, %swap3A_428, %swap3A_429], %swap3A_432 {add = true, strides = array<i32>} : memref<1x56x384xf32, #tpu.memory_space<vmem>>, vector<1x1x16xf32>,
        %get3A_433 = arith.constant 0 : i32
        %get3A_434 = arith.index_cast %get3A_433 : i32 to index
        %get3A_435 = arith.index_cast %scan3A_174 : i32 to index
        %get3A_436 = arith.constant 320 : index
        %get3A_437 = tpu.vector_load %arg13[%get3A_434, %get3A_435, %get3A_436] {strides = array<i32>} : memref<1x56x384xf32, #tpu.memory_space<vmem>>, vector<1x1x16xf32>,
        %get3A_438 = vector.shape_cast %get3A_437 : vector<1x1x16xf32> to vector<16xf32>
        %swap3A_439 = arith.constant 0 : i32
        %swap3A_440 = arith.index_cast %swap3A_439 : i32 to index
        %swap3A_441 = arith.index_cast %scan3A_174 : i32 to index
        %swap3A_442 = arith.constant 320 : index
        %swap3A_443 = tpu.vector_load %arg11[%swap3A_440, %swap3A_441, %swap3A_442] {strides = array<i32>} : memref<1x56x384xf32, #tpu.memory_space<vmem>>, vector<1x1x16xf32>,
        %swap3A_444 = vector.shape_cast %swap3A_443 : vector<1x1x16xf32> to vector<16xf32>
        %swap3A_445 = vector.shape_cast %get3A_438 : vector<16xf32> to vector<1x1x16xf32>
        tpu.vector_store %arg11[%swap3A_440, %swap3A_441, %swap3A_442], %swap3A_445 {add = true, strides = array<i32>} : memref<1x56x384xf32, #tpu.memory_space<vmem>>, vector<1x1x16xf32>,
        %get3A_446 = arith.constant 0 : i32
        %get3A_447 = arith.index_cast %get3A_446 : i32 to index
        %get3A_448 = arith.index_cast %scan3A_174 : i32 to index
        %get3A_449 = arith.constant 336 : index
        %get3A_450 = tpu.vector_load %arg13[%get3A_447, %get3A_448, %get3A_449] {strides = array<i32>} : memref<1x56x384xf32, #tpu.memory_space<vmem>>, vector<1x1x16xf32>,
        %get3A_451 = vector.shape_cast %get3A_450 : vector<1x1x16xf32> to vector<16xf32>
        %swap3A_452 = arith.constant 0 : i32
        %swap3A_453 = arith.index_cast %swap3A_452 : i32 to index
        %swap3A_454 = arith.index_cast %scan3A_174 : i32 to index
        %swap3A_455 = arith.constant 336 : index
        %swap3A_456 = tpu.vector_load %arg11[%swap3A_453, %swap3A_454, %swap3A_455] {strides = array<i32>} : memref<1x56x384xf32, #tpu.memory_space<vmem>>, vector<1x1x16xf32>,
        %swap3A_457 = vector.shape_cast %swap3A_456 : vector<1x1x16xf32> to vector<16xf32>
        %swap3A_458 = vector.shape_cast %get3A_451 : vector<16xf32> to vector<1x1x16xf32>
        tpu.vector_store %arg11[%swap3A_453, %swap3A_454, %swap3A_455], %swap3A_458 {add = true, strides = array<i32>} : memref<1x56x384xf32, #tpu.memory_space<vmem>>, vector<1x1x16xf32>,
        %get3A_459 = arith.constant 0 : i32
        %get3A_460 = arith.index_cast %get3A_459 : i32 to index
        %get3A_461 = arith.index_cast %scan3A_174 : i32 to index
        %get3A_462 = arith.constant 352 : index
        %get3A_463 = tpu.vector_load %arg13[%get3A_460, %get3A_461, %get3A_462] {strides = array<i32>} : memref<1x56x384xf32, #tpu.memory_space<vmem>>, vector<1x1x16xf32>,
        %get3A_464 = vector.shape_cast %get3A_463 : vector<1x1x16xf32> to vector<16xf32>
        %swap3A_465 = arith.constant 0 : i32
        %swap3A_466 = arith.index_cast %swap3A_465 : i32 to index
        %swap3A_467 = arith.index_cast %scan3A_174 : i32 to index
        %swap3A_468 = arith.constant 352 : index
        %swap3A_469 = tpu.vector_load %arg11[%swap3A_466, %swap3A_467, %swap3A_468] {strides = array<i32>} : memref<1x56x384xf32, #tpu.memory_space<vmem>>, vector<1x1x16xf32>,
        %swap3A_470 = vector.shape_cast %swap3A_469 : vector<1x1x16xf32> to vector<16xf32>
        %swap3A_471 = vector.shape_cast %get3A_464 : vector<16xf32> to vector<1x1x16xf32>
        tpu.vector_store %arg11[%swap3A_466, %swap3A_467, %swap3A_468], %swap3A_471 {add = true, strides = array<i32>} : memref<1x56x384xf32, #tpu.memory_space<vmem>>, vector<1x1x16xf32>,
        %get3A_472 = arith.constant 0 : i32
        %get3A_473 = arith.index_cast %get3A_472 : i32 to index
        %get3A_474 = arith.index_cast %scan3A_174 : i32 to index
        %get3A_475 = arith.constant 368 : index
        %get3A_476 = tpu.vector_load %arg13[%get3A_473, %get3A_474, %get3A_475] {strides = array<i32>} : memref<1x56x384xf32, #tpu.memory_space<vmem>>, vector<1x1x16xf32>,
        %get3A_477 = vector.shape_cast %get3A_476 : vector<1x1x16xf32> to vector<16xf32>
        %swap3A_478 = arith.constant 0 : i32
        %swap3A_479 = arith.index_cast %swap3A_478 : i32 to index
        %swap3A_480 = arith.index_cast %scan3A_174 : i32 to index
        %swap3A_481 = arith.constant 368 : index
        %swap3A_482 = tpu.vector_load %arg11[%swap3A_479, %swap3A_480, %swap3A_481] {strides = array<i32>} : memref<1x56x384xf32, #tpu.memory_space<vmem>>, vector<1x1x16xf32>,
        %swap3A_483 = vector.shape_cast %swap3A_482 : vector<1x1x16xf32> to vector<16xf32>
        %swap3A_484 = vector.shape_cast %get3A_477 : vector<16xf32> to vector<1x1x16xf32>
        tpu.vector_store %arg11[%swap3A_479, %swap3A_480, %swap3A_481], %swap3A_484 {add = true, strides = array<i32>} : memref<1x56x384xf32, #tpu.memory_space<vmem>>, vector<1x1x16xf32>,
        %scan3A_485 = arith.constant 1 : i32
        %scan3A_486 = arith.addi %scan3A_174, %scan3A_485 : i32
        %get3A_487 = arith.constant 0 : i32
        %get3A_488 = arith.index_cast %get3A_487 : i32 to index
        %get3A_489 = arith.index_cast %scan3A_486 : i32 to index
        %get3A_490 = arith.constant 0 : index
        %get3A_491 = tpu.vector_load %arg13[%get3A_488, %get3A_489, %get3A_490] {strides = array<i32>} : memref<1x56x384xf32, #tpu.memory_space<vmem>>, vector<1x1x16xf32>,
        %get3A_492 = vector.shape_cast %get3A_491 : vector<1x1x16xf32> to vector<16xf32>
        %swap3A_493 = arith.constant 0 : i32
        %swap3A_494 = arith.index_cast %swap3A_493 : i32 to index
        %swap3A_495 = arith.index_cast %scan3A_486 : i32 to index
        %swap3A_496 = arith.constant 0 : index
        %swap3A_497 = tpu.vector_load %arg11[%swap3A_494, %swap3A_495, %swap3A_496] {strides = array<i32>} : memref<1x56x384xf32, #tpu.memory_space<vmem>>, vector<1x1x16xf32>,
        %swap3A_498 = vector.shape_cast %swap3A_497 : vector<1x1x16xf32> to vector<16xf32>
        %swap3A_499 = vector.shape_cast %get3A_492 : vector<16xf32> to vector<1x1x16xf32>
        tpu.vector_store %arg11[%swap3A_494, %swap3A_495, %swap3A_496], %swap3A_499 {add = true, strides = array<i32>} : memref<1x56x384xf32, #tpu.memory_space<vmem>>, vector<1x1x16xf32>,
        %get3A_500 = arith.constant 0 : i32
        %get3A_501 = arith.index_cast %get3A_500 : i32 to index
        %get3A_502 = arith.index_cast %scan3A_486 : i32 to index
        %get3A_503 = arith.constant 16 : index
        %get3A_504 = tpu.vector_load %arg13[%get3A_501, %get3A_502, %get3A_503] {strides = array<i32>} : memref<1x56x384xf32, #tpu.memory_space<vmem>>, vector<1x1x16xf32>,
        %get3A_505 = vector.shape_cast %get3A_504 : vector<1x1x16xf32> to vector<16xf32>
        %swap3A_506 = arith.constant 0 : i32
        %swap3A_507 = arith.index_cast %swap3A_506 : i32 to index
        %swap3A_508 = arith.index_cast %scan3A_486 : i32 to index
        %swap3A_509 = arith.constant 16 : index
        %swap3A_510 = tpu.vector_load %arg11[%swap3A_507, %swap3A_508, %swap3A_509] {strides = array<i32>} : memref<1x56x384xf32, #tpu.memory_space<vmem>>, vector<1x1x16xf32>,
        %swap3A_511 = vector.shape_cast %swap3A_510 : vector<1x1x16xf32> to vector<16xf32>
        %swap3A_512 = vector.shape_cast %get3A_505 : vector<16xf32> to vector<1x1x16xf32>
        tpu.vector_store %arg11[%swap3A_507, %swap3A_508, %swap3A_509], %swap3A_512 {add = true, strides = array<i32>} : memref<1x56x384xf32, #tpu.memory_space<vmem>>, vector<1x1x16xf32>,
        %get3A_513 = arith.constant 0 : i32
        %get3A_514 = arith.index_cast %get3A_513 : i32 to index
        %get3A_515 = arith.index_cast %scan3A_486 : i32 to index
        %get3A_516 = arith.constant 32 : index
        %get3A_517 = tpu.vector_load %arg13[%get3A_514, %get3A_515, %get3A_516] {strides = array<i32>} : memref<1x56x384xf32, #tpu.memory_space<vmem>>, vector<1x1x16xf32>,
        %get3A_518 = vector.shape_cast %get3A_517 : vector<1x1x16xf32> to vector<16xf32>
        %swap3A_519 = arith.constant 0 : i32
        %swap3A_520 = arith.index_cast %swap3A_519 : i32 to index
        %swap3A_521 = arith.index_cast %scan3A_486 : i32 to index
        %swap3A_522 = arith.constant 32 : index
        %swap3A_523 = tpu.vector_load %arg11[%swap3A_520, %swap3A_521, %swap3A_522] {strides = array<i32>} : memref<1x56x384xf32, #tpu.memory_space<vmem>>, vector<1x1x16xf32>,
        %swap3A_524 = vector.shape_cast %swap3A_523 : vector<1x1x16xf32> to vector<16xf32>
        %swap3A_525 = vector.shape_cast %get3A_518 : vector<16xf32> to vector<1x1x16xf32>
        tpu.vector_store %arg11[%swap3A_520, %swap3A_521, %swap3A_522], %swap3A_525 {add = true, strides = array<i32>} : memref<1x56x384xf32, #tpu.memory_space<vmem>>, vector<1x1x16xf32>,
        %get3A_526 = arith.constant 0 : i32
        %get3A_527 = arith.index_cast %get3A_526 : i32 to index
        %get3A_528 = arith.index_cast %scan3A_486 : i32 to index
        %get3A_529 = arith.constant 48 : index
        %get3A_530 = tpu.vector_load %arg13[%get3A_527, %get3A_528, %get3A_529] {strides = array<i32>} : memref<1x56x384xf32, #tpu.memory_space<vmem>>, vector<1x1x16xf32>,
        %get3A_531 = vector.shape_cast %get3A_530 : vector<1x1x16xf32> to vector<16xf32>
        %swap3A_532 = arith.constant 0 : i32
        %swap3A_533 = arith.index_cast %swap3A_532 : i32 to index
        %swap3A_534 = arith.index_cast %scan3A_486 : i32 to index
        %swap3A_535 = arith.constant 48 : index
        %swap3A_536 = tpu.vector_load %arg11[%swap3A_533, %swap3A_534, %swap3A_535] {strides = array<i32>} : memref<1x56x384xf32, #tpu.memory_space<vmem>>, vector<1x1x16xf32>,
        %swap3A_537 = vector.shape_cast %swap3A_536 : vector<1x1x16xf32> to vector<16xf32>
        %swap3A_538 = vector.shape_cast %get3A_531 : vector<16xf32> to vector<1x1x16xf32>
        tpu.vector_store %arg11[%swap3A_533, %swap3A_534, %swap3A_535], %swap3A_538 {add = true, strides = array<i32>} : memref<1x56x384xf32, #tpu.memory_space<vmem>>, vector<1x1x16xf32>,
        %get3A_539 = arith.constant 0 : i32
        %get3A_540 = arith.index_cast %get3A_539 : i32 to index
        %get3A_541 = arith.index_cast %scan3A_486 : i32 to index
        %get3A_542 = arith.constant 64 : index
        %get3A_543 = tpu.vector_load %arg13[%get3A_540, %get3A_541, %get3A_542] {strides = array<i32>} : memref<1x56x384xf32, #tpu.memory_space<vmem>>, vector<1x1x16xf32>,
        %get3A_544 = vector.shape_cast %get3A_543 : vector<1x1x16xf32> to vector<16xf32>
        %swap3A_545 = arith.constant 0 : i32
        %swap3A_546 = arith.index_cast %swap3A_545 : i32 to index
        %swap3A_547 = arith.index_cast %scan3A_486 : i32 to index
        %swap3A_548 = arith.constant 64 : index
        %swap3A_549 = tpu.vector_load %arg11[%swap3A_546, %swap3A_547, %swap3A_548] {strides = array<i32>} : memref<1x56x384xf32, #tpu.memory_space<vmem>>, vector<1x1x16xf32>,
        %swap3A_550 = vector.shape_cast %swap3A_549 : vector<1x1x16xf32> to vector<16xf32>
        %swap3A_551 = vector.shape_cast %get3A_544 : vector<16xf32> to vector<1x1x16xf32>
        tpu.vector_store %arg11[%swap3A_546, %swap3A_547, %swap3A_548], %swap3A_551 {add = true, strides = array<i32>} : memref<1x56x384xf32, #tpu.memory_space<vmem>>, vector<1x1x16xf32>,
        %get3A_552 = arith.constant 0 : i32
        %get3A_553 = arith.index_cast %get3A_552 : i32 to index
        %get3A_554 = arith.index_cast %scan3A_486 : i32 to index
        %get3A_555 = arith.constant 80 : index
        %get3A_556 = tpu.vector_load %arg13[%get3A_553, %get3A_554, %get3A_555] {strides = array<i32>} : memref<1x56x384xf32, #tpu.memory_space<vmem>>, vector<1x1x16xf32>,
        %get3A_557 = vector.shape_cast %get3A_556 : vector<1x1x16xf32> to vector<16xf32>
        %swap3A_558 = arith.constant 0 : i32
        %swap3A_559 = arith.index_cast %swap3A_558 : i32 to index
        %swap3A_560 = arith.index_cast %scan3A_486 : i32 to index
        %swap3A_561 = arith.constant 80 : index
        %swap3A_562 = tpu.vector_load %arg11[%swap3A_559, %swap3A_560, %swap3A_561] {strides = array<i32>} : memref<1x56x384xf32, #tpu.memory_space<vmem>>, vector<1x1x16xf32>,
        %swap3A_563 = vector.shape_cast %swap3A_562 : vector<1x1x16xf32> to vector<16xf32>
        %swap3A_564 = vector.shape_cast %get3A_557 : vector<16xf32> to vector<1x1x16xf32>
        tpu.vector_store %arg11[%swap3A_559, %swap3A_560, %swap3A_561], %swap3A_564 {add = true, strides = array<i32>} : memref<1x56x384xf32, #tpu.memory_space<vmem>>, vector<1x1x16xf32>,
        %get3A_565 = arith.constant 0 : i32
        %get3A_566 = arith.index_cast %get3A_565 : i32 to index
        %get3A_567 = arith.index_cast %scan3A_486 : i32 to index
        %get3A_568 = arith.constant 96 : index
        %get3A_569 = tpu.vector_load %arg13[%get3A_566, %get3A_567, %get3A_568] {strides = array<i32>} : memref<1x56x384xf32, #tpu.memory_space<vmem>>, vector<1x1x16xf32>,
        %get3A_570 = vector.shape_cast %get3A_569 : vector<1x1x16xf32> to vector<16xf32>
        %swap3A_571 = arith.constant 0 : i32
        %swap3A_572 = arith.index_cast %swap3A_571 : i32 to index
        %swap3A_573 = arith.index_cast %scan3A_486 : i32 to index
        %swap3A_574 = arith.constant 96 : index
        %swap3A_575 = tpu.vector_load %arg11[%swap3A_572, %swap3A_573, %swap3A_574] {strides = array<i32>} : memref<1x56x384xf32, #tpu.memory_space<vmem>>, vector<1x1x16xf32>,
        %swap3A_576 = vector.shape_cast %swap3A_575 : vector<1x1x16xf32> to vector<16xf32>
        %swap3A_577 = vector.shape_cast %get3A_570 : vector<16xf32> to vector<1x1x16xf32>
        tpu.vector_store %arg11[%swap3A_572, %swap3A_573, %swap3A_574], %swap3A_577 {add = true, strides = array<i32>} : memref<1x56x384xf32, #tpu.memory_space<vmem>>, vector<1x1x16xf32>,
        %get3A_578 = arith.constant 0 : i32
        %get3A_579 = arith.index_cast %get3A_578 : i32 to index
        %get3A_580 = arith.index_cast %scan3A_486 : i32 to index
        %get3A_581 = arith.constant 112 : index
        %get3A_582 = tpu.vector_load %arg13[%get3A_579, %get3A_580, %get3A_581] {strides = array<i32>} : memref<1x56x384xf32, #tpu.memory_space<vmem>>, vector<1x1x16xf32>,
        %get3A_583 = vector.shape_cast %get3A_582 : vector<1x1x16xf32> to vector<16xf32>
        %swap3A_584 = arith.constant 0 : i32
        %swap3A_585 = arith.index_cast %swap3A_584 : i32 to index
        %swap3A_586 = arith.index_cast %scan3A_486 : i32 to index
        %swap3A_587 = arith.constant 112 : index
        %swap3A_588 = tpu.vector_load %arg11[%swap3A_585, %swap3A_586, %swap3A_587] {strides = array<i32>} : memref<1x56x384xf32, #tpu.memory_space<vmem>>, vector<1x1x16xf32>,
        %swap3A_589 = vector.shape_cast %swap3A_588 : vector<1x1x16xf32> to vector<16xf32>
        %swap3A_590 = vector.shape_cast %get3A_583 : vector<16xf32> to vector<1x1x16xf32>
        tpu.vector_store %arg11[%swap3A_585, %swap3A_586, %swap3A_587], %swap3A_590 {add = true, strides = array<i32>} : memref<1x56x384xf32, #tpu.memory_space<vmem>>, vector<1x1x16xf32>,
        %get3A_591 = arith.constant 0 : i32
        %get3A_592 = arith.index_cast %get3A_591 : i32 to index
        %get3A_593 = arith.index_cast %scan3A_486 : i32 to index
        %get3A_594 = arith.constant 128 : index
        %get3A_595 = tpu.vector_load %arg13[%get3A_592, %get3A_593, %get3A_594] {strides = array<i32>} : memref<1x56x384xf32, #tpu.memory_space<vmem>>, vector<1x1x16xf32>,
        %get3A_596 = vector.shape_cast %get3A_595 : vector<1x1x16xf32> to vector<16xf32>
        %swap3A_597 = arith.constant 0 : i32
        %swap3A_598 = arith.index_cast %swap3A_597 : i32 to index
        %swap3A_599 = arith.index_cast %scan3A_486 : i32 to index
        %swap3A_600 = arith.constant 128 : index
        %swap3A_601 = tpu.vector_load %arg11[%swap3A_598, %swap3A_599, %swap3A_600] {strides = array<i32>} : memref<1x56x384xf32, #tpu.memory_space<vmem>>, vector<1x1x16xf32>,
        %swap3A_602 = vector.shape_cast %swap3A_601 : vector<1x1x16xf32> to vector<16xf32>
        %swap3A_603 = vector.shape_cast %get3A_596 : vector<16xf32> to vector<1x1x16xf32>
        tpu.vector_store %arg11[%swap3A_598, %swap3A_599, %swap3A_600], %swap3A_603 {add = true, strides = array<i32>} : memref<1x56x384xf32, #tpu.memory_space<vmem>>, vector<1x1x16xf32>,
        %get3A_604 = arith.constant 0 : i32
        %get3A_605 = arith.index_cast %get3A_604 : i32 to index
        %get3A_606 = arith.index_cast %scan3A_486 : i32 to index
        %get3A_607 = arith.constant 144 : index
        %get3A_608 = tpu.vector_load %arg13[%get3A_605, %get3A_606, %get3A_607] {strides = array<i32>} : memref<1x56x384xf32, #tpu.memory_space<vmem>>, vector<1x1x16xf32>,
        %get3A_609 = vector.shape_cast %get3A_608 : vector<1x1x16xf32> to vector<16xf32>
        %swap3A_610 = arith.constant 0 : i32
        %swap3A_611 = arith.index_cast %swap3A_610 : i32 to index
        %swap3A_612 = arith.index_cast %scan3A_486 : i32 to index
        %swap3A_613 = arith.constant 144 : index
        %swap3A_614 = tpu.vector_load %arg11[%swap3A_611, %swap3A_612, %swap3A_613] {strides = array<i32>} : memref<1x56x384xf32, #tpu.memory_space<vmem>>, vector<1x1x16xf32>,
        %swap3A_615 = vector.shape_cast %swap3A_614 : vector<1x1x16xf32> to vector<16xf32>
        %swap3A_616 = vector.shape_cast %get3A_609 : vector<16xf32> to vector<1x1x16xf32>
        tpu.vector_store %arg11[%swap3A_611, %swap3A_612, %swap3A_613], %swap3A_616 {add = true, strides = array<i32>} : memref<1x56x384xf32, #tpu.memory_space<vmem>>, vector<1x1x16xf32>,
        %get3A_617 = arith.constant 0 : i32
        %get3A_618 = arith.index_cast %get3A_617 : i32 to index
        %get3A_619 = arith.index_cast %scan3A_486 : i32 to index
        %get3A_620 = arith.constant 160 : index
        %get3A_621 = tpu.vector_load %arg13[%get3A_618, %get3A_619, %get3A_620] {strides = array<i32>} : memref<1x56x384xf32, #tpu.memory_space<vmem>>, vector<1x1x16xf32>,
        %get3A_622 = vector.shape_cast %get3A_621 : vector<1x1x16xf32> to vector<16xf32>
        %swap3A_623 = arith.constant 0 : i32
        %swap3A_624 = arith.index_cast %swap3A_623 : i32 to index
        %swap3A_625 = arith.index_cast %scan3A_486 : i32 to index
        %swap3A_626 = arith.constant 160 : index
        %swap3A_627 = tpu.vector_load %arg11[%swap3A_624, %swap3A_625, %swap3A_626] {strides = array<i32>} : memref<1x56x384xf32, #tpu.memory_space<vmem>>, vector<1x1x16xf32>,
        %swap3A_628 = vector.shape_cast %swap3A_627 : vector<1x1x16xf32> to vector<16xf32>
        %swap3A_629 = vector.shape_cast %get3A_622 : vector<16xf32> to vector<1x1x16xf32>
        tpu.vector_store %arg11[%swap3A_624, %swap3A_625, %swap3A_626], %swap3A_629 {add = true, strides = array<i32>} : memref<1x56x384xf32, #tpu.memory_space<vmem>>, vector<1x1x16xf32>,
        %get3A_630 = arith.constant 0 : i32
        %get3A_631 = arith.index_cast %get3A_630 : i32 to index
        %get3A_632 = arith.index_cast %scan3A_486 : i32 to index
        %get3A_633 = arith.constant 176 : index
        %get3A_634 = tpu.vector_load %arg13[%get3A_631, %get3A_632, %get3A_633] {strides = array<i32>} : memref<1x56x384xf32, #tpu.memory_space<vmem>>, vector<1x1x16xf32>,
        %get3A_635 = vector.shape_cast %get3A_634 : vector<1x1x16xf32> to vector<16xf32>
        %swap3A_636 = arith.constant 0 : i32
        %swap3A_637 = arith.index_cast %swap3A_636 : i32 to index
        %swap3A_638 = arith.index_cast %scan3A_486 : i32 to index
        %swap3A_639 = arith.constant 176 : index
        %swap3A_640 = tpu.vector_load %arg11[%swap3A_637, %swap3A_638, %swap3A_639] {strides = array<i32>} : memref<1x56x384xf32, #tpu.memory_space<vmem>>, vector<1x1x16xf32>,
        %swap3A_641 = vector.shape_cast %swap3A_640 : vector<1x1x16xf32> to vector<16xf32>
        %swap3A_642 = vector.shape_cast %get3A_635 : vector<16xf32> to vector<1x1x16xf32>
        tpu.vector_store %arg11[%swap3A_637, %swap3A_638, %swap3A_639], %swap3A_642 {add = true, strides = array<i32>} : memref<1x56x384xf32, #tpu.memory_space<vmem>>, vector<1x1x16xf32>,
        %get3A_643 = arith.constant 0 : i32
        %get3A_644 = arith.index_cast %get3A_643 : i32 to index
        %get3A_645 = arith.index_cast %scan3A_486 : i32 to index
        %get3A_646 = arith.constant 192 : index
        %get3A_647 = tpu.vector_load %arg13[%get3A_644, %get3A_645, %get3A_646] {strides = array<i32>} : memref<1x56x384xf32, #tpu.memory_space<vmem>>, vector<1x1x16xf32>,
        %get3A_648 = vector.shape_cast %get3A_647 : vector<1x1x16xf32> to vector<16xf32>
        %swap3A_649 = arith.constant 0 : i32
        %swap3A_650 = arith.index_cast %swap3A_649 : i32 to index
        %swap3A_651 = arith.index_cast %scan3A_486 : i32 to index
        %swap3A_652 = arith.constant 192 : index
        %swap3A_653 = tpu.vector_load %arg11[%swap3A_650, %swap3A_651, %swap3A_652] {strides = array<i32>} : memref<1x56x384xf32, #tpu.memory_space<vmem>>, vector<1x1x16xf32>,
        %swap3A_654 = vector.shape_cast %swap3A_653 : vector<1x1x16xf32> to vector<16xf32>
        %swap3A_655 = vector.shape_cast %get3A_648 : vector<16xf32> to vector<1x1x16xf32>
        tpu.vector_store %arg11[%swap3A_650, %swap3A_651, %swap3A_652], %swap3A_655 {add = true, strides = array<i32>} : memref<1x56x384xf32, #tpu.memory_space<vmem>>, vector<1x1x16xf32>,
        %get3A_656 = arith.constant 0 : i32
        %get3A_657 = arith.index_cast %get3A_656 : i32 to index
        %get3A_658 = arith.index_cast %scan3A_486 : i32 to index
        %get3A_659 = arith.constant 208 : index
        %get3A_660 = tpu.vector_load %arg13[%get3A_657, %get3A_658, %get3A_659] {strides = array<i32>} : memref<1x56x384xf32, #tpu.memory_space<vmem>>, vector<1x1x16xf32>,
        %get3A_661 = vector.shape_cast %get3A_660 : vector<1x1x16xf32> to vector<16xf32>
        %swap3A_662 = arith.constant 0 : i32
        %swap3A_663 = arith.index_cast %swap3A_662 : i32 to index
        %swap3A_664 = arith.index_cast %scan3A_486 : i32 to index
        %swap3A_665 = arith.constant 208 : index
        %swap3A_666 = tpu.vector_load %arg11[%swap3A_663, %swap3A_664, %swap3A_665] {strides = array<i32>} : memref<1x56x384xf32, #tpu.memory_space<vmem>>, vector<1x1x16xf32>,
        %swap3A_667 = vector.shape_cast %swap3A_666 : vector<1x1x16xf32> to vector<16xf32>
        %swap3A_668 = vector.shape_cast %get3A_661 : vector<16xf32> to vector<1x1x16xf32>
        tpu.vector_store %arg11[%swap3A_663, %swap3A_664, %swap3A_665], %swap3A_668 {add = true, strides = array<i32>} : memref<1x56x384xf32, #tpu.memory_space<vmem>>, vector<1x1x16xf32>,
        %get3A_669 = arith.constant 0 : i32
        %get3A_670 = arith.index_cast %get3A_669 : i32 to index
        %get3A_671 = arith.index_cast %scan3A_486 : i32 to index
        %get3A_672 = arith.constant 224 : index
        %get3A_673 = tpu.vector_load %arg13[%get3A_670, %get3A_671, %get3A_672] {strides = array<i32>} : memref<1x56x384xf32, #tpu.memory_space<vmem>>, vector<1x1x16xf32>,
        %get3A_674 = vector.shape_cast %get3A_673 : vector<1x1x16xf32> to vector<16xf32>
        %swap3A_675 = arith.constant 0 : i32
        %swap3A_676 = arith.index_cast %swap3A_675 : i32 to index
        %swap3A_677 = arith.index_cast %scan3A_486 : i32 to index
        %swap3A_678 = arith.constant 224 : index
        %swap3A_679 = tpu.vector_load %arg11[%swap3A_676, %swap3A_677, %swap3A_678] {strides = array<i32>} : memref<1x56x384xf32, #tpu.memory_space<vmem>>, vector<1x1x16xf32>,
        %swap3A_680 = vector.shape_cast %swap3A_679 : vector<1x1x16xf32> to vector<16xf32>
        %swap3A_681 = vector.shape_cast %get3A_674 : vector<16xf32> to vector<1x1x16xf32>
        tpu.vector_store %arg11[%swap3A_676, %swap3A_677, %swap3A_678], %swap3A_681 {add = true, strides = array<i32>} : memref<1x56x384xf32, #tpu.memory_space<vmem>>, vector<1x1x16xf32>,
        %get3A_682 = arith.constant 0 : i32
        %get3A_683 = arith.index_cast %get3A_682 : i32 to index
        %get3A_684 = arith.index_cast %scan3A_486 : i32 to index
        %get3A_685 = arith.constant 240 : index
        %get3A_686 = tpu.vector_load %arg13[%get3A_683, %get3A_684, %get3A_685] {strides = array<i32>} : memref<1x56x384xf32, #tpu.memory_space<vmem>>, vector<1x1x16xf32>,
        %get3A_687 = vector.shape_cast %get3A_686 : vector<1x1x16xf32> to vector<16xf32>
        %swap3A_688 = arith.constant 0 : i32
        %swap3A_689 = arith.index_cast %swap3A_688 : i32 to index
        %swap3A_690 = arith.index_cast %scan3A_486 : i32 to index
        %swap3A_691 = arith.constant 240 : index
        %swap3A_692 = tpu.vector_load %arg11[%swap3A_689, %swap3A_690, %swap3A_691] {strides = array<i32>} : memref<1x56x384xf32, #tpu.memory_space<vmem>>, vector<1x1x16xf32>,
        %swap3A_693 = vector.shape_cast %swap3A_692 : vector<1x1x16xf32> to vector<16xf32>
        %swap3A_694 = vector.shape_cast %get3A_687 : vector<16xf32> to vector<1x1x16xf32>
        tpu.vector_store %arg11[%swap3A_689, %swap3A_690, %swap3A_691], %swap3A_694 {add = true, strides = array<i32>} : memref<1x56x384xf32, #tpu.memory_space<vmem>>, vector<1x1x16xf32>,
        %get3A_695 = arith.constant 0 : i32
        %get3A_696 = arith.index_cast %get3A_695 : i32 to index
        %get3A_697 = arith.index_cast %scan3A_486 : i32 to index
        %get3A_698 = arith.constant 256 : index
        %get3A_699 = tpu.vector_load %arg13[%get3A_696, %get3A_697, %get3A_698] {strides = array<i32>} : memref<1x56x384xf32, #tpu.memory_space<vmem>>, vector<1x1x16xf32>,
        %get3A_700 = vector.shape_cast %get3A_699 : vector<1x1x16xf32> to vector<16xf32>
        %swap3A_701 = arith.constant 0 : i32
        %swap3A_702 = arith.index_cast %swap3A_701 : i32 to index
        %swap3A_703 = arith.index_cast %scan3A_486 : i32 to index
        %swap3A_704 = arith.constant 256 : index
        %swap3A_705 = tpu.vector_load %arg11[%swap3A_702, %swap3A_703, %swap3A_704] {strides = array<i32>} : memref<1x56x384xf32, #tpu.memory_space<vmem>>, vector<1x1x16xf32>,
        %swap3A_706 = vector.shape_cast %swap3A_705 : vector<1x1x16xf32> to vector<16xf32>
        %swap3A_707 = vector.shape_cast %get3A_700 : vector<16xf32> to vector<1x1x16xf32>
        tpu.vector_store %arg11[%swap3A_702, %swap3A_703, %swap3A_704], %swap3A_707 {add = true, strides = array<i32>} : memref<1x56x384xf32, #tpu.memory_space<vmem>>, vector<1x1x16xf32>,
        %get3A_708 = arith.constant 0 : i32
        %get3A_709 = arith.index_cast %get3A_708 : i32 to index
        %get3A_710 = arith.index_cast %scan3A_486 : i32 to index
        %get3A_711 = arith.constant 272 : index
        %get3A_712 = tpu.vector_load %arg13[%get3A_709, %get3A_710, %get3A_711] {strides = array<i32>} : memref<1x56x384xf32, #tpu.memory_space<vmem>>, vector<1x1x16xf32>,
        %get3A_713 = vector.shape_cast %get3A_712 : vector<1x1x16xf32> to vector<16xf32>
        %swap3A_714 = arith.constant 0 : i32
        %swap3A_715 = arith.index_cast %swap3A_714 : i32 to index
        %swap3A_716 = arith.index_cast %scan3A_486 : i32 to index
        %swap3A_717 = arith.constant 272 : index
        %swap3A_718 = tpu.vector_load %arg11[%swap3A_715, %swap3A_716, %swap3A_717] {strides = array<i32>} : memref<1x56x384xf32, #tpu.memory_space<vmem>>, vector<1x1x16xf32>,
        %swap3A_719 = vector.shape_cast %swap3A_718 : vector<1x1x16xf32> to vector<16xf32>
        %swap3A_720 = vector.shape_cast %get3A_713 : vector<16xf32> to vector<1x1x16xf32>
        tpu.vector_store %arg11[%swap3A_715, %swap3A_716, %swap3A_717], %swap3A_720 {add = true, strides = array<i32>} : memref<1x56x384xf32, #tpu.memory_space<vmem>>, vector<1x1x16xf32>,
        %get3A_721 = arith.constant 0 : i32
        %get3A_722 = arith.index_cast %get3A_721 : i32 to index
        %get3A_723 = arith.index_cast %scan3A_486 : i32 to index
        %get3A_724 = arith.constant 288 : index
        %get3A_725 = tpu.vector_load %arg13[%get3A_722, %get3A_723, %get3A_724] {strides = array<i32>} : memref<1x56x384xf32, #tpu.memory_space<vmem>>, vector<1x1x16xf32>,
        %get3A_726 = vector.shape_cast %get3A_725 : vector<1x1x16xf32> to vector<16xf32>
        %swap3A_727 = arith.constant 0 : i32
        %swap3A_728 = arith.index_cast %swap3A_727 : i32 to index
        %swap3A_729 = arith.index_cast %scan3A_486 : i32 to index
        %swap3A_730 = arith.constant 288 : index
        %swap3A_731 = tpu.vector_load %arg11[%swap3A_728, %swap3A_729, %swap3A_730] {strides = array<i32>} : memref<1x56x384xf32, #tpu.memory_space<vmem>>, vector<1x1x16xf32>,
        %swap3A_732 = vector.shape_cast %swap3A_731 : vector<1x1x16xf32> to vector<16xf32>
        %swap3A_733 = vector.shape_cast %get3A_726 : vector<16xf32> to vector<1x1x16xf32>
        tpu.vector_store %arg11[%swap3A_728, %swap3A_729, %swap3A_730], %swap3A_733 {add = true, strides = array<i32>} : memref<1x56x384xf32, #tpu.memory_space<vmem>>, vector<1x1x16xf32>,
        %get3A_734 = arith.constant 0 : i32
        %get3A_735 = arith.index_cast %get3A_734 : i32 to index
        %get3A_736 = arith.index_cast %scan3A_486 : i32 to index
        %get3A_737 = arith.constant 304 : index
        %get3A_738 = tpu.vector_load %arg13[%get3A_735, %get3A_736, %get3A_737] {strides = array<i32>} : memref<1x56x384xf32, #tpu.memory_space<vmem>>, vector<1x1x16xf32>,
        %get3A_739 = vector.shape_cast %get3A_738 : vector<1x1x16xf32> to vector<16xf32>
        %swap3A_740 = arith.constant 0 : i32
        %swap3A_741 = arith.index_cast %swap3A_740 : i32 to index
        %swap3A_742 = arith.index_cast %scan3A_486 : i32 to index
        %swap3A_743 = arith.constant 304 : index
        %swap3A_744 = tpu.vector_load %arg11[%swap3A_741, %swap3A_742, %swap3A_743] {strides = array<i32>} : memref<1x56x384xf32, #tpu.memory_space<vmem>>, vector<1x1x16xf32>,
        %swap3A_745 = vector.shape_cast %swap3A_744 : vector<1x1x16xf32> to vector<16xf32>
        %swap3A_746 = vector.shape_cast %get3A_739 : vector<16xf32> to vector<1x1x16xf32>
        tpu.vector_store %arg11[%swap3A_741, %swap3A_742, %swap3A_743], %swap3A_746 {add = true, strides = array<i32>} : memref<1x56x384xf32, #tpu.memory_space<vmem>>, vector<1x1x16xf32>,
        %get3A_747 = arith.constant 0 : i32
        %get3A_748 = arith.index_cast %get3A_747 : i32 to index
        %get3A_749 = arith.index_cast %scan3A_486 : i32 to index
        %get3A_750 = arith.constant 320 : index
        %get3A_751 = tpu.vector_load %arg13[%get3A_748, %get3A_749, %get3A_750] {strides = array<i32>} : memref<1x56x384xf32, #tpu.memory_space<vmem>>, vector<1x1x16xf32>,
        %get3A_752 = vector.shape_cast %get3A_751 : vector<1x1x16xf32> to vector<16xf32>
        %swap3A_753 = arith.constant 0 : i32
        %swap3A_754 = arith.index_cast %swap3A_753 : i32 to index
        %swap3A_755 = arith.index_cast %scan3A_486 : i32 to index
        %swap3A_756 = arith.constant 320 : index
        %swap3A_757 = tpu.vector_load %arg11[%swap3A_754, %swap3A_755, %swap3A_756] {strides = array<i32>} : memref<1x56x384xf32, #tpu.memory_space<vmem>>, vector<1x1x16xf32>,
        %swap3A_758 = vector.shape_cast %swap3A_757 : vector<1x1x16xf32> to vector<16xf32>
        %swap3A_759 = vector.shape_cast %get3A_752 : vector<16xf32> to vector<1x1x16xf32>
        tpu.vector_store %arg11[%swap3A_754, %swap3A_755, %swap3A_756], %swap3A_759 {add = true, strides = array<i32>} : memref<1x56x384xf32, #tpu.memory_space<vmem>>, vector<1x1x16xf32>,
        %get3A_760 = arith.constant 0 : i32
        %get3A_761 = arith.index_cast %get3A_760 : i32 to index
        %get3A_762 = arith.index_cast %scan3A_486 : i32 to index
        %get3A_763 = arith.constant 336 : index
        %get3A_764 = tpu.vector_load %arg13[%get3A_761, %get3A_762, %get3A_763] {strides = array<i32>} : memref<1x56x384xf32, #tpu.memory_space<vmem>>, vector<1x1x16xf32>,
        %get3A_765 = vector.shape_cast %get3A_764 : vector<1x1x16xf32> to vector<16xf32>
        %swap3A_766 = arith.constant 0 : i32
        %swap3A_767 = arith.index_cast %swap3A_766 : i32 to index
        %swap3A_768 = arith.index_cast %scan3A_486 : i32 to index
        %swap3A_769 = arith.constant 336 : index
        %swap3A_770 = tpu.vector_load %arg11[%swap3A_767, %swap3A_768, %swap3A_769] {strides = array<i32>} : memref<1x56x384xf32, #tpu.memory_space<vmem>>, vector<1x1x16xf32>,
        %swap3A_771 = vector.shape_cast %swap3A_770 : vector<1x1x16xf32> to vector<16xf32>
        %swap3A_772 = vector.shape_cast %get3A_765 : vector<16xf32> to vector<1x1x16xf32>
        tpu.vector_store %arg11[%swap3A_767, %swap3A_768, %swap3A_769], %swap3A_772 {add = true, strides = array<i32>} : memref<1x56x384xf32, #tpu.memory_space<vmem>>, vector<1x1x16xf32>,
        %get3A_773 = arith.constant 0 : i32
        %get3A_774 = arith.index_cast %get3A_773 : i32 to index
        %get3A_775 = arith.index_cast %scan3A_486 : i32 to index
        %get3A_776 = arith.constant 352 : index
        %get3A_777 = tpu.vector_load %arg13[%get3A_774, %get3A_775, %get3A_776] {strides = array<i32>} : memref<1x56x384xf32, #tpu.memory_space<vmem>>, vector<1x1x16xf32>,
        %get3A_778 = vector.shape_cast %get3A_777 : vector<1x1x16xf32> to vector<16xf32>
        %swap3A_779 = arith.constant 0 : i32
        %swap3A_780 = arith.index_cast %swap3A_779 : i32 to index
        %swap3A_781 = arith.index_cast %scan3A_486 : i32 to index
        %swap3A_782 = arith.constant 352 : index
        %swap3A_783 = tpu.vector_load %arg11[%swap3A_780, %swap3A_781, %swap3A_782] {strides = array<i32>} : memref<1x56x384xf32, #tpu.memory_space<vmem>>, vector<1x1x16xf32>,
        %swap3A_784 = vector.shape_cast %swap3A_783 : vector<1x1x16xf32> to vector<16xf32>
        %swap3A_785 = vector.shape_cast %get3A_778 : vector<16xf32> to vector<1x1x16xf32>
        tpu.vector_store %arg11[%swap3A_780, %swap3A_781, %swap3A_782], %swap3A_785 {add = true, strides = array<i32>} : memref<1x56x384xf32, #tpu.memory_space<vmem>>, vector<1x1x16xf32>,
        %get3A_786 = arith.constant 0 : i32
        %get3A_787 = arith.index_cast %get3A_786 : i32 to index
        %get3A_788 = arith.index_cast %scan3A_486 : i32 to index
        %get3A_789 = arith.constant 368 : index
        %get3A_790 = tpu.vector_load %arg13[%get3A_787, %get3A_788, %get3A_789] {strides = array<i32>} : memref<1x56x384xf32, #tpu.memory_space<vmem>>, vector<1x1x16xf32>,
        %get3A_791 = vector.shape_cast %get3A_790 : vector<1x1x16xf32> to vector<16xf32>
        %swap3A_792 = arith.constant 0 : i32
        %swap3A_793 = arith.index_cast %swap3A_792 : i32 to index
        %swap3A_794 = arith.index_cast %scan3A_486 : i32 to index
        %swap3A_795 = arith.constant 368 : index
        %swap3A_796 = tpu.vector_load %arg11[%swap3A_793, %swap3A_794, %swap3A_795] {strides = array<i32>} : memref<1x56x384xf32, #tpu.memory_space<vmem>>, vector<1x1x16xf32>,
        %swap3A_797 = vector.shape_cast %swap3A_796 : vector<1x1x16xf32> to vector<16xf32>
        %swap3A_798 = vector.shape_cast %get3A_791 : vector<16xf32> to vector<1x1x16xf32>
        tpu.vector_store %arg11[%swap3A_793, %swap3A_794, %swap3A_795], %swap3A_798 {add = true, strides = array<i32>} : memref<1x56x384xf32, #tpu.memory_space<vmem>>, vector<1x1x16xf32>,
      }
      %scan3A_166 = arith.constant 50 : i32
      %add3A_167 = arith.addi %mul3A_4, %add3A_117 : i32
      %dma_start3A_168 = arith.constant 0 : i32
      %dma_start3A_169 = arith.constant 0 : i32
      %dma_start3A_170 = tpu.memref_slice %arg6[%add3A_167, %dma_start3A_168, %dma_start3A_169] : memref<4096x56x384xf32, #tpu.memory_space<hbm>> -> memref<1x56x384xf32, #tpu.memory_space<hbm>>
      %dma_start3A_171 = arith.constant 0 : i32
      %dma_start3A_172 = arith.constant 0 : i32
      %dma_start3A_173 = tpu.memref_slice %arg6[%add3A_167, %dma_start3A_171, %dma_start3A_172] : memref<4096x56x384xf32, #tpu.memory_space<hbm>> -> memref<1x56x384xf32, #tpu.memory_space<hbm>>
      tpu.enqueue_dma source(%arg11 : memref<1x56x384xf32, #tpu.memory_space<vmem>>) target(%dma_start3A_173 : memref<1x56x384xf32, #tpu.memory_space<hbm>>) target_semaphore(%arg19 : memref<!tpu.dma_semaphore, #tpu.memory_space<semaphore_mem>>)
    }
    %scan3A_40 = arith.constant 64 : i32
    %dma_wait3A = arith.constant 0 : i32
    %dma_wait3A_41 = arith.constant 0 : i32
    %dma_wait3A_42 = arith.constant 0 : i32
    %dma_wait3A_43 = tpu.memref_slice %arg6[%dma_wait3A, %dma_wait3A_41, %dma_wait3A_42] : memref<4096x56x384xf32, #tpu.memory_space<hbm>> -> memref<1x56x384xf32, #tpu.memory_space<hbm>>
    %dma_wait3A_44 = arith.constant 0 : i32
    %dma_wait3A_45 = arith.constant 0 : i32
    %dma_wait3A_46 = arith.constant 0 : i32
    %dma_wait3A_47 = tpu.memref_slice %arg6[%dma_wait3A_44, %dma_wait3A_45, %dma_wait3A_46] : memref<4096x56x384xf32, #tpu.memory_space<hbm>> -> memref<1x56x384xf32, #tpu.memory_space<hbm>>
    tpu.wait_dma2 semaphore(%arg18 : memref<!tpu.dma_semaphore, #tpu.memory_space<semaphore_mem>>) src(%arg10 : memref<1x56x384xf32, #tpu.memory_space<vmem>>) dst(%dma_wait3A_47 : memref<1x56x384xf32, #tpu.memory_space<hbm>>)
    %dma_wait3A_48 = arith.constant 0 : i32
    %dma_wait3A_49 = arith.constant 0 : i32
    %dma_wait3A_50 = arith.constant 0 : i32
    %dma_wait3A_51 = tpu.memref_slice %arg6[%dma_wait3A_48, %dma_wait3A_49, %dma_wait3A_50] : memref<4096x56x384xf32, #tpu.memory_space<hbm>> -> memref<1x56x384xf32, #tpu.memory_space<hbm>>
    %dma_wait3A_52 = arith.constant 0 : i32
    %dma_wait3A_53 = arith.constant 0 : i32
    %dma_wait3A_54 = arith.constant 0 : i32
    %dma_wait3A_55 = tpu.memref_slice %arg6[%dma_wait3A_52, %dma_wait3A_53, %dma_wait3A_54] : memref<4096x56x384xf32, #tpu.memory_space<hbm>> -> memref<1x56x384xf32, #tpu.memory_space<hbm>>
    tpu.wait_dma2 semaphore(%arg19 : memref<!tpu.dma_semaphore, #tpu.memory_space<semaphore_mem>>) src(%arg11 : memref<1x56x384xf32, #tpu.memory_space<vmem>>) dst(%dma_wait3A_55 : memref<1x56x384xf32, #tpu.memory_space<hbm>>)
    return
  }
}

</mosaic_0001>

<sc_bundles>
// kernel: kernel.3.cloned.1.call-start
scs
__scs_entry_jumppad:
0x0: {  	(pc) =	sbr.rel $0x88, $3  }
0x1: {  	(tag) =	ssettag $0x0;
	lr =	simm.s32 $0x1  }
0x2: {  	[smem:$0x3F9D] =	sst lr;
	_ =	strace $0xD0000000  }
0x3: {  	_ = 	snop  }
0x4: {  	_ = 	snop  }
0x5: {  	_ = 	snop  }
0x6: {  	_ = 	snop  }
0x7: {  	_ = 	snop  }
__scs_overlays_trampoline_lowered:
0x8: {  	[smem:$0x3FAC] =	sst s0  }
0x9: {  	[smem:$0x3FAD] =	sst s1  }
0xa: {  	[smem:$0x3FAE] =	sst s2  }
0xb: {  	[smem:$0x3FAF] =	sst s3  }
0xc: {  	[smem:$0x3FB0] =	sst s4  }
0xd: {  	[smem:$0x3FB1] =	sst s5  }
0xe: {  	[smem:$0x3FB2] =	sst s6  }
0xf: {  	[smem:$0x3FB3] =	sst s7  }
0x10: {  	[smem:$0x3FB4] =	sst s8  }
0x11: {  	[smem:$0x3FB5] =	sst s9;
	s0 =	simm.s32 @!p0 $0x0  }
0x12: {  	s1 =	sld [smem:$0x3F9B];
	s0 =	simm.s32 @p0 $0x1  }
0x13: {  	[smem:$0x3FB6] =	sst s0;
	s0 =	simm.s32 @!p1 $0x0  }
0x14: {  	s2 =	sld [smem:$0x3F9A];
	s0 =	simm.s32 @p1 $0x1  }
0x15: {  	[smem:$0x3FB7] =	sst s0;
	s0 =	simm.s32 @!p2 $0x0  }
0x16: {  	s3 =	sld [smem:$0x3FDB];
	s0 =	simm.s32 @p2 $0x1  }
0x17: {  	s4 =	simm.s32 $0x1BF5;
	[smem:$0x3FB9] =	sst s0  }
0x18: {  	s0 =	sld [smem:$0x3F9C];
	_ =	swait.ge [sflag:s4], $0x0  }
0x19: {  	s7 =	sld [smem:$0x3F9D]  }
0x1a: {  	s8 =	sadd.s32 $0xFFFFE003, lr  }
0x1b: {  	s9 =	sadd.s32 $0xFFFFFEF7, lr;
	s5 =	simm.s32 $0xFFFFFFFF;
	p2 =	slt.u32 s8, $0xFFFFF086  }
0x1c: {  	p1 =	slt.u32 s9, $0xF7A;
	s5 =	simm.s32 @!p2 $0x0  }
0x1d: {  	s5 =	simm.s32 @p1 $0x1;
	p0 =	seq.s32 s7, s2  }
0x1e: {  	s7 =	smul.u32 @!p0 $0xF7A, s2;
	p2 =	seq.s32 @!p0 s5, $0x0  }
0x1f: {  	s9 =	smul.u32 $0xF7A, s1;
	s8 =	simm.s32 @!p0 $0x1BF5;
	p2 =	por !p2, p0  }
0x20: {  	[sflag:s8] =	ssyncset.s32 @!p0 $0xFFFFF086;
	s6 =	sadd.s32 @!p0 s3, s7;
	s7 =	simm.s32 @!p0 $0x108  }
0x21: {  	s3 =	sadd.s32 s3, s9;
	s6 =	sadd.s32 @!p0 $0x88, s6;
	s7 =	simm.s32 @p2 $0x1082  }
0x22: {  	[simem:s7], [sflag:s8] =	dma.local @!p0 [hbm:s6], $0xF7A  }
0x23: {  	s9 =	sor.u32 $0xD0000000, s2;
	s6 =	simm.s32 $0x108;
	_ =	swait.ge @!p0 [sflag:s8], $0x0  }
0x24: {  	s3 =	sadd.s32 $0x88, s3;
	s6 =	simm.s32 @!p1 $0x1082;
	[sflag:s4] =	ssyncset.s32 $0xFFFFF086  }
0x25: {  	[simem:s6], [sflag:s4] =	dma.local [hbm:s3], $0xF7A  }
0x26: {  	[smem:$0x3F9D] =	sst s1;
	(tag) =	ssettag s2;
	_ =	strace s9  }
0x27: {  	s1 =	sld [smem:$0x3FAD]  }
0x28: {  	s2 =	sld [smem:$0x3FAE]  }
0x29: {  	s4 =	sld [smem:$0x3FB0]  }
0x2a: {  	p0 =	seq.s32 s5, $0x0;
	s5 =	sld [smem:$0x3FB1]  }
0x2b: {  	s6 =	sld [smem:$0x3FB2]  }
0x2c: {  	s7 =	sld [smem:$0x3FB3]  }
0x2d: {  	s3 =	simm.s32 $0x108;
	s8 =	sld [smem:$0x3FB4]  }
0x2e: {  	s3 =	simm.s32 @!p0 $0x1082;
	s9 =	sld [smem:$0x3FB5]  }
0x2f: {  	lr =	sadd.s32 s0, s3;
	s0 =	sld [smem:$0x3FAC]  }
0x30: {  	s3 =	sld [smem:$0x3FAF]  }
0x31: {  	[smem:$0x3FB8] =	sst s10  }
0x32: {  	s10 =	sld [smem:$0x3FB6];
	_ =	sdelay $0x3  }
0x33: {  	p0 =	seq.s32 s10, $0x1;
	s10 =	sld [smem:$0x3FB8];
	_ =	sdelay $0x3  }
0x34: {  	[smem:$0x3FB8] =	sst s10  }
0x35: {  	s10 =	sld [smem:$0x3FB7];
	_ =	sdelay $0x3  }
0x36: {  	p1 =	seq.s32 s10, $0x1;
	s10 =	sld [smem:$0x3FB8];
	_ =	sdelay $0x3  }
0x37: {  	[smem:$0x3FB8] =	sst s10  }
0x38: {  	s10 =	sld [smem:$0x3FB9]  }
0x39: {  	_ = 	snop;
	(pc) =	sbr.ind lr, $3  }
0x3a: {  	_ = 	snop  }
0x3b: {  	_ = 	snop  }
0x3c: {  	p2 =	seq.s32 s10, $0x1;
	s10 =	sld [smem:$0x3FB8]  }
0x3d: {  	_ =	shalt  }
0x3e: {  	_ =	shalt  }
0x3f: {  	_ =	shalt  }
0x40: {  	_ =	shalt  }
0x41: {  	_ =	shalt  }
0x42: {  	_ =	shalt  }
0x43: {  	_ =	shalt  }
0x44: {  	_ =	shalt  }
0x45: {  	_ =	shalt  }
0x46: {  	_ =	shalt  }
0x47: {  	_ =	shalt  }
0x48: {  	_ =	shalt  }
0x49: {  	_ =	shalt  }
0x4a: {  	_ =	shalt  }
0x4b: {  	_ =	shalt  }
0x4c: {  	_ =	shalt  }
0x4d: {  	_ =	shalt  }
0x4e: {  	_ =	shalt  }
0x4f: {  	_ =	shalt  }
0x50: {  	_ =	shalt  }
0x51: {  	_ =	shalt  }
0x52: {  	_ =	shalt  }
0x53: {  	_ =	shalt  }
0x54: {  	_ =	shalt  }
0x55: {  	_ =	shalt  }
0x56: {  	_ =	shalt  }
0x57: {  	_ =	shalt  }
0x58: {  	_ =	shalt  }
0x59: {  	_ =	shalt  }
0x5a: {  	_ =	shalt  }
0x5b: {  	_ =	shalt  }
0x5c: {  	_ =	shalt  }
0x5d: {  	_ =	shalt  }
0x5e: {  	_ =	shalt  }
0x5f: {  	_ =	shalt  }
0x60: {  	_ =	shalt  }
0x61: {  	_ =	shalt  }
0x62: {  	_ =	shalt  }
0x63: {  	_ =	shalt  }
0x64: {  	_ =	shalt  }
0x65: {  	_ =	shalt  }
0x66: {  	_ =	shalt  }
0x67: {  	_ =	shalt  }
0x68: {  	_ =	shalt  }
0x69: {  	_ =	shalt  }
0x6a: {  	_ =	shalt  }
0x6b: {  	_ =	shalt  }
0x6c: {  	_ =	shalt  }
0x6d: {  	_ =	shalt  }
0x6e: {  	_ =	shalt  }
0x6f: {  	_ =	shalt  }
0x70: {  	_ =	shalt  }
0x71: {  	_ =	shalt  }
0x72: {  	_ =	shalt  }
0x73: {  	_ =	shalt  }
0x74: {  	_ =	shalt  }
0x75: {  	_ =	shalt  }
0x76: {  	_ =	shalt  }
0x77: {  	_ =	shalt  }
0x78: {  	_ =	shalt  }
0x79: {  	_ =	shalt  }
0x7a: {  	_ =	shalt  }
0x7b: {  	_ =	shalt  }
0x7c: {  	_ =	shalt  }
0x7d: {  	_ =	shalt  }
0x7e: {  	_ =	shalt  }
0x7f: {  	_ =	shalt  }
0x80: {  	_ =	shalt  }
0x81: {  	_ =	shalt  }
0x82: {  	_ =	shalt  }
0x83: {  	_ =	shalt  }
0x84: {  	_ =	shalt  }
0x85: {  	_ =	shalt  }
0x86: {  	_ =	shalt  }
0x87: {  	_ =	shalt  }
.Lfunc_end0:
.L_simem_size_0:
called_computation.1_lowered:
.L_overlay_start_0:
0x88: {  	s2 =	sld [smem:$0x3FD9]  }
0x89: {  	s3 =	sld [smem:$0x3FFE];
	_ =	sdelay $0x1  }
0x8a: {  	s1 =	srdreg.scid  }
0x8b: {  	s0 =	sand.u32 $0x1, s1  }
0x8c: {  	s17 =	sshll.u32 s0, $0xA;
	s2 =	sadd.s32 s3, s2  }
0x8d: {  	s2 =	sadd.s32 s2, s17  }
0x8e: {  	[smem:$0x3FC4] =	sst s2  }
0x8f: {  	_ = 	snop  }
0x90: {  	s2 =	sld [smem:$0x3FC7]  }
0x91: {  	s18 =	sld [smem:$0x3FC6]  }
0x92: {  	s4 =	sld [smem:$0x3FD0];
	(tm) =	ssettm $0x1  }
0x93: {  	s5 =	sld [smem:$0x3FFB];
	_ =	sdelay $0x3  }
0x94: {  	_ =	strace s5  }
0x95: {  	s5 =	sld [smem:$0x3FFC];
	_ =	sdelay $0x3  }
0x96: {  	_ =	strace s5  }
0x97: {  	s5 =	sld [smem:$0x3FFD];
	_ =	sdelay $0x3  }
0x98: {  	_ =	strace s5  }
0x99: {  	_ =	strace $0x8FFFFFFF  }
0x9a: {  	s19 =	sld [smem:$0x3FDB];
	_ =	sdelay $0x1  }
0x9b: {  	s6 =	simm.s32 $_scs_section_size  }
0x9c: {  	s7 =	simm.s32 $_size__tile_overlayer_lowered;
	s8 =	simm.s32 $_tile_overlayer_lowered  }
0x9d: {  	s22 =	simm.s32 $0x1BFF;
	s21 =	sshll.u32 s8, $0x1;
	s5 =	sadd.s32 s6, s19  }
0x9e: {  	s9 =	simm.s32 $0x0;
	s20 =	sshll.u32 s7, $0x1;
	s7 =	sadd.s32 s21, s5  }
0x9f: {  	[timem:s9], [sflag:s22] =	dma.local [hbm:s7], s20  }
0xa0: {  	_ =	swait.ge [sflag:s22], s20  }
0xa1: {  	s6 =	ssub.s32 $0x0, s20;
	[sflag:s22] =	ssyncset.done $0x0  }
0xa2: {  	[sflag:s22] =	ssyncadd.s32 s6;
	_ =	sdelay $0x1  }
0xa3: {  	s23 =	simm.s32 $0x1B8B  }
0xa4: {  	_ =	swait.ge [sflag:s23], $0x1  }
0xa5: {  	[sflag:s23] =	ssyncset.done $0x0  }
0xa6: {  	s25 =	simm.s32 $0x1B8E;
	s24 =	sld [smem:$0x3FFE];
	[sflag:s23] =	ssyncadd.s32 $0xFFFFFFFF  }
0xa7: {  	s26 =	simm.s32 $execute0_lowered;
	[smem:$0x3FD2] =	sst s25  }
0xa8: {  	s7 =	sshll.u32 s26, $0x1;
	_ =	strace $0x80000046;
	[dreg:$0x1] =	wrdreg $0xFFFFFFFF  }
0xa9: {  	s28 =	simm.s32 $_size_execute0_lowered;
	s5 =	sadd.s32 s5, s7;
	[dreg:$0x0] =	wrdreg $0x0  }
0xaa: {  	s7 =	sshll.u32 s28, $0x1;
	[dreg:$0x2] =	wrdreg s5  }
0xab: {  	[dreg:$0x3] =	wrdreg s7  }
0xac: {  	[dreg:$0x4] =	wrdreg $0xC0  }
0xad: {  	_ =	task [dreg:s9], $0x5FFFF  }
0xae: {  	[dreg:$0x1] =	wrdreg $0xFFFFFFFF  }
0xaf: {  	[dreg:$0x0] =	wrdreg $0x60  }
0xb0: {  	[dreg:$0x2] =	wrdreg s4  }
0xb1: {  	[dreg:$0x3] =	wrdreg s24  }
0xb2: {  	[dreg:$0x4] =	wrdreg s2  }
0xb3: {  	[dreg:$0x5] =	wrdreg s18  }
0xb4: {  	[dreg:$0x6] =	wrdreg $0x9  }
0xb5: {  	_ =	task.clear_ibuf [dreg:s9], $0x7FFFF;
	_ =	strace $0x90000046  }
0xb6: {  	s29 =	simm.s32 $0x9;
	_ =	strace $0x80000048  }
0xb7: {  	_ =	swait.ge [sflag:s29], $0x1  }
0xb8: {  	[sflag:s29] =	ssyncadd.s32 $0xFFFFFFFF  }
0xb9: {  	_ =	strace $0x90000048  }
0xba: {  	_ =	sfence  }
0xbb: {  	s30 =	sld [smem:$0x0];
	_ =	sdelay $0x2  }
0xbc: {  	s31 =	sshll.u32 s1, $0xD;
	s1 =	sshrl.u32 s1, $0x2  }
0xbd: {  	s3 =	sand.u32 $0x4000, s31;
	s1 =	sadd.s32 s1, s30  }
0xbe: {  	s0 =	sor.u32 s3, s0;
	s1 =	sshll.u32 s1, $0x11  }
0xbf: {  	s0 =	sor.u32 s1, s0  }
0xc0: {  	s0 =	sadd.s32 $0x8F2B, s0  }
0xc1: {  	[sflag:s0] =	ssyncadd.remote.s32 $0x1  }
0xc2: {  	_ =	sfence.sel $0xFFFF  }
0xc3: {  	[dreg:$0x0] =	wrdreg $0xFFFFFFFF;
	(pc) =	sbr.abs _section_cstart, $3  }
0xc4: {  	[dreg:$0x1] =	wrdreg $0xFFFFFFFF  }
0xc5: {  	_ =	task.clear_ibuf [dreg:s9], $0x2FFFF;
	_ =	strace $0x9FFFFFFF  }
0xc6: {  	(tm) =	ssettm $0x7FFFFFFF  }
0xc7: {  	_ =	shalt  }
tec
execute0_lowered:
.L_overlay_start_1:
0x0: {  	(tag) =	ssettag $0x1  }
0x1: {  	s0 =	rddreg [dreg:$0x0]  }
0x2: {  	s1 =	rddreg [dreg:$0x1];
	s3 =	srdreg.scid  }
0x3: {  	s4 =	stileid.u32;
	s2 =	rddreg [dreg:$0x2];
	s13 =	simm.s32 $0x5980  }
0x4: {  	s18 =	simm.s32 $0xAD80;
	s19 =	simm.s32 $0x18D80;
	s20 =	simm.s32 $0x19180  }
0x5: {  	s21 =	simm.s32 $0x19980;
	s22 =	simm.s32 $0x19D80;
	s23 =	simm.s32 $0x1A580  }
0x6: {  	s24 =	simm.s32 $0x1;
	s28 =	simm.s32 $0x4;
	s29 =	simm.s32 $0x5  }
0x7: {  	s30 =	simm.s32 $0x0;
	s5 =	sand.u32 $0x1, s3;
	s4 =	sshll.u32 s4, $0x1  }
0x8: {  	s3 =	rddreg [dreg:$0x3];
	s6 =	sor.u32 s5, s4;
	s4 =	simm.s32 $0x0  }
0x9: {  	s8 =	ssub.s32 $0x2, s5;
	s5 =	sadd.s32 $0x6E00, s1;
	s7 =	smul.u32 $0x320, s6  }
0xa: {  	[smem:$0x7FF] =	sst s4;
	s10 =	sshrl.u32 s8, $0x1;
	s6 =	sshll.u32 s6, $0x7  }
0xb: {  	_ =	strace $0x80000047;
	s25 =	ssub.s32 s8, s10;
	s10 =	sadd.s32 $0x100, s3  }
0xc: {  	s8 =	simm.s32 $0x7;
	s9 =	sadd.s32 s7, s1;
	s0 =	sadd.s32 s0, s7  }
0xd: {  	v2 =	vlaneseq.u32;
	s31 =	smax.u32 s25, $0x1;
	s25 =	simm.s32 $0x3;
	[dreg:$0x5] =	wrdreg s0  }
0xe: {  	vm0 =	vmmov $0xffff;
	vm1 =	vmmov $0xff;
	v1 =	vshrl.u32 v2, $0x3;
	s7 =	simm.s32 $0x0;
	s26 =	sadd.s32 $0xA00, s9;
	[dreg:$0x7] =	wrdreg s31  }
0xf: {  	v0 =	vand.u32 $0x7, v2;
	v2 =	vor.u32 $0x8, v2;
	v1 =	vmul.u32 $0x8, v1;
	s9 =	sadd.s32 $0x100, s2;
	[dreg:$0x6] =	wrdreg s26;
	s26 =	simm.s32 $0x2  }
.LBB2_1:
0x10: {  	[dreg:$0x8] =	wrdreg s7  }
0x11: {  	s0 =	rddreg [dreg:$0x5]  }
0x12: {  	[tilespmem:s4], [sflag:$0x7] =	stream.linear.gather [hbm4b:s0+s4], $0x1900, $0x38;
	[tilespmem:$0x1A980] =	vst v63  }
0x13: {  	_ =	swait.ge [sflag:s8], $0x1900  }
0x14: {  	[sflag:s8] =	ssyncset.done $0x0  }
0x15: {  	s1 =	simm.s32 $0x0;
	[sflag:s8] =	ssyncadd.s32 $0xFFFFE700  }
0x16: {  	v3 =	vld [tilespmem:s1+$0x0];
	_ =	sdelay $0x4  }
0x17: {  	v3 =	vadd.f32 $9.000000000e+01, v3;
	_ =	sdelay $0x1  }
0x18: {  	v3 =	vmul.f32 $1.000000000e+01, v3;
	_ =	sdelay $0x1  }
0x19: {  	v3 =	vtrunc.f32 v3  }
0x1a: {  	v3 =	vcvt.f32.s32 v3;
	_ =	sdelay $0x1  }
0x1b: {  	vm2 =	vgt.s32 v3, $0x0  }
0x1c: {  	v3 =	vnsel vm2, $0x0, v3  }
0x1d: {  	s0 =	simm.s32 $0x19A0;
	v3 =	vmin.u32 v3, $0x707  }
0x1e: {  	[tilespmem:s0+$0xFFFFFFE0] =	vst v3  }
0x1f: {  	v3 =	vld [tilespmem:s1+$0x10];
	_ =	sdelay $0x4  }
0x20: {  	v3 =	vadd.f32 $9.000000000e+01, v3;
	_ =	sdelay $0x1  }
0x21: {  	v3 =	vmul.f32 $1.000000000e+01, v3;
	_ =	sdelay $0x1  }
0x22: {  	v3 =	vtrunc.f32 v3  }
0x23: {  	v3 =	vcvt.f32.s32 v3;
	_ =	sdelay $0x1  }
0x24: {  	vm2 =	vgt.s32 v3, $0x0  }
0x25: {  	v3 =	vnsel vm2, $0x0, v3  }
0x26: {  	v3 =	vmin.u32 v3, $0x707  }
0x27: {  	[tilespmem:s0+$0xFFFFFFF0] =	vst v3  }
0x28: {  	v3 =	vld [tilespmem:s1+$0x20];
	_ =	sdelay $0x4  }
0x29: {  	v3 =	vadd.f32 $9.000000000e+01, v3;
	_ =	sdelay $0x1  }
0x2a: {  	v3 =	vmul.f32 $1.000000000e+01, v3;
	_ =	sdelay $0x1  }
0x2b: {  	v3 =	vtrunc.f32 v3  }
0x2c: {  	v3 =	vcvt.f32.s32 v3;
	_ =	sdelay $0x1  }
0x2d: {  	vm2 =	vgt.s32 v3, $0x0  }
0x2e: {  	v3 =	vnsel vm2, $0x0, v3  }
0x2f: {  	v3 =	vmin.u32 v3, $0x707  }
0x30: {  	[tilespmem:s0+$0x0] =	vst v3  }
0x31: {  	v3 =	vld [tilespmem:s1+$0x30];
	_ =	sdelay $0x4  }
0x32: {  	v3 =	vadd.f32 $9.000000000e+01, v3;
	_ =	sdelay $0x1  }
0x33: {  	v3 =	vmul.f32 $1.000000000e+01, v3;
	_ =	sdelay $0x1  }
0x34: {  	v3 =	vtrunc.f32 v3  }
0x35: {  	v3 =	vcvt.f32.s32 v3;
	_ =	sdelay $0x1  }
0x36: {  	vm2 =	vgt.s32 v3, $0x0  }
0x37: {  	v3 =	vnsel vm2, $0x0, v3  }
0x38: {  	v3 =	vmin.u32 v3, $0x707  }
0x39: {  	s7 =	simm.s32 $0x190;
	s1 =	simm.s32 $0x32;
	[tilespmem:s0+$0x10] =	vst v3  }
.LBB2_2:
0x3a: {  	p0 =	sne.s32 s7, $0x6338;
	v3 =	vld [tilespmem:s1+$0x0];
	_ =	sdelay $0x4  }
0x3b: {  	v3 =	vadd.f32 $9.000000000e+01, v3;
	_ =	sdelay $0x1  }
0x3c: {  	v3 =	vmul.f32 $1.000000000e+01, v3;
	_ =	sdelay $0x1  }
0x3d: {  	v3 =	vtrunc.f32 v3  }
0x3e: {  	v3 =	vcvt.f32.s32 v3;
	_ =	sdelay $0x1  }
0x3f: {  	vm2 =	vgt.s32 v3, $0x0  }
0x40: {  	v3 =	vnsel vm2, $0x0, v3  }
0x41: {  	s0 =	sadd.s32 $0x40, s0;
	v3 =	vmin.u32 v3, $0x707  }
0x42: {  	[tilespmem:s0+$0xFFFFFFE0] =	vst v3  }
0x43: {  	v3 =	vld [tilespmem:s1+$0x10];
	_ =	sdelay $0x4  }
0x44: {  	v3 =	vadd.f32 $9.000000000e+01, v3;
	_ =	sdelay $0x1  }
0x45: {  	v3 =	vmul.f32 $1.000000000e+01, v3;
	_ =	sdelay $0x1  }
0x46: {  	v3 =	vtrunc.f32 v3  }
0x47: {  	v3 =	vcvt.f32.s32 v3;
	_ =	sdelay $0x1  }
0x48: {  	vm2 =	vgt.s32 v3, $0x0  }
0x49: {  	v3 =	vnsel vm2, $0x0, v3  }
0x4a: {  	v3 =	vmin.u32 v3, $0x707  }
0x4b: {  	[tilespmem:s0+$0xFFFFFFF0] =	vst v3  }
0x4c: {  	v3 =	vld [tilespmem:s1+$0x20];
	_ =	sdelay $0x4  }
0x4d: {  	v3 =	vadd.f32 $9.000000000e+01, v3;
	_ =	sdelay $0x1  }
0x4e: {  	v3 =	vmul.f32 $1.000000000e+01, v3;
	_ =	sdelay $0x1  }
0x4f: {  	v3 =	vtrunc.f32 v3  }
0x50: {  	v3 =	vcvt.f32.s32 v3;
	_ =	sdelay $0x1  }
0x51: {  	vm2 =	vgt.s32 v3, $0x0  }
0x52: {  	v3 =	vnsel vm2, $0x0, v3  }
0x53: {  	v3 =	vmin.u32 v3, $0x707  }
0x54: {  	[tilespmem:s0+$0x0] =	vst v3  }
0x55: {  	v3 =	vld [tilespmem:s1+$0x30];
	_ =	sdelay $0x4  }
0x56: {  	v3 =	vadd.f32 $9.000000000e+01, v3;
	_ =	sdelay $0x1  }
0x57: {  	v3 =	vmul.f32 $1.000000000e+01, v3;
	_ =	sdelay $0x1  }
0x58: {  	v3 =	vtrunc.f32 v3  }
0x59: {  	v3 =	vcvt.f32.s32 v3  }
.Ltmp0:
0x5a: {  	(pc) =	sbr.rel @p0 .LBB2_2-.Ltmp0, $4  }
0x5b: {  	vm2 =	vgt.s32 v3, $0x0  }
0x5c: {  	v3 =	vnsel vm2, $0x0, v3  }
0x5d: {  	v3 =	vmin.u32 v3, $0x707  }
0x5e: {  	s1 =	sshra.s32 s7, $0x2;
	s7 =	sadd.s32 $0xC8, s7;
	[tilespmem:s0+$0x10] =	vst v3  }
0x5f: {  	v3 =	vld [tilespmem:s1+$0x0];
	_ =	sdelay $0x4  }
0x60: {  	v3 =	vadd.f32 $9.000000000e+01, v3;
	_ =	sdelay $0x1  }
0x61: {  	v3 =	vmul.f32 $1.000000000e+01, v3;
	_ =	sdelay $0x1  }
0x62: {  	v3 =	vtrunc.f32 v3  }
0x63: {  	v3 =	vcvt.f32.s32 v3;
	_ =	sdelay $0x1  }
0x64: {  	vm2 =	vgt.s32 v3, $0x0  }
0x65: {  	v3 =	vnsel vm2, $0x0, v3  }
0x66: {  	s0 =	sadd.s32 $0x40, s0;
	v3 =	vmin.u32 v3, $0x707  }
0x67: {  	[tilespmem:s0+$0xFFFFFFE0] =	vst v3  }
0x68: {  	v3 =	vld [tilespmem:s1+$0x10];
	_ =	sdelay $0x4  }
0x69: {  	v3 =	vadd.f32 $9.000000000e+01, v3;
	_ =	sdelay $0x1  }
0x6a: {  	v3 =	vmul.f32 $1.000000000e+01, v3;
	_ =	sdelay $0x1  }
0x6b: {  	v3 =	vtrunc.f32 v3  }
0x6c: {  	v3 =	vcvt.f32.s32 v3;
	_ =	sdelay $0x1  }
0x6d: {  	vm2 =	vgt.s32 v3, $0x0  }
0x6e: {  	v3 =	vnsel vm2, $0x0, v3  }
0x6f: {  	v3 =	vmin.u32 v3, $0x707  }
0x70: {  	[tilespmem:s0+$0xFFFFFFF0] =	vst v3  }
0x71: {  	v3 =	vld [tilespmem:s1+$0x20];
	_ =	sdelay $0x4  }
0x72: {  	v3 =	vadd.f32 $9.000000000e+01, v3;
	_ =	sdelay $0x1  }
0x73: {  	v3 =	vmul.f32 $1.000000000e+01, v3;
	_ =	sdelay $0x1  }
0x74: {  	v3 =	vtrunc.f32 v3  }
0x75: {  	v3 =	vcvt.f32.s32 v3;
	_ =	sdelay $0x1  }
0x76: {  	vm2 =	vgt.s32 v3, $0x0  }
0x77: {  	v3 =	vnsel vm2, $0x0, v3  }
0x78: {  	v3 =	vmin.u32 v3, $0x707  }
0x79: {  	[tilespmem:s0+$0x0] =	vst v3  }
0x7a: {  	v3 =	vld [tilespmem:s1+$0x30];
	_ =	sdelay $0x4  }
0x7b: {  	v3 =	vadd.f32 $9.000000000e+01, v3;
	_ =	sdelay $0x1  }
0x7c: {  	v3 =	vmul.f32 $1.000000000e+01, v3;
	_ =	sdelay $0x1  }
0x7d: {  	v3 =	vtrunc.f32 v3  }
0x7e: {  	v3 =	vcvt.f32.s32 v3;
	_ =	sdelay $0x1  }
0x7f: {  	vm2 =	vgt.s32 v3, $0x0  }
0x80: {  	v3 =	vnsel vm2, $0x0, v3  }
0x81: {  	v3 =	vmin.u32 v3, $0x707  }
0x82: {  	s16 =	simm.s32 $0x0;
	s17 =	rddreg [dreg:$0x6];
	[tilespmem:s0+$0x10] =	vst v3  }
0x83: {  	[tilespmem:s16], [sflag:$0x7] =	stream.linear.gather [hbm4b:s17+s16], $0x1900, $0x38;
	[tilespmem:$0x1A980] =	vst v63  }
0x84: {  	_ =	swait.ge [sflag:s8], $0x1900  }
0x85: {  	[sflag:s8] =	ssyncset.done $0x0  }
0x86: {  	s31 =	simm.s32 $0x0;
	[sflag:s8] =	ssyncadd.s32 $0xFFFFE700  }
0x87: {  	v3 =	vld [tilespmem:s31+$0x0];
	_ =	sdelay $0x4  }
0x88: {  	v3 =	vadd.f32 $1.800000000e+02, v3;
	_ =	sdelay $0x1  }
0x89: {  	v3 =	vmul.f32 $1.000000000e+01, v3;
	_ =	sdelay $0x1  }
0x8a: {  	v3 =	vtrunc.f32 v3  }
0x8b: {  	v3 =	vcvt.f32.s32 v3;
	_ =	sdelay $0x1  }
0x8c: {  	vm2 =	vgt.s32 v3, $0x0  }
0x8d: {  	v3 =	vnsel vm2, $0x0, v3  }
0x8e: {  	s0 =	simm.s32 $0x39A0;
	v3 =	vmin.u32 v3, $0xE0F  }
0x8f: {  	[tilespmem:s0+$0xFFFFFFE0] =	vst v3  }
0x90: {  	v3 =	vld [tilespmem:s31+$0x10];
	_ =	sdelay $0x4  }
0x91: {  	v3 =	vadd.f32 $1.800000000e+02, v3;
	_ =	sdelay $0x1  }
0x92: {  	v3 =	vmul.f32 $1.000000000e+01, v3;
	_ =	sdelay $0x1  }
0x93: {  	v3 =	vtrunc.f32 v3  }
0x94: {  	v3 =	vcvt.f32.s32 v3;
	_ =	sdelay $0x1  }
0x95: {  	vm2 =	vgt.s32 v3, $0x0  }
0x96: {  	v3 =	vnsel vm2, $0x0, v3  }
0x97: {  	v3 =	vmin.u32 v3, $0xE0F  }
0x98: {  	[tilespmem:s0+$0xFFFFFFF0] =	vst v3  }
0x99: {  	v3 =	vld [tilespmem:s31+$0x20];
	_ =	sdelay $0x4  }
0x9a: {  	v3 =	vadd.f32 $1.800000000e+02, v3;
	_ =	sdelay $0x1  }
0x9b: {  	v3 =	vmul.f32 $1.000000000e+01, v3;
	_ =	sdelay $0x1  }
0x9c: {  	v3 =	vtrunc.f32 v3  }
0x9d: {  	v3 =	vcvt.f32.s32 v3;
	_ =	sdelay $0x1  }
0x9e: {  	vm2 =	vgt.s32 v3, $0x0  }
0x9f: {  	v3 =	vnsel vm2, $0x0, v3  }
0xa0: {  	v3 =	vmin.u32 v3, $0xE0F  }
0xa1: {  	[tilespmem:s0+$0x0] =	vst v3  }
0xa2: {  	v3 =	vld [tilespmem:s31+$0x30];
	_ =	sdelay $0x4  }
0xa3: {  	v3 =	vadd.f32 $1.800000000e+02, v3;
	_ =	sdelay $0x1  }
0xa4: {  	v3 =	vmul.f32 $1.000000000e+01, v3;
	_ =	sdelay $0x1  }
0xa5: {  	v3 =	vtrunc.f32 v3  }
0xa6: {  	v3 =	vcvt.f32.s32 v3;
	_ =	sdelay $0x1  }
0xa7: {  	vm2 =	vgt.s32 v3, $0x0  }
0xa8: {  	v3 =	vnsel vm2, $0x0, v3  }
0xa9: {  	v3 =	vmin.u32 v3, $0xE0F  }
0xaa: {  	s7 =	simm.s32 $0x190;
	s1 =	simm.s32 $0x32;
	[tilespmem:s0+$0x10] =	vst v3  }
.LBB2_4:
0xab: {  	p0 =	sne.s32 s7, $0x6338;
	v3 =	vld [tilespmem:s1+$0x0];
	_ =	sdelay $0x4  }
0xac: {  	v3 =	vadd.f32 $1.800000000e+02, v3;
	_ =	sdelay $0x1  }
0xad: {  	v3 =	vmul.f32 $1.000000000e+01, v3;
	_ =	sdelay $0x1  }
0xae: {  	v3 =	vtrunc.f32 v3  }
0xaf: {  	v3 =	vcvt.f32.s32 v3;
	_ =	sdelay $0x1  }
0xb0: {  	vm2 =	vgt.s32 v3, $0x0  }
0xb1: {  	v3 =	vnsel vm2, $0x0, v3  }
0xb2: {  	s0 =	sadd.s32 $0x40, s0;
	v3 =	vmin.u32 v3, $0xE0F  }
0xb3: {  	[tilespmem:s0+$0xFFFFFFE0] =	vst v3  }
0xb4: {  	v3 =	vld [tilespmem:s1+$0x10];
	_ =	sdelay $0x4  }
0xb5: {  	v3 =	vadd.f32 $1.800000000e+02, v3;
	_ =	sdelay $0x1  }
0xb6: {  	v3 =	vmul.f32 $1.000000000e+01, v3;
	_ =	sdelay $0x1  }
0xb7: {  	v3 =	vtrunc.f32 v3  }
0xb8: {  	v3 =	vcvt.f32.s32 v3;
	_ =	sdelay $0x1  }
0xb9: {  	vm2 =	vgt.s32 v3, $0x0  }
0xba: {  	v3 =	vnsel vm2, $0x0, v3  }
0xbb: {  	v3 =	vmin.u32 v3, $0xE0F  }
0xbc: {  	[tilespmem:s0+$0xFFFFFFF0] =	vst v3  }
0xbd: {  	v3 =	vld [tilespmem:s1+$0x20];
	_ =	sdelay $0x4  }
0xbe: {  	v3 =	vadd.f32 $1.800000000e+02, v3;
	_ =	sdelay $0x1  }
0xbf: {  	v3 =	vmul.f32 $1.000000000e+01, v3;
	_ =	sdelay $0x1  }
0xc0: {  	v3 =	vtrunc.f32 v3  }
0xc1: {  	v3 =	vcvt.f32.s32 v3;
	_ =	sdelay $0x1  }
0xc2: {  	vm2 =	vgt.s32 v3, $0x0  }
0xc3: {  	v3 =	vnsel vm2, $0x0, v3  }
0xc4: {  	v3 =	vmin.u32 v3, $0xE0F  }
0xc5: {  	[tilespmem:s0+$0x0] =	vst v3  }
0xc6: {  	v3 =	vld [tilespmem:s1+$0x30];
	_ =	sdelay $0x4  }
0xc7: {  	v3 =	vadd.f32 $1.800000000e+02, v3;
	_ =	sdelay $0x1  }
0xc8: {  	v3 =	vmul.f32 $1.000000000e+01, v3;
	_ =	sdelay $0x1  }
0xc9: {  	v3 =	vtrunc.f32 v3  }
0xca: {  	v3 =	vcvt.f32.s32 v3  }
.Ltmp1:
0xcb: {  	(pc) =	sbr.rel @p0 .LBB2_4-.Ltmp1, $4  }
0xcc: {  	vm2 =	vgt.s32 v3, $0x0  }
0xcd: {  	v3 =	vnsel vm2, $0x0, v3  }
0xce: {  	v3 =	vmin.u32 v3, $0xE0F  }
0xcf: {  	s1 =	sshra.s32 s7, $0x2;
	s7 =	sadd.s32 $0xC8, s7;
	[tilespmem:s0+$0x10] =	vst v3  }
0xd0: {  	v3 =	vld [tilespmem:s1+$0x0];
	_ =	sdelay $0x4  }
0xd1: {  	v3 =	vadd.f32 $1.800000000e+02, v3;
	_ =	sdelay $0x1  }
0xd2: {  	v3 =	vmul.f32 $1.000000000e+01, v3;
	_ =	sdelay $0x1  }
0xd3: {  	v3 =	vtrunc.f32 v3  }
0xd4: {  	v3 =	vcvt.f32.s32 v3;
	_ =	sdelay $0x1  }
0xd5: {  	vm2 =	vgt.s32 v3, $0x0  }
0xd6: {  	v3 =	vnsel vm2, $0x0, v3  }
0xd7: {  	s0 =	sadd.s32 $0x40, s0;
	v3 =	vmin.u32 v3, $0xE0F  }
0xd8: {  	[tilespmem:s0+$0xFFFFFFE0] =	vst v3  }
0xd9: {  	v3 =	vld [tilespmem:s1+$0x10];
	_ =	sdelay $0x4  }
0xda: {  	v3 =	vadd.f32 $1.800000000e+02, v3;
	_ =	sdelay $0x1  }
0xdb: {  	v3 =	vmul.f32 $1.000000000e+01, v3;
	_ =	sdelay $0x1  }
0xdc: {  	v3 =	vtrunc.f32 v3  }
0xdd: {  	v3 =	vcvt.f32.s32 v3;
	_ =	sdelay $0x1  }
0xde: {  	vm2 =	vgt.s32 v3, $0x0  }
0xdf: {  	v3 =	vnsel vm2, $0x0, v3  }
0xe0: {  	v3 =	vmin.u32 v3, $0xE0F  }
0xe1: {  	[tilespmem:s0+$0xFFFFFFF0] =	vst v3  }
0xe2: {  	v3 =	vld [tilespmem:s1+$0x20];
	_ =	sdelay $0x4  }
0xe3: {  	v3 =	vadd.f32 $1.800000000e+02, v3;
	_ =	sdelay $0x1  }
0xe4: {  	v3 =	vmul.f32 $1.000000000e+01, v3;
	_ =	sdelay $0x1  }
0xe5: {  	v3 =	vtrunc.f32 v3  }
0xe6: {  	v3 =	vcvt.f32.s32 v3;
	_ =	sdelay $0x1  }
0xe7: {  	vm2 =	vgt.s32 v3, $0x0  }
0xe8: {  	v3 =	vnsel vm2, $0x0, v3  }
0xe9: {  	v3 =	vmin.u32 v3, $0xE0F  }
0xea: {  	[tilespmem:s0+$0x0] =	vst v3  }
0xeb: {  	v3 =	vld [tilespmem:s1+$0x30];
	_ =	sdelay $0x4  }
0xec: {  	v3 =	vadd.f32 $1.800000000e+02, v3;
	_ =	sdelay $0x1  }
0xed: {  	v3 =	vmul.f32 $1.000000000e+01, v3;
	_ =	sdelay $0x1  }
0xee: {  	v3 =	vtrunc.f32 v3  }
0xef: {  	v3 =	vcvt.f32.s32 v3;
	_ =	sdelay $0x1  }
0xf0: {  	vm2 =	vgt.s32 v3, $0x0  }
0xf1: {  	v3 =	vnsel vm2, $0x0, v3  }
0xf2: {  	v3 =	vmin.u32 v3, $0xE0F  }
0xf3: {  	[tilespmem:s0+$0x10] =	vst v3  }
0xf4: {  	v3 =	vld [tilespmem:$0x1980];
	_ =	sdelay $0x4  }
0xf5: {  	v4 =	vshrl.u32 v3, $0x3  }
0xf6: {  	v4 =	vmul.u32 $0x18, v4  }
0xf7: {  	v3 =	vand.u32 $0x7, v3  }
0xf8: {  	v3 =	vor.u32 v3, v4  }
0xf9: {  	v4 =	vperm.xlane v3, v0;
	_ =	sdelay $0x1  }
0xfa: {  	v4 =	vadd.s32 v1, v4;
	_ =	sdelay $0x1  }
0xfb: {  	v3 =	vperm.xlane v3, v2;
	_ =	sdelay $0x1  }
0xfc: {  	v3 =	vadd.s32 v1, v3  }
0xfd: {  	[tilespmem:s13], [sflag:$0x1] =	stream.indirect_vreg.gather [hbm4b:s2+s30], $0x80, v4, vm0, $0xb8;
	[tilespmem:$0x1A980] =	vst v63  }
0xfe: {  	s1 =	simm.s32 $0x6180  }
0xff: {  	[tilespmem:s1], [sflag:$0x1] =	stream.indirect_vreg.gather [hbm4b:s9+s30], $0x80, v4, vm1, $0xb8;
	[tilespmem:$0x1A980] =	vst v63  }
0x100: {  	s7 =	simm.s32 $0x6580  }
0x101: {  	[tilespmem:s7], [sflag:$0x1] =	stream.indirect_vreg.gather [hbm4b:s2+s30], $0x80, v3, vm0, $0xb8;
	[tilespmem:$0x1A980] =	vst v63  }
0x102: {  	s8 =	simm.s32 $0x6D80  }
0x103: {  	[tilespmem:s8], [sflag:$0x1] =	stream.indirect_vreg.gather [hbm4b:s9+s30], $0x80, v3, vm1, $0xb8;
	[tilespmem:$0x1A980] =	vst v63  }
0x104: {  	v3 =	vld [tilespmem:$0x1990];
	_ =	sdelay $0x4  }
0x105: {  	v57 =	vshrl.u32 v3, $0x3  }
0x106: {  	v4 =	vmul.u32 $0x18, v57  }
0x107: {  	v3 =	vand.u32 $0x7, v3  }
0x108: {  	v3 =	vor.u32 v3, v4  }
0x109: {  	v4 =	vperm.xlane v3, v0;
	_ =	sdelay $0x1  }
0x10a: {  	v4 =	vadd.s32 v1, v4;
	_ =	sdelay $0x1  }
0x10b: {  	v3 =	vperm.xlane v3, v2;
	_ =	sdelay $0x1  }
0x10c: {  	s11 =	simm.s32 $0x7180;
	v3 =	vadd.s32 v1, v3  }
0x10d: {  	[tilespmem:s11], [sflag:$0x1] =	stream.indirect_vreg.gather [hbm4b:s2+s30], $0x80, v4, vm0, $0xb8;
	[tilespmem:$0x1A980] =	vst v63  }
0x10e: {  	s12 =	simm.s32 $0x7980  }
0x10f: {  	[tilespmem:s12], [sflag:$0x1] =	stream.indirect_vreg.gather [hbm4b:s9+s30], $0x80, v4, vm1, $0xb8;
	[tilespmem:$0x1A980] =	vst v63  }
0x110: {  	s14 =	simm.s32 $0x7D80  }
0x111: {  	[tilespmem:s14], [sflag:$0x1] =	stream.indirect_vreg.gather [hbm4b:s2+s30], $0x80, v3, vm0, $0xb8;
	[tilespmem:$0x1A980] =	vst v63  }
0x112: {  	s15 =	simm.s32 $0x8580  }
0x113: {  	[tilespmem:s15], [sflag:$0x1] =	stream.indirect_vreg.gather [hbm4b:s9+s30], $0x80, v3, vm1, $0xb8;
	[tilespmem:$0x1A980] =	vst v63  }
0x114: {  	v3 =	vld [tilespmem:$0x19A0];
	_ =	sdelay $0x4  }
0x115: {  	v58 =	vshrl.u32 v3, $0x3  }
0x116: {  	v4 =	vmul.u32 $0x18, v58  }
0x117: {  	v3 =	vand.u32 $0x7, v3  }
0x118: {  	v3 =	vor.u32 v3, v4  }
0x119: {  	v4 =	vperm.xlane v3, v0;
	_ =	sdelay $0x1  }
0x11a: {  	v4 =	vadd.s32 v1, v4;
	_ =	sdelay $0x1  }
0x11b: {  	v3 =	vperm.xlane v3, v2;
	_ =	sdelay $0x1  }
0x11c: {  	s16 =	simm.s32 $0x8980;
	v3 =	vadd.s32 v1, v3  }
0x11d: {  	[tilespmem:s16], [sflag:$0x1] =	stream.indirect_vreg.gather [hbm4b:s2+s30], $0x80, v4, vm0, $0xb8;
	[tilespmem:$0x1A980] =	vst v63  }
0x11e: {  	s17 =	simm.s32 $0x9180  }
0x11f: {  	[tilespmem:s17], [sflag:$0x1] =	stream.indirect_vreg.gather [hbm4b:s9+s30], $0x80, v4, vm1, $0xb8;
	[tilespmem:$0x1A980] =	vst v63  }
0x120: {  	s1 =	simm.s32 $0x9580  }
0x121: {  	[tilespmem:s1], [sflag:$0x1] =	stream.indirect_vreg.gather [hbm4b:s2+s30], $0x80, v3, vm0, $0xb8;
	[tilespmem:$0x1A980] =	vst v63  }
0x122: {  	s7 =	simm.s32 $0x9D80  }
0x123: {  	[tilespmem:s7], [sflag:$0x1] =	stream.indirect_vreg.gather [hbm4b:s9+s30], $0x80, v3, vm1, $0xb8;
	[tilespmem:$0x1A980] =	vst v63  }
0x124: {  	v3 =	vld.msk [tilespmem:$0x19B0], $0xff;
	_ =	sdelay $0x4  }
0x125: {  	v59 =	vshrl.u32 v3, $0x3  }
0x126: {  	v4 =	vmul.u32 $0x18, v59  }
0x127: {  	v3 =	vand.u32 $0x7, v3  }
0x128: {  	v3 =	vor.u32 v3, v4  }
0x129: {  	v3 =	vperm.xlane v3, v0;
	_ =	sdelay $0x1  }
0x12a: {  	v3 =	vadd.s32 v1, v3;
	_ =	sdelay $0x3  }
0x12b: {  	s8 =	simm.s32 $0xA180  }
0x12c: {  	[tilespmem:s8], [sflag:$0x1] =	stream.indirect_vreg.gather [hbm4b:s2+s30], $0x80, v3, vm0, $0xb8;
	[tilespmem:$0x1A980] =	vst v63  }
0x12d: {  	s11 =	simm.s32 $0xA980  }
0x12e: {  	[tilespmem:s11], [sflag:$0x1] =	stream.indirect_vreg.gather [hbm4b:s9+s30], $0x80, v3, vm1, $0xb8;
	[tilespmem:$0x1A980] =	vst v63  }
0x12f: {  	v3 =	vld [tilespmem:$0x3980];
	_ =	sdelay $0x4  }
0x130: {  	v60 =	vshrl.u32 v3, $0x3  }
0x131: {  	v4 =	vmul.u32 $0x18, v60  }
0x132: {  	v3 =	vand.u32 $0x7, v3  }
0x133: {  	v3 =	vor.u32 v3, v4  }
0x134: {  	v4 =	vperm.xlane v3, v0;
	_ =	sdelay $0x1  }
0x135: {  	v4 =	vadd.s32 v1, v4;
	_ =	sdelay $0x1  }
0x136: {  	v3 =	vperm.xlane v3, v2;
	_ =	sdelay $0x1  }
0x137: {  	s12 =	simm.s32 $0x10180;
	v3 =	vadd.s32 v1, v3  }
0x138: {  	[tilespmem:s12], [sflag:$0x3] =	stream.indirect_vreg.gather [hbm4b:s3+s30], $0x80, v4, vm0, $0xb8;
	[tilespmem:$0x1A980] =	vst v63  }
0x139: {  	s14 =	simm.s32 $0x10980  }
0x13a: {  	[tilespmem:s14], [sflag:$0x3] =	stream.indirect_vreg.gather [hbm4b:s10+s30], $0x80, v4, vm1, $0xb8;
	[tilespmem:$0x1A980] =	vst v63  }
0x13b: {  	s15 =	simm.s32 $0x10D80  }
0x13c: {  	[tilespmem:s15], [sflag:$0x3] =	stream.indirect_vreg.gather [hbm4b:s3+s30], $0x80, v3, vm0, $0xb8;
	[tilespmem:$0x1A980] =	vst v63  }
0x13d: {  	s16 =	simm.s32 $0x11580  }
0x13e: {  	[tilespmem:s16], [sflag:$0x3] =	stream.indirect_vreg.gather [hbm4b:s10+s30], $0x80, v3, vm1, $0xb8;
	[tilespmem:$0x1A980] =	vst v63  }
0x13f: {  	v3 =	vld [tilespmem:$0x3990];
	_ =	sdelay $0x4  }
0x140: {  	v61 =	vshrl.u32 v3, $0x3  }
0x141: {  	v4 =	vmul.u32 $0x18, v61  }
0x142: {  	v3 =	vand.u32 $0x7, v3  }
0x143: {  	v3 =	vor.u32 v3, v4  }
0x144: {  	v4 =	vperm.xlane v3, v0;
	_ =	sdelay $0x1  }
0x145: {  	v4 =	vadd.s32 v1, v4;
	_ =	sdelay $0x1  }
0x146: {  	v3 =	vperm.xlane v3, v2;
	_ =	sdelay $0x1  }
0x147: {  	s17 =	simm.s32 $0x11980;
	v3 =	vadd.s32 v1, v3  }
0x148: {  	[tilespmem:s17], [sflag:$0x3] =	stream.indirect_vreg.gather [hbm4b:s3+s30], $0x80, v4, vm0, $0xb8;
	[tilespmem:$0x1A980] =	vst v63  }
0x149: {  	s1 =	simm.s32 $0x12180  }
0x14a: {  	[tilespmem:s1], [sflag:$0x3] =	stream.indirect_vreg.gather [hbm4b:s10+s30], $0x80, v4, vm1, $0xb8;
	[tilespmem:$0x1A980] =	vst v63  }
0x14b: {  	s7 =	simm.s32 $0x12580  }
0x14c: {  	[tilespmem:s7], [sflag:$0x3] =	stream.indirect_vreg.gather [hbm4b:s3+s30], $0x80, v3, vm0, $0xb8;
	[tilespmem:$0x1A980] =	vst v63  }
0x14d: {  	s8 =	simm.s32 $0x12D80  }
0x14e: {  	[tilespmem:s8], [sflag:$0x3] =	stream.indirect_vreg.gather [hbm4b:s10+s30], $0x80, v3, vm1, $0xb8;
	[tilespmem:$0x1A980] =	vst v63  }
0x14f: {  	v3 =	vld [tilespmem:$0x39A0];
	_ =	sdelay $0x4  }
0x150: {  	v62 =	vshrl.u32 v3, $0x3  }
0x151: {  	v4 =	vmul.u32 $0x18, v62  }
0x152: {  	v3 =	vand.u32 $0x7, v3  }
0x153: {  	v3 =	vor.u32 v3, v4  }
0x154: {  	v4 =	vperm.xlane v3, v0;
	_ =	sdelay $0x1  }
0x155: {  	v4 =	vadd.s32 v1, v4;
	_ =	sdelay $0x1  }
0x156: {  	v3 =	vperm.xlane v3, v2;
	_ =	sdelay $0x1  }
0x157: {  	s11 =	simm.s32 $0x13180;
	v3 =	vadd.s32 v1, v3  }
0x158: {  	[tilespmem:s11], [sflag:$0x3] =	stream.indirect_vreg.gather [hbm4b:s3+s30], $0x80, v4, vm0, $0xb8;
	[tilespmem:$0x1A980] =	vst v63  }
0x159: {  	s12 =	simm.s32 $0x13980  }
0x15a: {  	[tilespmem:s12], [sflag:$0x3] =	stream.indirect_vreg.gather [hbm4b:s10+s30], $0x80, v4, vm1, $0xb8;
	[tilespmem:$0x1A980] =	vst v63  }
0x15b: {  	s14 =	simm.s32 $0x13D80  }
0x15c: {  	[tilespmem:s14], [sflag:$0x3] =	stream.indirect_vreg.gather [hbm4b:s3+s30], $0x80, v3, vm0, $0xb8;
	[tilespmem:$0x1A980] =	vst v63  }
0x15d: {  	s15 =	simm.s32 $0x14580  }
0x15e: {  	[tilespmem:s15], [sflag:$0x3] =	stream.indirect_vreg.gather [hbm4b:s10+s30], $0x80, v3, vm1, $0xb8;
	[tilespmem:$0x1A980] =	vst v63  }
0x15f: {  	v3 =	vld.msk [tilespmem:$0x39B0], $0xff;
	_ =	sdelay $0x4  }
0x160: {  	v63 =	vshrl.u32 v3, $0x3  }
0x161: {  	v4 =	vmul.u32 $0x18, v63  }
0x162: {  	v3 =	vand.u32 $0x7, v3  }
0x163: {  	v3 =	vor.u32 v3, v4  }
0x164: {  	v3 =	vperm.xlane v3, v0;
	_ =	sdelay $0x1  }
0x165: {  	v3 =	vadd.s32 v1, v3;
	_ =	sdelay $0x3  }
0x166: {  	s16 =	simm.s32 $0x14980  }
0x167: {  	[tilespmem:s16], [sflag:$0x3] =	stream.indirect_vreg.gather [hbm4b:s3+s30], $0x80, v3, vm0, $0xb8;
	[tilespmem:$0x1A980] =	vst v63  }
0x168: {  	s31 =	simm.s32 $0x0;
	s17 =	simm.s32 $0x15180  }
0x169: {  	[tilespmem:s17], [sflag:$0x3] =	stream.indirect_vreg.gather [hbm4b:s10+s30], $0x80, v3, vm1, $0xb8;
	[tilespmem:$0x1A980] =	vst v63  }
.LBB2_6:
0x16a: {  	p0 =	seq.s32 s31, $0x0  }
0x16b: {  	s0 =	simm.s32 @!p0 $0x6  }
0x16c: {  	_ =	swait.ge @!p0 [sflag:s0], $0x5400  }
0x16d: {  	s1 =	sshllo.u32 s31, $0x1;
	[sflag:s0] =	ssyncset.done @!p0 $0x0  }
0x16e: {  	[sflag:s0] =	ssyncadd.s32 @!p0 $0xFFFFAC00;
	s0 =	sshll.u32 s1, $0x6  }
0x16f: {  	v3 =	vld [tilespmem:s0+$0x1980];
	_ =	sdelay $0x4  }
0x170: {  	v4 =	vshrl.u32 v3, $0x3  }
0x171: {  	v4 =	vmul.u32 $0x18, v4  }
0x172: {  	v3 =	vand.u32 $0x7, v3  }
0x173: {  	v3 =	vor.u32 v3, v4  }
0x174: {  	v4 =	vperm.xlane v3, v0;
	_ =	sdelay $0x1  }
0x175: {  	v4 =	vadd.s32 v1, v4;
	_ =	sdelay $0x1  }
0x176: {  	v3 =	vperm.xlane v3, v2;
	_ =	sdelay $0x1  }
0x177: {  	v3 =	vadd.s32 v1, v3  }
0x178: {  	[tilespmem:s18], [sflag:$0x2] =	stream.indirect_vreg.gather [hbm4b:s2+s30], $0x80, v4, vm0, $0xb8;
	[tilespmem:$0x1A980] =	vst v63  }
0x179: {  	s7 =	simm.s32 $0xB580  }
0x17a: {  	[tilespmem:s7], [sflag:$0x2] =	stream.indirect_vreg.gather [hbm4b:s9+s30], $0x80, v4, vm1, $0xb8;
	[tilespmem:$0x1A980] =	vst v63  }
0x17b: {  	s12 =	simm.s32 $0xB980  }
0x17c: {  	[tilespmem:s12], [sflag:$0x2] =	stream.indirect_vreg.gather [hbm4b:s2+s30], $0x80, v3, vm0, $0xb8;
	[tilespmem:$0x1A980] =	vst v63  }
0x17d: {  	s14 =	simm.s32 $0xC180  }
0x17e: {  	[tilespmem:s14], [sflag:$0x2] =	stream.indirect_vreg.gather [hbm4b:s9+s30], $0x80, v3, vm1, $0xb8;
	[tilespmem:$0x1A980] =	vst v63  }
0x17f: {  	v3 =	vld [tilespmem:s0+$0x1990];
	_ =	sdelay $0x4  }
0x180: {  	v4 =	vshrl.u32 v3, $0x3  }
0x181: {  	v4 =	vmul.u32 $0x18, v4  }
0x182: {  	v3 =	vand.u32 $0x7, v3  }
0x183: {  	v3 =	vor.u32 v3, v4  }
0x184: {  	v4 =	vperm.xlane v3, v0;
	_ =	sdelay $0x1  }
0x185: {  	v4 =	vadd.s32 v1, v4;
	_ =	sdelay $0x1  }
0x186: {  	v3 =	vperm.xlane v3, v2;
	_ =	sdelay $0x1  }
0x187: {  	s15 =	simm.s32 $0xC580;
	v3 =	vadd.s32 v1, v3  }
0x188: {  	[tilespmem:s15], [sflag:$0x2] =	stream.indirect_vreg.gather [hbm4b:s2+s30], $0x80, v4, vm0, $0xb8;
	[tilespmem:$0x1A980] =	vst v63  }
0x189: {  	s16 =	simm.s32 $0xCD80  }
0x18a: {  	[tilespmem:s16], [sflag:$0x2] =	stream.indirect_vreg.gather [hbm4b:s9+s30], $0x80, v4, vm1, $0xb8;
	[tilespmem:$0x1A980] =	vst v63  }
0x18b: {  	s17 =	simm.s32 $0xD180  }
0x18c: {  	[tilespmem:s17], [sflag:$0x2] =	stream.indirect_vreg.gather [hbm4b:s2+s30], $0x80, v3, vm0, $0xb8;
	[tilespmem:$0x1A980] =	vst v63  }
0x18d: {  	s8 =	simm.s32 $0xD980  }
0x18e: {  	[tilespmem:s8], [sflag:$0x2] =	stream.indirect_vreg.gather [hbm4b:s9+s30], $0x80, v3, vm1, $0xb8;
	[tilespmem:$0x1A980] =	vst v63  }
0x18f: {  	v3 =	vld [tilespmem:s0+$0x19A0];
	_ =	sdelay $0x4  }
0x190: {  	v4 =	vshrl.u32 v3, $0x3  }
0x191: {  	v4 =	vmul.u32 $0x18, v4  }
0x192: {  	v3 =	vand.u32 $0x7, v3  }
0x193: {  	v3 =	vor.u32 v3, v4  }
0x194: {  	v4 =	vperm.xlane v3, v0;
	_ =	sdelay $0x1  }
0x195: {  	v4 =	vadd.s32 v1, v4;
	_ =	sdelay $0x1  }
0x196: {  	v3 =	vperm.xlane v3, v2;
	_ =	sdelay $0x1  }
0x197: {  	s11 =	simm.s32 $0xDD80;
	v3 =	vadd.s32 v1, v3  }
0x198: {  	[tilespmem:s11], [sflag:$0x2] =	stream.indirect_vreg.gather [hbm4b:s2+s30], $0x80, v4, vm0, $0xb8;
	[tilespmem:$0x1A980] =	vst v63  }
0x199: {  	s12 =	simm.s32 $0xE580  }
0x19a: {  	[tilespmem:s12], [sflag:$0x2] =	stream.indirect_vreg.gather [hbm4b:s9+s30], $0x80, v4, vm1, $0xb8;
	[tilespmem:$0x1A980] =	vst v63  }
0x19b: {  	s14 =	simm.s32 $0xE980  }
0x19c: {  	[tilespmem:s14], [sflag:$0x2] =	stream.indirect_vreg.gather [hbm4b:s2+s30], $0x80, v3, vm0, $0xb8;
	[tilespmem:$0x1A980] =	vst v63  }
0x19d: {  	s15 =	simm.s32 $0xF180  }
0x19e: {  	[tilespmem:s15], [sflag:$0x2] =	stream.indirect_vreg.gather [hbm4b:s9+s30], $0x80, v3, vm1, $0xb8;
	[tilespmem:$0x1A980] =	vst v63  }
0x19f: {  	v3 =	vld.msk [tilespmem:s0+$0x19B0], $0xff;
	_ =	sdelay $0x4  }
0x1a0: {  	v4 =	vshrl.u32 v3, $0x3  }
0x1a1: {  	v4 =	vmul.u32 $0x18, v4  }
0x1a2: {  	v3 =	vand.u32 $0x7, v3  }
0x1a3: {  	v3 =	vor.u32 v3, v4  }
0x1a4: {  	v3 =	vperm.xlane v3, v0;
	_ =	sdelay $0x1  }
0x1a5: {  	v3 =	vadd.s32 v1, v3;
	_ =	sdelay $0x3  }
0x1a6: {  	s16 =	simm.s32 $0xF580  }
0x1a7: {  	[tilespmem:s16], [sflag:$0x2] =	stream.indirect_vreg.gather [hbm4b:s2+s30], $0x80, v3, vm0, $0xb8;
	[tilespmem:$0x1A980] =	vst v63  }
0x1a8: {  	s17 =	simm.s32 $0xFD80  }
0x1a9: {  	[tilespmem:s17], [sflag:$0x2] =	stream.indirect_vreg.gather [hbm4b:s9+s30], $0x80, v3, vm1, $0xb8;
	[tilespmem:$0x1A980] =	vst v63  }
0x1aa: {  	v3 =	vld [tilespmem:s0+$0x3980];
	_ =	sdelay $0x4  }
0x1ab: {  	v4 =	vshrl.u32 v3, $0x3  }
0x1ac: {  	v4 =	vmul.u32 $0x18, v4  }
0x1ad: {  	v3 =	vand.u32 $0x7, v3  }
0x1ae: {  	v3 =	vor.u32 v3, v4  }
0x1af: {  	v4 =	vperm.xlane v3, v0;
	_ =	sdelay $0x1  }
0x1b0: {  	v4 =	vadd.s32 v1, v4;
	_ =	sdelay $0x1  }
0x1b1: {  	v3 =	vperm.xlane v3, v2;
	_ =	sdelay $0x1  }
0x1b2: {  	s8 =	simm.s32 $0x15580;
	v3 =	vadd.s32 v1, v3  }
0x1b3: {  	[tilespmem:s8], [sflag:$0x4] =	stream.indirect_vreg.gather [hbm4b:s3+s30], $0x80, v4, vm0, $0xb8;
	[tilespmem:$0x1A980] =	vst v63  }
0x1b4: {  	s11 =	simm.s32 $0x15D80  }
0x1b5: {  	[tilespmem:s11], [sflag:$0x4] =	stream.indirect_vreg.gather [hbm4b:s10+s30], $0x80, v4, vm1, $0xb8;
	[tilespmem:$0x1A980] =	vst v63  }
0x1b6: {  	s12 =	simm.s32 $0x16180  }
0x1b7: {  	[tilespmem:s12], [sflag:$0x4] =	stream.indirect_vreg.gather [hbm4b:s3+s30], $0x80, v3, vm0, $0xb8;
	[tilespmem:$0x1A980] =	vst v63  }
0x1b8: {  	s14 =	simm.s32 $0x16980  }
0x1b9: {  	[tilespmem:s14], [sflag:$0x4] =	stream.indirect_vreg.gather [hbm4b:s10+s30], $0x80, v3, vm1, $0xb8;
	[tilespmem:$0x1A980] =	vst v63  }
0x1ba: {  	v3 =	vld [tilespmem:s0+$0x3990];
	_ =	sdelay $0x4  }
0x1bb: {  	v4 =	vshrl.u32 v3, $0x3  }
0x1bc: {  	v4 =	vmul.u32 $0x18, v4  }
0x1bd: {  	v3 =	vand.u32 $0x7, v3  }
0x1be: {  	v3 =	vor.u32 v3, v4  }
0x1bf: {  	v4 =	vperm.xlane v3, v0;
	_ =	sdelay $0x1  }
0x1c0: {  	v4 =	vadd.s32 v1, v4;
	_ =	sdelay $0x1  }
0x1c1: {  	v3 =	vperm.xlane v3, v2;
	_ =	sdelay $0x1  }
0x1c2: {  	s15 =	simm.s32 $0x16D80;
	v3 =	vadd.s32 v1, v3  }
0x1c3: {  	[tilespmem:s15], [sflag:$0x4] =	stream.indirect_vreg.gather [hbm4b:s3+s30], $0x80, v4, vm0, $0xb8;
	[tilespmem:$0x1A980] =	vst v63  }
0x1c4: {  	s16 =	simm.s32 $0x17580  }
0x1c5: {  	[tilespmem:s16], [sflag:$0x4] =	stream.indirect_vreg.gather [hbm4b:s10+s30], $0x80, v4, vm1, $0xb8;
	[tilespmem:$0x1A980] =	vst v63  }
0x1c6: {  	s17 =	simm.s32 $0x17980  }
0x1c7: {  	[tilespmem:s17], [sflag:$0x4] =	stream.indirect_vreg.gather [hbm4b:s3+s30], $0x80, v3, vm0, $0xb8;
	[tilespmem:$0x1A980] =	vst v63  }
0x1c8: {  	s8 =	simm.s32 $0x18180  }
0x1c9: {  	[tilespmem:s8], [sflag:$0x4] =	stream.indirect_vreg.gather [hbm4b:s10+s30], $0x80, v3, vm1, $0xb8;
	[tilespmem:$0x1A980] =	vst v63  }
0x1ca: {  	v3 =	vld [tilespmem:s0+$0x39A0];
	_ =	sdelay $0x4  }
0x1cb: {  	v4 =	vshrl.u32 v3, $0x3  }
0x1cc: {  	v4 =	vmul.u32 $0x18, v4  }
0x1cd: {  	v3 =	vand.u32 $0x7, v3  }
0x1ce: {  	v3 =	vor.u32 v3, v4  }
0x1cf: {  	v4 =	vperm.xlane v3, v0;
	_ =	sdelay $0x1  }
0x1d0: {  	v4 =	vadd.s32 v1, v4;
	_ =	sdelay $0x1  }
0x1d1: {  	v3 =	vperm.xlane v3, v2;
	_ =	sdelay $0x1  }
0x1d2: {  	s11 =	simm.s32 $0x18580;
	v3 =	vadd.s32 v1, v3  }
0x1d3: {  	[tilespmem:s11], [sflag:$0x4] =	stream.indirect_vreg.gather [hbm4b:s3+s30], $0x80, v4, vm0, $0xb8;
	[tilespmem:$0x1A980] =	vst v63  }
0x1d4: {  	_ = 	snop  }
0x1d5: {  	[tilespmem:s19], [sflag:$0x4] =	stream.indirect_vreg.gather [hbm4b:s10+s30], $0x80, v4, vm1, $0xb8;
	[tilespmem:$0x1A980] =	vst v63  }
0x1d6: {  	_ = 	snop  }
0x1d7: {  	[tilespmem:s20], [sflag:$0x4] =	stream.indirect_vreg.gather [hbm4b:s3+s30], $0x80, v3, vm0, $0xb8;
	[tilespmem:$0x1A980] =	vst v63  }
0x1d8: {  	_ = 	snop  }
0x1d9: {  	[tilespmem:s21], [sflag:$0x4] =	stream.indirect_vreg.gather [hbm4b:s10+s30], $0x80, v3, vm1, $0xb8;
	[tilespmem:$0x1A980] =	vst v63  }
0x1da: {  	v3 =	vld.msk [tilespmem:s0+$0x39B0], $0xff;
	_ =	sdelay $0x4  }
0x1db: {  	v4 =	vshrl.u32 v3, $0x3  }
0x1dc: {  	v4 =	vmul.u32 $0x18, v4  }
0x1dd: {  	v3 =	vand.u32 $0x7, v3  }
0x1de: {  	v3 =	vor.u32 v3, v4  }
0x1df: {  	v3 =	vperm.xlane v3, v0;
	_ =	sdelay $0x1  }
0x1e0: {  	v3 =	vadd.s32 v1, v3;
	_ =	sdelay $0x4  }
0x1e1: {  	[tilespmem:s22], [sflag:$0x4] =	stream.indirect_vreg.gather [hbm4b:s3+s30], $0x80, v3, vm0, $0xb8;
	[tilespmem:$0x1A980] =	vst v63  }
0x1e2: {  	_ = 	snop  }
0x1e3: {  	[tilespmem:s23], [sflag:$0x4] =	stream.indirect_vreg.gather [hbm4b:s10+s30], $0x80, v3, vm1, $0xb8;
	[tilespmem:$0x1A980] =	vst v63  }
0x1e4: {  	_ =	swait.ge [sflag:s24], $0x5400  }
0x1e5: {  	[sflag:s24] =	ssyncset.done $0x0  }
0x1e6: {  	s12 =	simm.s32 $0x0;
	[sflag:s24] =	ssyncadd.s32 $0xFFFFAC00  }
0x1e7: {  	s0 =	smul.u32 $0xC00, s12;
	_ =	swait.ge [sflag:s25], $0x5400  }
0x1e8: {  	s14 =	sand.u32 $0x300, s30;
	[sflag:s25] =	ssyncset.done $0x0  }
0x1e9: {  	s8 =	sor.u32 s14, s0;
	[sflag:s25] =	ssyncadd.s32 $0xFFFFAC00  }
0x1ea: {  	v3 =	vld [tilespmem:s8+$0x101F0]  }
0x1eb: {  	v4 =	vld [tilespmem:s8+$0x101C0]  }
0x1ec: {  	v5 =	vld [tilespmem:s8+$0x101B0]  }
0x1ed: {  	v6 =	vld [tilespmem:s8+$0x10190]  }
0x1ee: {  	v7 =	vld [tilespmem:s8+$0x10180]  }
0x1ef: {  	[tilespmem:s8+$0x59F0] =	vst.add.f32.msk $0xffff, v3  }
0x1f0: {  	v3 =	vld [tilespmem:s8+$0x101E0]  }
0x1f1: {  	[tilespmem:s8+$0x59C0] =	vst.add.f32.msk $0xffff, v4  }
0x1f2: {  	[tilespmem:s8+$0x59B0] =	vst.add.f32.msk $0xffff, v5  }
0x1f3: {  	v4 =	vld [tilespmem:s8+$0x101D0]  }
0x1f4: {  	v5 =	vld [tilespmem:s8+$0x101A0]  }
0x1f5: {  	[tilespmem:s8+$0x5980] =	vst.add.f32.msk $0xffff, v7  }
0x1f6: {  	[tilespmem:s8+$0x5990] =	vst.add.f32.msk $0xffff, v6  }
0x1f7: {  	[tilespmem:s8+$0x59E0] =	vst.add.f32.msk $0xffff, v3  }
0x1f8: {  	s11 =	sadd.s32 $0x400, s0;
	[tilespmem:s8+$0x59D0] =	vst.add.f32.msk $0xffff, v4  }
0x1f9: {  	s15 =	sor.u32 s14, s11;
	[tilespmem:s8+$0x59A0] =	vst.add.f32.msk $0xffff, v5  }
0x1fa: {  	v3 =	vld [tilespmem:s15+$0x101F0]  }
0x1fb: {  	v4 =	vld [tilespmem:s15+$0x101E0]  }
0x1fc: {  	v5 =	vld [tilespmem:s15+$0x101A0]  }
0x1fd: {  	v6 =	vld [tilespmem:s15+$0x10180]  }
0x1fe: {  	v7 =	vld [tilespmem:s15+$0x101B0]  }
0x1ff: {  	v8 =	vld [tilespmem:s15+$0x101D0]  }
0x200: {  	[tilespmem:s15+$0x59F0] =	vst.add.f32.msk $0xffff, v3  }
0x201: {  	v3 =	vld [tilespmem:s15+$0x101C0]  }
0x202: {  	[tilespmem:s15+$0x59E0] =	vst.add.f32.msk $0xffff, v4  }
0x203: {  	[tilespmem:s15+$0x59A0] =	vst.add.f32.msk $0xffff, v5  }
0x204: {  	v4 =	vld [tilespmem:s15+$0x10190]  }
0x205: {  	[tilespmem:s15+$0x59D0] =	vst.add.f32.msk $0xffff, v8  }
0x206: {  	[tilespmem:s15+$0x5980] =	vst.add.f32.msk $0xffff, v6  }
0x207: {  	[tilespmem:s15+$0x59B0] =	vst.add.f32.msk $0xffff, v7  }
0x208: {  	s12 =	sadd.s32 $0x800, s0;
	[tilespmem:s15+$0x59C0] =	vst.add.f32.msk $0xffff, v3  }
0x209: {  	s16 =	sor.u32 s14, s12;
	[tilespmem:s15+$0x5990] =	vst.add.f32.msk $0xffff, v4  }
0x20a: {  	v3 =	vld [tilespmem:s16+$0x101F0]  }
0x20b: {  	v4 =	vld [tilespmem:s16+$0x101B0]  }
0x20c: {  	v5 =	vld [tilespmem:s16+$0x101A0]  }
0x20d: {  	v6 =	vld [tilespmem:s16+$0x101E0]  }
0x20e: {  	v7 =	vld [tilespmem:s16+$0x10190]  }
0x20f: {  	v8 =	vld [tilespmem:s16+$0x101C0]  }
0x210: {  	[tilespmem:s16+$0x59F0] =	vst.add.f32.msk $0xffff, v3  }
0x211: {  	v3 =	vld [tilespmem:s16+$0x101D0]  }
0x212: {  	[tilespmem:s16+$0x59B0] =	vst.add.f32.msk $0xffff, v4  }
0x213: {  	[tilespmem:s16+$0x59A0] =	vst.add.f32.msk $0xffff, v5  }
0x214: {  	v4 =	vld [tilespmem:s16+$0x10180]  }
0x215: {  	[tilespmem:s16+$0x59C0] =	vst.add.f32.msk $0xffff, v8  }
0x216: {  	[tilespmem:s16+$0x5990] =	vst.add.f32.msk $0xffff, v7  }
0x217: {  	[tilespmem:s16+$0x59E0] =	vst.add.f32.msk $0xffff, v6  }
0x218: {  	s7 =	sor.u32 $0x80, s14;
	[tilespmem:s16+$0x59D0] =	vst.add.f32.msk $0xffff, v3  }
0x219: {  	s0 =	sor.u32 s0, s7;
	[tilespmem:s16+$0x5980] =	vst.add.f32.msk $0xffff, v4  }
0x21a: {  	v3 =	vld [tilespmem:s0+$0x101F0]  }
0x21b: {  	v4 =	vld [tilespmem:s0+$0x101B0]  }
0x21c: {  	v5 =	vld [tilespmem:s0+$0x101D0]  }
0x21d: {  	v6 =	vld [tilespmem:s0+$0x101A0]  }
0x21e: {  	v7 =	vld [tilespmem:s0+$0x101E0]  }
0x21f: {  	v8 =	vld [tilespmem:s0+$0x10180]  }
0x220: {  	[tilespmem:s0+$0x59F0] =	vst.add.f32.msk $0xffff, v3  }
0x221: {  	v3 =	vld [tilespmem:s0+$0x10190]  }
0x222: {  	[tilespmem:s0+$0x59B0] =	vst.add.f32.msk $0xffff, v4  }
0x223: {  	[tilespmem:s0+$0x59D0] =	vst.add.f32.msk $0xffff, v5  }
0x224: {  	v4 =	vld [tilespmem:s0+$0x101C0]  }
0x225: {  	[tilespmem:s0+$0x5980] =	vst.add.f32.msk $0xffff, v8  }
0x226: {  	[tilespmem:s0+$0x59A0] =	vst.add.f32.msk $0xffff, v6  }
0x227: {  	[tilespmem:s0+$0x59E0] =	vst.add.f32.msk $0xffff, v7  }
0x228: {  	[tilespmem:s0+$0x5990] =	vst.add.f32.msk $0xffff, v3  }
0x229: {  	s17 =	sor.u32 s7, s11;
	[tilespmem:s0+$0x59C0] =	vst.add.f32.msk $0xffff, v4  }
0x22a: {  	v3 =	vld [tilespmem:s17+$0x101F0]  }
0x22b: {  	v4 =	vld [tilespmem:s17+$0x101E0]  }
0x22c: {  	v5 =	vld [tilespmem:s17+$0x10180]  }
0x22d: {  	v6 =	vld [tilespmem:s17+$0x101B0]  }
0x22e: {  	v7 =	vld [tilespmem:s17+$0x101A0]  }
0x22f: {  	v8 =	vld [tilespmem:s17+$0x101D0]  }
0x230: {  	[tilespmem:s17+$0x59F0] =	vst.add.f32.msk $0xffff, v3  }
0x231: {  	v3 =	vld [tilespmem:s17+$0x10190]  }
0x232: {  	[tilespmem:s17+$0x59B0] =	vst.add.f32.msk $0xffff, v6  }
0x233: {  	v6 =	vld [tilespmem:s17+$0x101C0]  }
0x234: {  	[tilespmem:s17+$0x59A0] =	vst.add.f32.msk $0xffff, v7  }
0x235: {  	[tilespmem:s17+$0x59E0] =	vst.add.f32.msk $0xffff, v4  }
0x236: {  	[tilespmem:s17+$0x59D0] =	vst.add.f32.msk $0xffff, v8  }
0x237: {  	[tilespmem:s17+$0x5980] =	vst.add.f32.msk $0xffff, v5  }
0x238: {  	[tilespmem:s17+$0x5990] =	vst.add.f32.msk $0xffff, v3  }
0x239: {  	s12 =	sor.u32 s7, s12;
	[tilespmem:s17+$0x59C0] =	vst.add.f32.msk $0xffff, v6  }
0x23a: {  	v3 =	vld [tilespmem:s12+$0x10180]  }
0x23b: {  	v8 =	vld [tilespmem:s12+$0x10190]  }
0x23c: {  	v5 =	vld [tilespmem:s12+$0x101A0]  }
0x23d: {  	v9 =	vld [tilespmem:s12+$0x101B0]  }
0x23e: {  	v4 =	vld [tilespmem:s12+$0x101C0]  }
0x23f: {  	v7 =	vld [tilespmem:s12+$0x101D0]  }
0x240: {  	v6 =	vld [tilespmem:s12+$0x101E0]  }
0x241: {  	[tilespmem:s12+$0x59A0] =	vst.add.f32.msk $0xffff, v5  }
0x242: {  	[tilespmem:s12+$0x59B0] =	vst.add.f32.msk $0xffff, v9  }
0x243: {  	v5 =	vld [tilespmem:s12+$0x101F0]  }
0x244: {  	s7 =	simm.s32 $0x0;
	s8 =	simm.s32 $0x0;
	s0 =	sshll.u32 s31, $0x1;
	[tilespmem:s12+$0x5990] =	vst.add.f32.msk $0xffff, v8  }
.LBB2_7:
0x245: {  	s7 =	sadd.s32 $0x2, s7;
	[tilespmem:s12+$0x59D0] =	vst.add.f32.msk $0xffff, v7;
	s8 =	sadd.s32 $0x100, s8  }
0x246: {  	s11 =	sshrl.u32 s7, $0x3;
	p0 =	slt.u32 s7, $0x30;
	[tilespmem:s12+$0x59E0] =	vst.add.f32.msk $0xffff, v6  }
0x247: {  	s15 =	smul.u32 $0xC00, s11;
	[tilespmem:s12+$0x59C0] =	vst.add.f32.msk $0xffff, v4  }
0x248: {  	s16 =	sand.u32 $0x300, s8;
	[tilespmem:s12+$0x59F0] =	vst.add.f32.msk $0xffff, v5  }
0x249: {  	s17 =	sor.u32 s16, s15;
	s14 =	sadd.s32 $0x400, s15;
	s11 =	sadd.s32 $0x800, s15;
	[tilespmem:s12+$0x5980] =	vst.add.f32.msk $0xffff, v3  }
0x24a: {  	s12 =	sor.u32 $0x80, s16;
	v3 =	vld [tilespmem:s17+$0x101F0]  }
0x24b: {  	v4 =	vld [tilespmem:s17+$0x101C0]  }
0x24c: {  	v5 =	vld [tilespmem:s17+$0x101B0]  }
0x24d: {  	v6 =	vld [tilespmem:s17+$0x10190]  }
0x24e: {  	v7 =	vld [tilespmem:s17+$0x10180]  }
0x24f: {  	[tilespmem:s17+$0x59F0] =	vst.add.f32.msk $0xffff, v3  }
0x250: {  	v3 =	vld [tilespmem:s17+$0x101E0]  }
0x251: {  	[tilespmem:s17+$0x59C0] =	vst.add.f32.msk $0xffff, v4  }
0x252: {  	[tilespmem:s17+$0x59B0] =	vst.add.f32.msk $0xffff, v5  }
0x253: {  	v4 =	vld [tilespmem:s17+$0x101D0]  }
0x254: {  	v5 =	vld [tilespmem:s17+$0x101A0]  }
0x255: {  	[tilespmem:s17+$0x59E0] =	vst.add.f32.msk $0xffff, v3  }
0x256: {  	[tilespmem:s17+$0x5980] =	vst.add.f32.msk $0xffff, v7  }
0x257: {  	[tilespmem:s17+$0x5990] =	vst.add.f32.msk $0xffff, v6  }
0x258: {  	[tilespmem:s17+$0x59D0] =	vst.add.f32.msk $0xffff, v4  }
0x259: {  	[tilespmem:s17+$0x59A0] =	vst.add.f32.msk $0xffff, v5;
	s17 =	sor.u32 s16, s14  }
0x25a: {  	v3 =	vld [tilespmem:s17+$0x101F0]  }
0x25b: {  	v4 =	vld [tilespmem:s17+$0x101E0]  }
0x25c: {  	v5 =	vld [tilespmem:s17+$0x101A0]  }
0x25d: {  	v6 =	vld [tilespmem:s17+$0x10180]  }
0x25e: {  	v7 =	vld [tilespmem:s17+$0x101B0]  }
0x25f: {  	[tilespmem:s17+$0x59F0] =	vst.add.f32.msk $0xffff, v3  }
0x260: {  	v3 =	vld [tilespmem:s17+$0x101C0]  }
0x261: {  	v8 =	vld [tilespmem:s17+$0x101D0]  }
0x262: {  	[tilespmem:s17+$0x59E0] =	vst.add.f32.msk $0xffff, v4  }
0x263: {  	[tilespmem:s17+$0x59A0] =	vst.add.f32.msk $0xffff, v5  }
0x264: {  	v4 =	vld [tilespmem:s17+$0x10190]  }
0x265: {  	[tilespmem:s17+$0x59C0] =	vst.add.f32.msk $0xffff, v3  }
0x266: {  	[tilespmem:s17+$0x59D0] =	vst.add.f32.msk $0xffff, v8  }
0x267: {  	[tilespmem:s17+$0x5980] =	vst.add.f32.msk $0xffff, v6  }
0x268: {  	[tilespmem:s17+$0x59B0] =	vst.add.f32.msk $0xffff, v7  }
0x269: {  	s16 =	sor.u32 s16, s11;
	[tilespmem:s17+$0x5990] =	vst.add.f32.msk $0xffff, v4  }
0x26a: {  	v3 =	vld [tilespmem:s16+$0x101F0]  }
0x26b: {  	v4 =	vld [tilespmem:s16+$0x101B0]  }
0x26c: {  	v5 =	vld [tilespmem:s16+$0x101A0]  }
0x26d: {  	v6 =	vld [tilespmem:s16+$0x101E0]  }
0x26e: {  	v7 =	vld [tilespmem:s16+$0x10190]  }
0x26f: {  	[tilespmem:s16+$0x59F0] =	vst.add.f32.msk $0xffff, v3  }
0x270: {  	v3 =	vld [tilespmem:s16+$0x101D0]  }
0x271: {  	v8 =	vld [tilespmem:s16+$0x101C0]  }
0x272: {  	[tilespmem:s16+$0x59B0] =	vst.add.f32.msk $0xffff, v4  }
0x273: {  	[tilespmem:s16+$0x59A0] =	vst.add.f32.msk $0xffff, v5  }
0x274: {  	v4 =	vld [tilespmem:s16+$0x10180]  }
0x275: {  	[tilespmem:s16+$0x59D0] =	vst.add.f32.msk $0xffff, v3  }
0x276: {  	[tilespmem:s16+$0x59C0] =	vst.add.f32.msk $0xffff, v8  }
0x277: {  	[tilespmem:s16+$0x5990] =	vst.add.f32.msk $0xffff, v7  }
0x278: {  	[tilespmem:s16+$0x59E0] =	vst.add.f32.msk $0xffff, v6  }
0x279: {  	s15 =	sor.u32 s15, s12;
	[tilespmem:s16+$0x5980] =	vst.add.f32.msk $0xffff, v4  }
0x27a: {  	v3 =	vld [tilespmem:s15+$0x101F0]  }
0x27b: {  	v4 =	vld [tilespmem:s15+$0x101B0]  }
0x27c: {  	v5 =	vld [tilespmem:s15+$0x101D0]  }
0x27d: {  	v6 =	vld [tilespmem:s15+$0x101A0]  }
0x27e: {  	v7 =	vld [tilespmem:s15+$0x101E0]  }
0x27f: {  	[tilespmem:s15+$0x59F0] =	vst.add.f32.msk $0xffff, v3  }
0x280: {  	v3 =	vld [tilespmem:s15+$0x10190]  }
0x281: {  	v8 =	vld [tilespmem:s15+$0x10180]  }
0x282: {  	[tilespmem:s15+$0x59B0] =	vst.add.f32.msk $0xffff, v4  }
0x283: {  	[tilespmem:s15+$0x59D0] =	vst.add.f32.msk $0xffff, v5  }
0x284: {  	v4 =	vld [tilespmem:s15+$0x101C0]  }
0x285: {  	[tilespmem:s15+$0x5990] =	vst.add.f32.msk $0xffff, v3  }
0x286: {  	[tilespmem:s15+$0x5980] =	vst.add.f32.msk $0xffff, v8  }
0x287: {  	[tilespmem:s15+$0x59A0] =	vst.add.f32.msk $0xffff, v6  }
0x288: {  	[tilespmem:s15+$0x59E0] =	vst.add.f32.msk $0xffff, v7  }
0x289: {  	s14 =	sor.u32 s12, s14;
	[tilespmem:s15+$0x59C0] =	vst.add.f32.msk $0xffff, v4  }
0x28a: {  	v3 =	vld [tilespmem:s14+$0x101F0]  }
0x28b: {  	v4 =	vld [tilespmem:s14+$0x101E0]  }
0x28c: {  	v5 =	vld [tilespmem:s14+$0x10180]  }
0x28d: {  	v6 =	vld [tilespmem:s14+$0x101B0]  }
0x28e: {  	v7 =	vld [tilespmem:s14+$0x101A0]  }
0x28f: {  	v8 =	vld [tilespmem:s14+$0x101D0]  }
0x290: {  	[tilespmem:s14+$0x59F0] =	vst.add.f32.msk $0xffff, v3  }
0x291: {  	v3 =	vld [tilespmem:s14+$0x10190]  }
0x292: {  	[tilespmem:s14+$0x59B0] =	vst.add.f32.msk $0xffff, v6  }
0x293: {  	v6 =	vld [tilespmem:s14+$0x101C0]  }
0x294: {  	[tilespmem:s14+$0x59A0] =	vst.add.f32.msk $0xffff, v7  }
0x295: {  	[tilespmem:s14+$0x59E0] =	vst.add.f32.msk $0xffff, v4  }
0x296: {  	[tilespmem:s14+$0x5990] =	vst.add.f32.msk $0xffff, v3  }
0x297: {  	[tilespmem:s14+$0x59D0] =	vst.add.f32.msk $0xffff, v8  }
0x298: {  	[tilespmem:s14+$0x59C0] =	vst.add.f32.msk $0xffff, v6  }
0x299: {  	s12 =	sor.u32 s12, s11;
	[tilespmem:s14+$0x5980] =	vst.add.f32.msk $0xffff, v5  }
0x29a: {  	v3 =	vld [tilespmem:s12+$0x10180]  }
0x29b: {  	v8 =	vld [tilespmem:s12+$0x10190]  }
0x29c: {  	v5 =	vld [tilespmem:s12+$0x101A0]  }
0x29d: {  	v9 =	vld [tilespmem:s12+$0x101B0]  }
0x29e: {  	v4 =	vld [tilespmem:s12+$0x101C0]  }
0x29f: {  	v7 =	vld [tilespmem:s12+$0x101D0]  }
.Ltmp2:
0x2a0: {  	v6 =	vld [tilespmem:s12+$0x101E0];
	(pc) =	sbr.rel @p0 .LBB2_7-.Ltmp2, $4  }
0x2a1: {  	[tilespmem:s12+$0x59A0] =	vst.add.f32.msk $0xffff, v5  }
0x2a2: {  	[tilespmem:s12+$0x59B0] =	vst.add.f32.msk $0xffff, v9  }
0x2a3: {  	v5 =	vld [tilespmem:s12+$0x101F0]  }
0x2a4: {  	[tilespmem:s12+$0x5990] =	vst.add.f32.msk $0xffff, v8  }
0x2a5: {  	[tilespmem:s12+$0x59D0] =	vst.add.f32.msk $0xffff, v7;
	p0 =	seq.s32 s31, $0x3F  }
.Ltmp3:
0x2a6: {  	[tilespmem:s12+$0x59E0] =	vst.add.f32.msk $0xffff, v6;
	s0 =	sadd.s32 s6, s0;
	(pc) =	sbr.rel @p0 .LBB2_10-.Ltmp3, $4  }
0x2a7: {  	[tilespmem:s12+$0x59C0] =	vst.add.f32.msk $0xffff, v4;
	s0 =	smul.u32 $0xA80, s0  }
0x2a8: {  	[tilespmem:s12+$0x5980] =	vst.add.f32.msk $0xffff, v3  }
0x2a9: {  	[tilespmem:s12+$0x59F0] =	vst.add.f32.msk $0xffff, v5;
	s0 =	sadd.s32 s5, s0  }
0x2aa: {  	[hbm4b:s0+s4] =	stream.linear.scatter [tilespmem:s13], [sflag:$0x5], $0x5400, $0x38;
	[tilespmem:$0x1A980] =	vst v63  }
0x2ab: {  	_ =	swait.ge [sflag:s29], $0x5400  }
0x2ac: {  	[sflag:s29] =	ssyncset.done $0x0  }
0x2ad: {  	s0 =	sshll.u32 s31, $0x7;
	[sflag:s29] =	ssyncadd.s32 $0xFFFFAC00  }
0x2ae: {  	v3 =	vld [tilespmem:s0+$0x1A00];
	_ =	sdelay $0x4  }
0x2af: {  	v4 =	vshrl.u32 v3, $0x3  }
0x2b0: {  	v4 =	vmul.u32 $0x18, v4  }
0x2b1: {  	v3 =	vand.u32 $0x7, v3  }
0x2b2: {  	v3 =	vor.u32 v3, v4  }
0x2b3: {  	v4 =	vperm.xlane v3, v0;
	_ =	sdelay $0x1  }
0x2b4: {  	v4 =	vadd.s32 v1, v4;
	_ =	sdelay $0x1  }
0x2b5: {  	v3 =	vperm.xlane v3, v2;
	_ =	sdelay $0x1  }
0x2b6: {  	v3 =	vadd.s32 v1, v3  }
0x2b7: {  	[tilespmem:s13], [sflag:$0x1] =	stream.indirect_vreg.gather [hbm4b:s2+s4], $0x80, v4, vm0, $0xb8;
	[tilespmem:$0x1A980] =	vst v63  }
0x2b8: {  	s7 =	simm.s32 $0x6180  }
0x2b9: {  	[tilespmem:s7], [sflag:$0x1] =	stream.indirect_vreg.gather [hbm4b:s9+s4], $0x80, v4, vm1, $0xb8;
	[tilespmem:$0x1A980] =	vst v63  }
0x2ba: {  	s12 =	simm.s32 $0x6580  }
0x2bb: {  	[tilespmem:s12], [sflag:$0x1] =	stream.indirect_vreg.gather [hbm4b:s2+s4], $0x80, v3, vm0, $0xb8;
	[tilespmem:$0x1A980] =	vst v63  }
0x2bc: {  	s14 =	simm.s32 $0x6D80  }
0x2bd: {  	[tilespmem:s14], [sflag:$0x1] =	stream.indirect_vreg.gather [hbm4b:s9+s4], $0x80, v3, vm1, $0xb8;
	[tilespmem:$0x1A980] =	vst v63  }
0x2be: {  	v3 =	vld [tilespmem:s0+$0x1A10];
	_ =	sdelay $0x4  }
0x2bf: {  	v57 =	vshrl.u32 v3, $0x3  }
0x2c0: {  	v4 =	vmul.u32 $0x18, v57  }
0x2c1: {  	v3 =	vand.u32 $0x7, v3  }
0x2c2: {  	v3 =	vor.u32 v3, v4  }
0x2c3: {  	v4 =	vperm.xlane v3, v0;
	_ =	sdelay $0x1  }
0x2c4: {  	v4 =	vadd.s32 v1, v4;
	_ =	sdelay $0x1  }
0x2c5: {  	v3 =	vperm.xlane v3, v2;
	_ =	sdelay $0x1  }
0x2c6: {  	s15 =	simm.s32 $0x7180;
	v3 =	vadd.s32 v1, v3  }
0x2c7: {  	[tilespmem:s15], [sflag:$0x1] =	stream.indirect_vreg.gather [hbm4b:s2+s4], $0x80, v4, vm0, $0xb8;
	[tilespmem:$0x1A980] =	vst v63  }
0x2c8: {  	s16 =	simm.s32 $0x7980  }
0x2c9: {  	[tilespmem:s16], [sflag:$0x1] =	stream.indirect_vreg.gather [hbm4b:s9+s4], $0x80, v4, vm1, $0xb8;
	[tilespmem:$0x1A980] =	vst v63  }
0x2ca: {  	s17 =	simm.s32 $0x7D80  }
0x2cb: {  	[tilespmem:s17], [sflag:$0x1] =	stream.indirect_vreg.gather [hbm4b:s2+s4], $0x80, v3, vm0, $0xb8;
	[tilespmem:$0x1A980] =	vst v63  }
0x2cc: {  	s8 =	simm.s32 $0x8580  }
0x2cd: {  	[tilespmem:s8], [sflag:$0x1] =	stream.indirect_vreg.gather [hbm4b:s9+s4], $0x80, v3, vm1, $0xb8;
	[tilespmem:$0x1A980] =	vst v63  }
0x2ce: {  	v3 =	vld [tilespmem:s0+$0x1A20];
	_ =	sdelay $0x4  }
0x2cf: {  	v58 =	vshrl.u32 v3, $0x3  }
0x2d0: {  	v4 =	vmul.u32 $0x18, v58  }
0x2d1: {  	v3 =	vand.u32 $0x7, v3  }
0x2d2: {  	v3 =	vor.u32 v3, v4  }
0x2d3: {  	v4 =	vperm.xlane v3, v0;
	_ =	sdelay $0x1  }
0x2d4: {  	v4 =	vadd.s32 v1, v4;
	_ =	sdelay $0x1  }
0x2d5: {  	v3 =	vperm.xlane v3, v2;
	_ =	sdelay $0x1  }
0x2d6: {  	s11 =	simm.s32 $0x8980;
	v3 =	vadd.s32 v1, v3  }
0x2d7: {  	[tilespmem:s11], [sflag:$0x1] =	stream.indirect_vreg.gather [hbm4b:s2+s4], $0x80, v4, vm0, $0xb8;
	[tilespmem:$0x1A980] =	vst v63  }
0x2d8: {  	s12 =	simm.s32 $0x9180  }
0x2d9: {  	[tilespmem:s12], [sflag:$0x1] =	stream.indirect_vreg.gather [hbm4b:s9+s4], $0x80, v4, vm1, $0xb8;
	[tilespmem:$0x1A980] =	vst v63  }
0x2da: {  	s14 =	simm.s32 $0x9580  }
0x2db: {  	[tilespmem:s14], [sflag:$0x1] =	stream.indirect_vreg.gather [hbm4b:s2+s4], $0x80, v3, vm0, $0xb8;
	[tilespmem:$0x1A980] =	vst v63  }
0x2dc: {  	s15 =	simm.s32 $0x9D80  }
0x2dd: {  	[tilespmem:s15], [sflag:$0x1] =	stream.indirect_vreg.gather [hbm4b:s9+s4], $0x80, v3, vm1, $0xb8;
	[tilespmem:$0x1A980] =	vst v63  }
0x2de: {  	v3 =	vld.msk [tilespmem:s0+$0x1A30], $0xff;
	_ =	sdelay $0x4  }
0x2df: {  	v59 =	vshrl.u32 v3, $0x3  }
0x2e0: {  	v4 =	vmul.u32 $0x18, v59  }
0x2e1: {  	v3 =	vand.u32 $0x7, v3  }
0x2e2: {  	v3 =	vor.u32 v3, v4  }
0x2e3: {  	v3 =	vperm.xlane v3, v0;
	_ =	sdelay $0x1  }
0x2e4: {  	v3 =	vadd.s32 v1, v3;
	_ =	sdelay $0x3  }
0x2e5: {  	s16 =	simm.s32 $0xA180  }
0x2e6: {  	[tilespmem:s16], [sflag:$0x1] =	stream.indirect_vreg.gather [hbm4b:s2+s4], $0x80, v3, vm0, $0xb8;
	[tilespmem:$0x1A980] =	vst v63  }
0x2e7: {  	s17 =	simm.s32 $0xA980  }
0x2e8: {  	[tilespmem:s17], [sflag:$0x1] =	stream.indirect_vreg.gather [hbm4b:s9+s4], $0x80, v3, vm1, $0xb8;
	[tilespmem:$0x1A980] =	vst v63  }
0x2e9: {  	v3 =	vld [tilespmem:s0+$0x3A00];
	_ =	sdelay $0x4  }
0x2ea: {  	v60 =	vshrl.u32 v3, $0x3  }
0x2eb: {  	v4 =	vmul.u32 $0x18, v60  }
0x2ec: {  	v3 =	vand.u32 $0x7, v3  }
0x2ed: {  	v3 =	vor.u32 v3, v4  }
0x2ee: {  	v4 =	vperm.xlane v3, v0;
	_ =	sdelay $0x1  }
0x2ef: {  	v4 =	vadd.s32 v1, v4;
	_ =	sdelay $0x1  }
0x2f0: {  	v3 =	vperm.xlane v3, v2;
	_ =	sdelay $0x1  }
0x2f1: {  	s8 =	simm.s32 $0x10180;
	v3 =	vadd.s32 v1, v3  }
0x2f2: {  	[tilespmem:s8], [sflag:$0x3] =	stream.indirect_vreg.gather [hbm4b:s3+s4], $0x80, v4, vm0, $0xb8;
	[tilespmem:$0x1A980] =	vst v63  }
0x2f3: {  	s11 =	simm.s32 $0x10980  }
0x2f4: {  	[tilespmem:s11], [sflag:$0x3] =	stream.indirect_vreg.gather [hbm4b:s10+s4], $0x80, v4, vm1, $0xb8;
	[tilespmem:$0x1A980] =	vst v63  }
0x2f5: {  	s12 =	simm.s32 $0x10D80  }
0x2f6: {  	[tilespmem:s12], [sflag:$0x3] =	stream.indirect_vreg.gather [hbm4b:s3+s4], $0x80, v3, vm0, $0xb8;
	[tilespmem:$0x1A980] =	vst v63  }
0x2f7: {  	s14 =	simm.s32 $0x11580  }
0x2f8: {  	[tilespmem:s14], [sflag:$0x3] =	stream.indirect_vreg.gather [hbm4b:s10+s4], $0x80, v3, vm1, $0xb8;
	[tilespmem:$0x1A980] =	vst v63  }
0x2f9: {  	v3 =	vld [tilespmem:s0+$0x3A10];
	_ =	sdelay $0x4  }
0x2fa: {  	v61 =	vshrl.u32 v3, $0x3  }
0x2fb: {  	v4 =	vmul.u32 $0x18, v61  }
0x2fc: {  	v3 =	vand.u32 $0x7, v3  }
0x2fd: {  	v3 =	vor.u32 v3, v4  }
0x2fe: {  	v4 =	vperm.xlane v3, v0;
	_ =	sdelay $0x1  }
0x2ff: {  	v4 =	vadd.s32 v1, v4;
	_ =	sdelay $0x1  }
0x300: {  	v3 =	vperm.xlane v3, v2;
	_ =	sdelay $0x1  }
0x301: {  	s15 =	simm.s32 $0x11980;
	v3 =	vadd.s32 v1, v3  }
0x302: {  	[tilespmem:s15], [sflag:$0x3] =	stream.indirect_vreg.gather [hbm4b:s3+s4], $0x80, v4, vm0, $0xb8;
	[tilespmem:$0x1A980] =	vst v63  }
0x303: {  	s16 =	simm.s32 $0x12180  }
0x304: {  	[tilespmem:s16], [sflag:$0x3] =	stream.indirect_vreg.gather [hbm4b:s10+s4], $0x80, v4, vm1, $0xb8;
	[tilespmem:$0x1A980] =	vst v63  }
0x305: {  	s17 =	simm.s32 $0x12580  }
0x306: {  	[tilespmem:s17], [sflag:$0x3] =	stream.indirect_vreg.gather [hbm4b:s3+s4], $0x80, v3, vm0, $0xb8;
	[tilespmem:$0x1A980] =	vst v63  }
0x307: {  	s8 =	simm.s32 $0x12D80  }
0x308: {  	[tilespmem:s8], [sflag:$0x3] =	stream.indirect_vreg.gather [hbm4b:s10+s4], $0x80, v3, vm1, $0xb8;
	[tilespmem:$0x1A980] =	vst v63  }
0x309: {  	v3 =	vld [tilespmem:s0+$0x3A20];
	_ =	sdelay $0x4  }
0x30a: {  	v62 =	vshrl.u32 v3, $0x3  }
0x30b: {  	v4 =	vmul.u32 $0x18, v62  }
0x30c: {  	v3 =	vand.u32 $0x7, v3  }
0x30d: {  	v3 =	vor.u32 v3, v4  }
0x30e: {  	v4 =	vperm.xlane v3, v0;
	_ =	sdelay $0x1  }
0x30f: {  	v4 =	vadd.s32 v1, v4;
	_ =	sdelay $0x1  }
0x310: {  	v3 =	vperm.xlane v3, v2;
	_ =	sdelay $0x1  }
0x311: {  	s11 =	simm.s32 $0x13180;
	v3 =	vadd.s32 v1, v3  }
0x312: {  	[tilespmem:s11], [sflag:$0x3] =	stream.indirect_vreg.gather [hbm4b:s3+s4], $0x80, v4, vm0, $0xb8;
	[tilespmem:$0x1A980] =	vst v63  }
0x313: {  	s12 =	simm.s32 $0x13980  }
0x314: {  	[tilespmem:s12], [sflag:$0x3] =	stream.indirect_vreg.gather [hbm4b:s10+s4], $0x80, v4, vm1, $0xb8;
	[tilespmem:$0x1A980] =	vst v63  }
0x315: {  	s14 =	simm.s32 $0x13D80  }
0x316: {  	[tilespmem:s14], [sflag:$0x3] =	stream.indirect_vreg.gather [hbm4b:s3+s4], $0x80, v3, vm0, $0xb8;
	[tilespmem:$0x1A980] =	vst v63  }
0x317: {  	s15 =	simm.s32 $0x14580  }
0x318: {  	[tilespmem:s15], [sflag:$0x3] =	stream.indirect_vreg.gather [hbm4b:s10+s4], $0x80, v3, vm1, $0xb8;
	[tilespmem:$0x1A980] =	vst v63  }
0x319: {  	v3 =	vld.msk [tilespmem:s0+$0x3A30], $0xff;
	_ =	sdelay $0x4  }
0x31a: {  	v63 =	vshrl.u32 v3, $0x3  }
0x31b: {  	v4 =	vmul.u32 $0x18, v63  }
0x31c: {  	v3 =	vand.u32 $0x7, v3  }
0x31d: {  	v3 =	vor.u32 v3, v4  }
0x31e: {  	v3 =	vperm.xlane v3, v0;
	_ =	sdelay $0x1  }
0x31f: {  	v3 =	vadd.s32 v1, v3;
	_ =	sdelay $0x3  }
0x320: {  	s16 =	simm.s32 $0x14980  }
0x321: {  	[tilespmem:s16], [sflag:$0x3] =	stream.indirect_vreg.gather [hbm4b:s3+s4], $0x80, v3, vm0, $0xb8;
	[tilespmem:$0x1A980] =	vst v63  }
0x322: {  	s17 =	simm.s32 $0x15180  }
0x323: {  	[tilespmem:s17], [sflag:$0x3] =	stream.indirect_vreg.gather [hbm4b:s10+s4], $0x80, v3, vm1, $0xb8;
	[tilespmem:$0x1A980] =	vst v63  }
.LBB2_10:
0x324: {  	_ =	swait.ge [sflag:s26], $0x5400  }
0x325: {  	[sflag:s26] =	ssyncset.done $0x0  }
0x326: {  	s7 =	simm.s32 $0x0;
	[sflag:s26] =	ssyncadd.s32 $0xFFFFAC00  }
0x327: {  	s0 =	simm.s32 $0x0;
	s7 =	smul.u32 $0xC00, s7;
	_ =	swait.ge [sflag:s28], $0x5400  }
0x328: {  	s8 =	sand.u32 $0x300, s0;
	[sflag:s28] =	ssyncset.done $0x0  }
0x329: {  	s11 =	sor.u32 s8, s7;
	[sflag:s28] =	ssyncadd.s32 $0xFFFFAC00  }
0x32a: {  	v3 =	vld [tilespmem:s11+$0x155F0]  }
0x32b: {  	v4 =	vld [tilespmem:s11+$0x155C0]  }
0x32c: {  	v5 =	vld [tilespmem:s11+$0x155B0]  }
0x32d: {  	v6 =	vld [tilespmem:s11+$0x15590]  }
0x32e: {  	v7 =	vld [tilespmem:s11+$0x15580]  }
0x32f: {  	[tilespmem:s11+$0xADF0] =	vst.add.f32.msk $0xffff, v3  }
0x330: {  	v3 =	vld [tilespmem:s11+$0x155E0]  }
0x331: {  	[tilespmem:s11+$0xADC0] =	vst.add.f32.msk $0xffff, v4  }
0x332: {  	[tilespmem:s11+$0xADB0] =	vst.add.f32.msk $0xffff, v5  }
0x333: {  	v4 =	vld [tilespmem:s11+$0x155D0]  }
0x334: {  	v5 =	vld [tilespmem:s11+$0x155A0]  }
0x335: {  	[tilespmem:s11+$0xAD80] =	vst.add.f32.msk $0xffff, v7  }
0x336: {  	[tilespmem:s11+$0xAD90] =	vst.add.f32.msk $0xffff, v6  }
0x337: {  	[tilespmem:s11+$0xADE0] =	vst.add.f32.msk $0xffff, v3  }
0x338: {  	s12 =	sadd.s32 $0x400, s7;
	[tilespmem:s11+$0xADD0] =	vst.add.f32.msk $0xffff, v4  }
0x339: {  	s15 =	sor.u32 s8, s12;
	[tilespmem:s11+$0xADA0] =	vst.add.f32.msk $0xffff, v5  }
0x33a: {  	v3 =	vld [tilespmem:s15+$0x155F0]  }
0x33b: {  	v4 =	vld [tilespmem:s15+$0x155E0]  }
0x33c: {  	v5 =	vld [tilespmem:s15+$0x155A0]  }
0x33d: {  	v6 =	vld [tilespmem:s15+$0x15580]  }
0x33e: {  	v7 =	vld [tilespmem:s15+$0x155B0]  }
0x33f: {  	v8 =	vld [tilespmem:s15+$0x155D0]  }
0x340: {  	[tilespmem:s15+$0xADF0] =	vst.add.f32.msk $0xffff, v3  }
0x341: {  	v3 =	vld [tilespmem:s15+$0x155C0]  }
0x342: {  	[tilespmem:s15+$0xADE0] =	vst.add.f32.msk $0xffff, v4  }
0x343: {  	[tilespmem:s15+$0xADA0] =	vst.add.f32.msk $0xffff, v5  }
0x344: {  	v4 =	vld [tilespmem:s15+$0x15590]  }
0x345: {  	[tilespmem:s15+$0xADD0] =	vst.add.f32.msk $0xffff, v8  }
0x346: {  	[tilespmem:s15+$0xAD80] =	vst.add.f32.msk $0xffff, v6  }
0x347: {  	[tilespmem:s15+$0xADB0] =	vst.add.f32.msk $0xffff, v7  }
0x348: {  	s14 =	sadd.s32 $0x800, s7;
	[tilespmem:s15+$0xADC0] =	vst.add.f32.msk $0xffff, v3  }
0x349: {  	s16 =	sor.u32 s8, s14;
	[tilespmem:s15+$0xAD90] =	vst.add.f32.msk $0xffff, v4  }
0x34a: {  	v3 =	vld [tilespmem:s16+$0x155F0]  }
0x34b: {  	v4 =	vld [tilespmem:s16+$0x155B0]  }
0x34c: {  	v5 =	vld [tilespmem:s16+$0x155A0]  }
0x34d: {  	v6 =	vld [tilespmem:s16+$0x155E0]  }
0x34e: {  	v7 =	vld [tilespmem:s16+$0x15590]  }
0x34f: {  	v8 =	vld [tilespmem:s16+$0x155C0]  }
0x350: {  	[tilespmem:s16+$0xADF0] =	vst.add.f32.msk $0xffff, v3  }
0x351: {  	v3 =	vld [tilespmem:s16+$0x155D0]  }
0x352: {  	[tilespmem:s16+$0xADB0] =	vst.add.f32.msk $0xffff, v4  }
0x353: {  	[tilespmem:s16+$0xADA0] =	vst.add.f32.msk $0xffff, v5  }
0x354: {  	v4 =	vld [tilespmem:s16+$0x15580]  }
0x355: {  	[tilespmem:s16+$0xADC0] =	vst.add.f32.msk $0xffff, v8  }
0x356: {  	[tilespmem:s16+$0xAD90] =	vst.add.f32.msk $0xffff, v7  }
0x357: {  	[tilespmem:s16+$0xADE0] =	vst.add.f32.msk $0xffff, v6  }
0x358: {  	s8 =	sor.u32 $0x80, s8;
	[tilespmem:s16+$0xADD0] =	vst.add.f32.msk $0xffff, v3  }
0x359: {  	s7 =	sor.u32 s7, s8;
	[tilespmem:s16+$0xAD80] =	vst.add.f32.msk $0xffff, v4  }
0x35a: {  	v3 =	vld [tilespmem:s7+$0x155F0]  }
0x35b: {  	v4 =	vld [tilespmem:s7+$0x155B0]  }
0x35c: {  	v5 =	vld [tilespmem:s7+$0x155D0]  }
0x35d: {  	v6 =	vld [tilespmem:s7+$0x155A0]  }
0x35e: {  	v7 =	vld [tilespmem:s7+$0x155E0]  }
0x35f: {  	v8 =	vld [tilespmem:s7+$0x15580]  }
0x360: {  	[tilespmem:s7+$0xADF0] =	vst.add.f32.msk $0xffff, v3  }
0x361: {  	v3 =	vld [tilespmem:s7+$0x15590]  }
0x362: {  	[tilespmem:s7+$0xADB0] =	vst.add.f32.msk $0xffff, v4  }
0x363: {  	[tilespmem:s7+$0xADD0] =	vst.add.f32.msk $0xffff, v5  }
0x364: {  	v4 =	vld [tilespmem:s7+$0x155C0]  }
0x365: {  	[tilespmem:s7+$0xAD80] =	vst.add.f32.msk $0xffff, v8  }
0x366: {  	[tilespmem:s7+$0xADA0] =	vst.add.f32.msk $0xffff, v6  }
0x367: {  	[tilespmem:s7+$0xADE0] =	vst.add.f32.msk $0xffff, v7  }
0x368: {  	[tilespmem:s7+$0xAD90] =	vst.add.f32.msk $0xffff, v3  }
0x369: {  	s17 =	sor.u32 s8, s12;
	[tilespmem:s7+$0xADC0] =	vst.add.f32.msk $0xffff, v4  }
0x36a: {  	v3 =	vld [tilespmem:s17+$0x155F0]  }
0x36b: {  	v4 =	vld [tilespmem:s17+$0x155E0]  }
0x36c: {  	v5 =	vld [tilespmem:s17+$0x15580]  }
0x36d: {  	v6 =	vld [tilespmem:s17+$0x155B0]  }
0x36e: {  	v7 =	vld [tilespmem:s17+$0x155A0]  }
0x36f: {  	v8 =	vld [tilespmem:s17+$0x155D0]  }
0x370: {  	[tilespmem:s17+$0xADF0] =	vst.add.f32.msk $0xffff, v3  }
0x371: {  	v3 =	vld [tilespmem:s17+$0x15590]  }
0x372: {  	[tilespmem:s17+$0xADB0] =	vst.add.f32.msk $0xffff, v6  }
0x373: {  	v6 =	vld [tilespmem:s17+$0x155C0]  }
0x374: {  	[tilespmem:s17+$0xADA0] =	vst.add.f32.msk $0xffff, v7  }
0x375: {  	[tilespmem:s17+$0xADE0] =	vst.add.f32.msk $0xffff, v4  }
0x376: {  	[tilespmem:s17+$0xADD0] =	vst.add.f32.msk $0xffff, v8  }
0x377: {  	[tilespmem:s17+$0xAD80] =	vst.add.f32.msk $0xffff, v5  }
0x378: {  	[tilespmem:s17+$0xAD90] =	vst.add.f32.msk $0xffff, v3  }
0x379: {  	s11 =	sor.u32 s8, s14;
	[tilespmem:s17+$0xADC0] =	vst.add.f32.msk $0xffff, v6  }
0x37a: {  	v3 =	vld [tilespmem:s11+$0x15580]  }
0x37b: {  	v8 =	vld [tilespmem:s11+$0x15590]  }
0x37c: {  	v5 =	vld [tilespmem:s11+$0x155A0]  }
0x37d: {  	v9 =	vld [tilespmem:s11+$0x155B0]  }
0x37e: {  	v4 =	vld [tilespmem:s11+$0x155C0]  }
0x37f: {  	v7 =	vld [tilespmem:s11+$0x155D0]  }
0x380: {  	v6 =	vld [tilespmem:s11+$0x155E0]  }
0x381: {  	[tilespmem:s11+$0xADA0] =	vst.add.f32.msk $0xffff, v5  }
0x382: {  	[tilespmem:s11+$0xADB0] =	vst.add.f32.msk $0xffff, v9  }
0x383: {  	v5 =	vld [tilespmem:s11+$0x155F0]  }
0x384: {  	s7 =	simm.s32 $0x0;
	[tilespmem:s11+$0xAD90] =	vst.add.f32.msk $0xffff, v8  }
.LBB2_11:
0x385: {  	s7 =	sadd.s32 $0x2, s7;
	[tilespmem:s11+$0xADD0] =	vst.add.f32.msk $0xffff, v7;
	s0 =	sadd.s32 $0x100, s0  }
0x386: {  	s8 =	sshrl.u32 s7, $0x3;
	p0 =	slt.u32 s7, $0x30;
	[tilespmem:s11+$0xADE0] =	vst.add.f32.msk $0xffff, v6  }
0x387: {  	s14 =	smul.u32 $0xC00, s8;
	[tilespmem:s11+$0xADC0] =	vst.add.f32.msk $0xffff, v4  }
0x388: {  	s15 =	sand.u32 $0x300, s0;
	[tilespmem:s11+$0xADF0] =	vst.add.f32.msk $0xffff, v5  }
0x389: {  	s16 =	sor.u32 s15, s14;
	s12 =	sadd.s32 $0x400, s14;
	s8 =	sadd.s32 $0x800, s14;
	[tilespmem:s11+$0xAD80] =	vst.add.f32.msk $0xffff, v3  }
0x38a: {  	s11 =	sor.u32 $0x80, s15;
	v3 =	vld [tilespmem:s16+$0x155F0]  }
0x38b: {  	v4 =	vld [tilespmem:s16+$0x155C0]  }
0x38c: {  	v5 =	vld [tilespmem:s16+$0x155B0]  }
0x38d: {  	v6 =	vld [tilespmem:s16+$0x15590]  }
0x38e: {  	v7 =	vld [tilespmem:s16+$0x15580]  }
0x38f: {  	[tilespmem:s16+$0xADF0] =	vst.add.f32.msk $0xffff, v3  }
0x390: {  	v3 =	vld [tilespmem:s16+$0x155E0]  }
0x391: {  	[tilespmem:s16+$0xADC0] =	vst.add.f32.msk $0xffff, v4  }
0x392: {  	[tilespmem:s16+$0xADB0] =	vst.add.f32.msk $0xffff, v5  }
0x393: {  	v4 =	vld [tilespmem:s16+$0x155D0]  }
0x394: {  	v5 =	vld [tilespmem:s16+$0x155A0]  }
0x395: {  	[tilespmem:s16+$0xADE0] =	vst.add.f32.msk $0xffff, v3  }
0x396: {  	[tilespmem:s16+$0xAD80] =	vst.add.f32.msk $0xffff, v7  }
0x397: {  	[tilespmem:s16+$0xAD90] =	vst.add.f32.msk $0xffff, v6  }
0x398: {  	[tilespmem:s16+$0xADD0] =	vst.add.f32.msk $0xffff, v4  }
0x399: {  	[tilespmem:s16+$0xADA0] =	vst.add.f32.msk $0xffff, v5;
	s16 =	sor.u32 s15, s12  }
0x39a: {  	v3 =	vld [tilespmem:s16+$0x155F0]  }
0x39b: {  	v4 =	vld [tilespmem:s16+$0x155E0]  }
0x39c: {  	v5 =	vld [tilespmem:s16+$0x155A0]  }
0x39d: {  	v6 =	vld [tilespmem:s16+$0x15580]  }
0x39e: {  	v7 =	vld [tilespmem:s16+$0x155B0]  }
0x39f: {  	[tilespmem:s16+$0xADF0] =	vst.add.f32.msk $0xffff, v3  }
0x3a0: {  	v3 =	vld [tilespmem:s16+$0x155C0]  }
0x3a1: {  	v8 =	vld [tilespmem:s16+$0x155D0]  }
0x3a2: {  	[tilespmem:s16+$0xADE0] =	vst.add.f32.msk $0xffff, v4  }
0x3a3: {  	[tilespmem:s16+$0xADA0] =	vst.add.f32.msk $0xffff, v5  }
0x3a4: {  	v4 =	vld [tilespmem:s16+$0x15590]  }
0x3a5: {  	[tilespmem:s16+$0xADC0] =	vst.add.f32.msk $0xffff, v3  }
0x3a6: {  	[tilespmem:s16+$0xADD0] =	vst.add.f32.msk $0xffff, v8  }
0x3a7: {  	[tilespmem:s16+$0xAD80] =	vst.add.f32.msk $0xffff, v6  }
0x3a8: {  	[tilespmem:s16+$0xADB0] =	vst.add.f32.msk $0xffff, v7  }
0x3a9: {  	s15 =	sor.u32 s15, s8;
	[tilespmem:s16+$0xAD90] =	vst.add.f32.msk $0xffff, v4  }
0x3aa: {  	v3 =	vld [tilespmem:s15+$0x155F0]  }
0x3ab: {  	v4 =	vld [tilespmem:s15+$0x155B0]  }
0x3ac: {  	v5 =	vld [tilespmem:s15+$0x155A0]  }
0x3ad: {  	v6 =	vld [tilespmem:s15+$0x155E0]  }
0x3ae: {  	v7 =	vld [tilespmem:s15+$0x15590]  }
0x3af: {  	[tilespmem:s15+$0xADF0] =	vst.add.f32.msk $0xffff, v3  }
0x3b0: {  	v3 =	vld [tilespmem:s15+$0x155D0]  }
0x3b1: {  	v8 =	vld [tilespmem:s15+$0x155C0]  }
0x3b2: {  	[tilespmem:s15+$0xADB0] =	vst.add.f32.msk $0xffff, v4  }
0x3b3: {  	[tilespmem:s15+$0xADA0] =	vst.add.f32.msk $0xffff, v5  }
0x3b4: {  	v4 =	vld [tilespmem:s15+$0x15580]  }
0x3b5: {  	[tilespmem:s15+$0xADD0] =	vst.add.f32.msk $0xffff, v3  }
0x3b6: {  	[tilespmem:s15+$0xADC0] =	vst.add.f32.msk $0xffff, v8  }
0x3b7: {  	[tilespmem:s15+$0xAD90] =	vst.add.f32.msk $0xffff, v7  }
0x3b8: {  	[tilespmem:s15+$0xADE0] =	vst.add.f32.msk $0xffff, v6  }
0x3b9: {  	s14 =	sor.u32 s14, s11;
	[tilespmem:s15+$0xAD80] =	vst.add.f32.msk $0xffff, v4  }
0x3ba: {  	v3 =	vld [tilespmem:s14+$0x155F0]  }
0x3bb: {  	v4 =	vld [tilespmem:s14+$0x155B0]  }
0x3bc: {  	v5 =	vld [tilespmem:s14+$0x155D0]  }
0x3bd: {  	v6 =	vld [tilespmem:s14+$0x155A0]  }
0x3be: {  	v7 =	vld [tilespmem:s14+$0x155E0]  }
0x3bf: {  	[tilespmem:s14+$0xADF0] =	vst.add.f32.msk $0xffff, v3  }
0x3c0: {  	v3 =	vld [tilespmem:s14+$0x15590]  }
0x3c1: {  	v8 =	vld [tilespmem:s14+$0x15580]  }
0x3c2: {  	[tilespmem:s14+$0xADB0] =	vst.add.f32.msk $0xffff, v4  }
0x3c3: {  	[tilespmem:s14+$0xADD0] =	vst.add.f32.msk $0xffff, v5  }
0x3c4: {  	v4 =	vld [tilespmem:s14+$0x155C0]  }
0x3c5: {  	[tilespmem:s14+$0xAD90] =	vst.add.f32.msk $0xffff, v3  }
0x3c6: {  	[tilespmem:s14+$0xAD80] =	vst.add.f32.msk $0xffff, v8  }
0x3c7: {  	[tilespmem:s14+$0xADA0] =	vst.add.f32.msk $0xffff, v6  }
0x3c8: {  	[tilespmem:s14+$0xADE0] =	vst.add.f32.msk $0xffff, v7  }
0x3c9: {  	s12 =	sor.u32 s11, s12;
	[tilespmem:s14+$0xADC0] =	vst.add.f32.msk $0xffff, v4  }
0x3ca: {  	v3 =	vld [tilespmem:s12+$0x155F0]  }
0x3cb: {  	v4 =	vld [tilespmem:s12+$0x155E0]  }
0x3cc: {  	v5 =	vld [tilespmem:s12+$0x15580]  }
0x3cd: {  	v6 =	vld [tilespmem:s12+$0x155B0]  }
0x3ce: {  	v7 =	vld [tilespmem:s12+$0x155A0]  }
0x3cf: {  	v8 =	vld [tilespmem:s12+$0x155D0]  }
0x3d0: {  	[tilespmem:s12+$0xADF0] =	vst.add.f32.msk $0xffff, v3  }
0x3d1: {  	v3 =	vld [tilespmem:s12+$0x15590]  }
0x3d2: {  	[tilespmem:s12+$0xADB0] =	vst.add.f32.msk $0xffff, v6  }
0x3d3: {  	v6 =	vld [tilespmem:s12+$0x155C0]  }
0x3d4: {  	[tilespmem:s12+$0xADA0] =	vst.add.f32.msk $0xffff, v7  }
0x3d5: {  	[tilespmem:s12+$0xADE0] =	vst.add.f32.msk $0xffff, v4  }
0x3d6: {  	[tilespmem:s12+$0xAD90] =	vst.add.f32.msk $0xffff, v3  }
0x3d7: {  	[tilespmem:s12+$0xADD0] =	vst.add.f32.msk $0xffff, v8  }
0x3d8: {  	[tilespmem:s12+$0xADC0] =	vst.add.f32.msk $0xffff, v6  }
0x3d9: {  	s11 =	sor.u32 s11, s8;
	[tilespmem:s12+$0xAD80] =	vst.add.f32.msk $0xffff, v5  }
0x3da: {  	v3 =	vld [tilespmem:s11+$0x15580]  }
0x3db: {  	v8 =	vld [tilespmem:s11+$0x15590]  }
0x3dc: {  	v5 =	vld [tilespmem:s11+$0x155A0]  }
0x3dd: {  	v9 =	vld [tilespmem:s11+$0x155B0]  }
0x3de: {  	v4 =	vld [tilespmem:s11+$0x155C0]  }
0x3df: {  	v7 =	vld [tilespmem:s11+$0x155D0]  }
.Ltmp4:
0x3e0: {  	v6 =	vld [tilespmem:s11+$0x155E0];
	(pc) =	sbr.rel @p0 .LBB2_11-.Ltmp4, $4  }
0x3e1: {  	[tilespmem:s11+$0xADA0] =	vst.add.f32.msk $0xffff, v5  }
0x3e2: {  	[tilespmem:s11+$0xADB0] =	vst.add.f32.msk $0xffff, v9  }
0x3e3: {  	v5 =	vld [tilespmem:s11+$0x155F0]  }
0x3e4: {  	[tilespmem:s11+$0xAD90] =	vst.add.f32.msk $0xffff, v8  }
0x3e5: {  	s31 =	sadd.s32 $0x1, s31  }
0x3e6: {  	[tilespmem:s11+$0xADD0] =	vst.add.f32.msk $0xffff, v7;
	p0 =	sne.s32 s31, $0x40  }
.Ltmp5:
0x3e7: {  	[tilespmem:s11+$0xADE0] =	vst.add.f32.msk $0xffff, v6;
	s0 =	sadd.s32 s6, s1;
	(pc) =	sbr.rel @p0 .LBB2_6-.Ltmp5, $4  }
0x3e8: {  	[tilespmem:s11+$0xADC0] =	vst.add.f32.msk $0xffff, v4;
	s0 =	smul.u32 $0xA80, s0  }
0x3e9: {  	[tilespmem:s11+$0xAD80] =	vst.add.f32.msk $0xffff, v3  }
0x3ea: {  	[tilespmem:s11+$0xADF0] =	vst.add.f32.msk $0xffff, v5;
	s0 =	sadd.s32 s5, s0  }
0x3eb: {  	[hbm4b:s0+s4] =	stream.linear.scatter [tilespmem:s18], [sflag:$0x6], $0x5400, $0x38;
	[tilespmem:$0x1A980] =	vst v63  }
0x3ec: {  	_ =	swait.ge [sflag:s29], $0x5400  }
0x3ed: {  	[sflag:s29] =	ssyncset.done $0x0  }
0x3ee: {  	s1 =	simm.s32 $0x6;
	[sflag:s29] =	ssyncadd.s32 $0xFFFFAC00  }
0x3ef: {  	_ =	swait.ge [sflag:s1], $0x5400  }
0x3f0: {  	s7 =	rddreg [dreg:$0x8]  }
0x3f1: {  	s0 =	rddreg [dreg:$0x7];
	s7 =	sadd.s32 $0x1, s7  }
0x3f2: {  	p0 =	sne.s32 s7, s0  }
.Ltmp6:
0x3f3: {  	_ = 	snop;
	(pc) =	sbr.rel @p0 .LBB2_1-.Ltmp6, $3  }
0x3f4: {  	_ =	sdelay $0x1  }
0x3f5: {  	[sflag:s1] =	ssyncset.done $0x0  }
0x3f6: {  	s8 =	simm.s32 $0x7;
	[sflag:s1] =	ssyncadd.s32 $0xFFFFAC00  }
0x3f7: {  	_ =	sfence.sel $0x180000  }
0x3f8: {  	[bflag:$0x0] =	sbarrier.arrive $0xFFFF  }
0x3f9: {  	_ =	strace $0x90000047  }
0x3fa: {  	s0 =	stileid.u32;
	[bflag:$0x2] =	sbarrier.arrive $0xFFFF  }
0x3fb: {  	p0 =	sne.s32 s0, $0x0;
	s0 =	rddreg [dreg:$0x4]  }
0x3fc: {  	s0 =	sadd.s32 @!p0 $0x100000, s0  }
0x3fd: {  	[sflag:s0] =	ssyncadd.tile.s32 @!p0 $0x1;
	_ =	shalt  }
.Lfunc_end2:
_tile_overlayer_lowered:
.L_overlay_start_2:
0x3fe: {  	(tag) =	ssettag $0x2  }
0x3ff: {  	s0 =	rddreg [dreg:$0x0];
	s2 =	stileid.u32  }
0x400: {  	s1 =	rddreg [dreg:$0x1];
	p0 =	sne.s32 s2, $0x0  }
0x401: {  	s3 =	rddreg [dreg:$0x2];
	[bflag:$0x3] =	sbarrier.arrive $0xFFFF;
	s2 =	simm.s32 @!p0 $0x1C07  }
0x402: {  	[timem:s3], [sflag:s2] =	dma.local @!p0 [hbm:s0], s1  }
0x403: {  	s0 =	simm.s32 @!p0 $0x7  }
0x404: {  	_ =	swait.ge @!p0 [sflag:s0], s1  }
0x405: {  	s1 =	ssub.s32 @!p0 $0x0, s1;
	[sflag:s0] =	ssyncset.done @!p0 $0x0  }
0x406: {  	[sflag:s0] =	ssyncadd.s32 @!p0 s1  }
0x407: {  	[bflag:$0x3] =	sbarrier.arrive $0xFFFF  }
0x408: {  	_ =	shalt  }

// kernel: sparse-core-data-format-call.cloned.1.call-start
scs
called_computation_lowered:
.L_overlay_start_0:
0x0: {  	s2 =	sld [smem:$0x3FD9]  }
0x1: {  	s3 =	sld [smem:$0x3FFE];
	_ =	sdelay $0x1  }
0x2: {  	s1 =	srdreg.scid  }
0x3: {  	s0 =	sand.u32 $0x1, s1  }
0x4: {  	s18 =	sshll.u32 s0, $0xA;
	s2 =	sadd.s32 s3, s2  }
0x5: {  	s2 =	sadd.s32 s2, s18  }
0x6: {  	[smem:$0x3FC4] =	sst s2  }
0x7: {  	_ = 	snop  }
0x8: {  	s2 =	sld [smem:$0x3FD0];
	(tm) =	ssettm $0x1  }
0x9: {  	s19 =	sld [smem:$0x3FFB];
	_ =	sdelay $0x3  }
0xa: {  	_ =	strace s19  }
0xb: {  	s3 =	sld [smem:$0x3FFC];
	_ =	sdelay $0x3  }
0xc: {  	_ =	strace s3  }
0xd: {  	s3 =	sld [smem:$0x3FFD];
	_ =	sdelay $0x3  }
0xe: {  	_ =	strace s3  }
0xf: {  	_ =	strace $0x8FFFFFFF  }
0x10: {  	s20 =	sld [smem:$0x3FDB];
	_ =	sdelay $0x1  }
0x11: {  	s4 =	simm.s32 $_scs_section_size  }
0x12: {  	s5 =	simm.s32 $_size__tile_overlayer_lowered;
	s6 =	simm.s32 $_tile_overlayer_lowered  }
0x13: {  	s23 =	simm.s32 $0x1BFF;
	s22 =	sshll.u32 s6, $0x1;
	s3 =	sadd.s32 s4, s20  }
0x14: {  	s7 =	simm.s32 $0x0;
	s21 =	sshll.u32 s5, $0x1;
	s5 =	sadd.s32 s22, s3  }
0x15: {  	[timem:s7], [sflag:s23] =	dma.local [hbm:s5], s21  }
0x16: {  	_ =	swait.ge [sflag:s23], s21  }
0x17: {  	s4 =	ssub.s32 $0x0, s21;
	[sflag:s23] =	ssyncset.done $0x0  }
0x18: {  	[sflag:s23] =	ssyncadd.s32 s4;
	_ =	sdelay $0x1  }
0x19: {  	s24 =	simm.s32 $0x1B8B  }
0x1a: {  	_ =	swait.ge [sflag:s24], $0x1  }
0x1b: {  	[sflag:s24] =	ssyncset.done $0x0  }
0x1c: {  	s26 =	simm.s32 $0x1B8E;
	s25 =	sld [smem:$0x3FFE];
	[sflag:s24] =	ssyncadd.s32 $0xFFFFFFFF  }
0x1d: {  	s27 =	simm.s32 $execute0_lowered;
	[smem:$0x3FD2] =	sst s26  }
0x1e: {  	s5 =	sshll.u32 s27, $0x1;
	_ =	strace $0x80000049;
	[dreg:$0x1] =	wrdreg $0xFFFFFFFF  }
0x1f: {  	s28 =	simm.s32 $_size_execute0_lowered;
	s3 =	sadd.s32 s3, s5;
	[dreg:$0x0] =	wrdreg $0x0  }
0x20: {  	s5 =	sshll.u32 s28, $0x1;
	[dreg:$0x2] =	wrdreg s3  }
0x21: {  	[dreg:$0x3] =	wrdreg s5  }
0x22: {  	[dreg:$0x4] =	wrdreg $0xC0  }
0x23: {  	_ =	task [dreg:s7], $0x5FFFF  }
0x24: {  	[dreg:$0x1] =	wrdreg $0xFFFFFFFF  }
0x25: {  	[dreg:$0x0] =	wrdreg $0x60  }
0x26: {  	[dreg:$0x2] =	wrdreg s25  }
0x27: {  	[dreg:$0x3] =	wrdreg s2  }
0x28: {  	[dreg:$0x4] =	wrdreg $0x9  }
0x29: {  	_ =	task.clear_ibuf [dreg:s7], $0x5FFFF;
	_ =	strace $0x90000049  }
0x2a: {  	s29 =	simm.s32 $0x9;
	_ =	strace $0x8000004B  }
0x2b: {  	_ =	swait.ge [sflag:s29], $0x1  }
0x2c: {  	[sflag:s29] =	ssyncadd.s32 $0xFFFFFFFF  }
0x2d: {  	_ =	strace $0x9000004B  }
0x2e: {  	_ =	sfence  }
0x2f: {  	s30 =	sld [smem:$0x0];
	_ =	sdelay $0x2  }
0x30: {  	s31 =	sshll.u32 s1, $0xD;
	s1 =	sshrl.u32 s1, $0x2  }
0x31: {  	s3 =	sand.u32 $0x4000, s31;
	s1 =	sadd.s32 s1, s30  }
0x32: {  	s0 =	sor.u32 s3, s0;
	s1 =	sshll.u32 s1, $0x11  }
0x33: {  	s0 =	sor.u32 s1, s0  }
0x34: {  	s0 =	sadd.s32 $0x8F2B, s0  }
0x35: {  	[sflag:s0] =	ssyncadd.remote.s32 $0x1  }
0x36: {  	_ =	sfence.sel $0xFFFF  }
0x37: {  	[dreg:$0x0] =	wrdreg $0xFFFFFFFF;
	(pc) =	sbr.abs _section_cstart, $3  }
0x38: {  	[dreg:$0x1] =	wrdreg $0xFFFFFFFF  }
0x39: {  	_ =	task.clear_ibuf [dreg:s7], $0x2FFFF;
	_ =	strace $0x9FFFFFFF  }
0x3a: {  	(tm) =	ssettm $0x7FFFFFFF  }
0x3b: {  	_ =	shalt  }
tec
execute0_lowered:
.L_overlay_start_1:
0x0: {  	(tag) =	ssettag $0x1  }
0x1: {  	s0 =	srdreg.scid  }
0x2: {  	s1 =	sshll.u32 s0, $0x4  }
0x3: {  	s6 =	rddreg [dreg:$0x0];
	s0 =	stileid.u32;
	s1 =	sand.u32 $0x10, s1  }
0x4: {  	s3 =	rddreg [dreg:$0x1];
	s1 =	sor.u32 s0, s1  }
0x5: {  	s5 =	simm.s32 $0x1;
	s31 =	simm.s32 $0x2;
	s2 =	sshll.u32 s1, $0x7  }
0x6: {  	s15 =	simm.s32 $0x0;
	s8 =	simm.s32 $0xC00;
	s4 =	ssub.s32 $0x1000, s2  }
0x7: {  	s9 =	simm.s32 $0x0;
	s14 =	simm.s32 $0x0;
	s30 =	sand.u32 $0xF80, s4  }
0x8: {  	s16 =	simm.s32 $0x0;
	s10 =	simm.s32 $0x0;
	p0 =	sne.s32 s30, $0x0  }
.Ltmp0:
0x9: {  	s7 =	sshrl.u32 s4, $0xC;
	s5 =	simm.s32 @!p0 $0x0;
	(pc) =	sbr.rel .LBB1_1-.Ltmp0, $4  }
0xa: {  	s11 =	simm.s32 $0x0;
	s1 =	rddreg [dreg:$0x2];
	s5 =	sadd.s32 s5, s7  }
0xb: {  	_ =	strace $0x8000004A;
	s4 =	simm.s32 $0x1;
	s5 =	smul.u32 $0x96, s5  }
0xc: {  	s13 =	simm.s32 $0x0;
	s6 =	sadd.s32 $0x6E00, s6;
	[sflag:s4] =	ssyncpa.u1 $0x0  }
0xd: {  	s12 =	smov.u32 s2;
	[sflag:s31] =	ssyncpa.u1 $0x0;
	s7 =	sor.u32 $0x1, s5  }
.LBB1_4:
0xe: {  	_ =	sdelay $0x2  }
0xf: {  	s20 =	sshrl.u32 s16, $0x3  }
0x10: {  	[tilespmem:v0+s19+$0xFFFFFFD0 ss:$0x1] =	vst.idx.msk $0xffff, v7;
	s21 =	sshll.u32 s15, $0x3;
	s20 =	smul.u32 $0xC00, s20  }
0x11: {  	v56 =	vld.idx.msk [tilespmem:v1+s18+$0x0 ss:$0x1], $0xffff;
	[tilespmem:v0+s19+$0xFFFFFFE0 ss:$0x1] =	vst.idx.msk $0xffff, v5;
	s27 =	sshll.u32 s16, $0x7;
	s21 =	sand.u32 $0xFFFFFC00, s21  }
0x12: {  	v57 =	vld.idx.msk [tilespmem:v1+s18+$0xFFFFFF90 ss:$0x1], $0xffff;
	[tilespmem:v0+s19+$0xFFFFFFF0 ss:$0x1] =	vst.idx.msk $0xffff, v4;
	s16 =	sand.u32 $0x380, s27;
	s20 =	sadd.s32 s20, s21  }
0x13: {  	v58 =	vld.idx.msk [tilespmem:v1+s18+$0xFFFFFFA0 ss:$0x1], $0xffff;
	[tilespmem:v0+s19+$0x0 ss:$0x1] =	vst.idx.msk $0xffff, v2;
	s28 =	sand.u32 $0x7F, s15;
	s16 =	sor.u32 s16, s20  }
0x14: {  	v59 =	vld.idx.msk [tilespmem:v1+s18+$0xFFFFFFB0 ss:$0x1], $0xffff;
	[tilespmem:v0+s19+$0x10 ss:$0x1] =	vst.idx.msk $0xffff, v3;
	s15 =	sor.u32 s28, s16  }
0x15: {  	v60 =	vld.idx.msk [tilespmem:v1+s18+$0xFFFFFFC0 ss:$0x1], $0xffff;
	[tilespmem:v0+s19+$0x20 ss:$0x1] =	vst.idx.msk $0xffff, v6;
	s29 =	smulhi.u32 $0xAAAAAAAB, s15  }
0x16: {  	v61 =	vld.idx.msk [tilespmem:v1+s18+$0xFFFFFFD0 ss:$0x1], $0xffff;
	[tilespmem:v0+s18+$0x30 ss:$0x1] =	vst.idx.msk $0xffff, v56;
	s16 =	smulhi.u32 $0xAAAAAAAB, s16  }
0x17: {  	v62 =	vld.idx.msk [tilespmem:v1+s18+$0xFFFFFFE0 ss:$0x1], $0xffff;
	[tilespmem:v0+s18+$0xFFFFFFC0 ss:$0x1] =	vst.idx.msk $0xffff, v57;
	s19 =	sshrl.u32 s29, $0x8  }
0x18: {  	v63 =	vld.idx.msk [tilespmem:v1+s18+$0xFFFFFFF0 ss:$0x1], $0xffff;
	[tilespmem:v0+s18+$0xFFFFFFD0 ss:$0x1] =	vst.idx.msk $0xffff, v58;
	s16 =	sshrl.u32 s16, $0x8;
	s19 =	smul.u32 $0x180, s19  }
0x19: {  	s14 =	smul.u32 $0x30000, s14;
	[tilespmem:v0+s18+$0xFFFFFFE0 ss:$0x1] =	vst.idx.msk $0xffff, v59;
	s16 =	sand.u32 $0xFFF, s16  }
0x1a: {  	[tilespmem:v0+s18+$0xFFFFFFF0 ss:$0x1] =	vst.idx.msk $0xffff, v60;
	s16 =	smul.u32 $0x30, s16;
	s15 =	ssub.s32 s15, s19  }
0x1b: {  	s14 =	sadd.s32 s3, s14;
	[tilespmem:v0+s18+$0x0 ss:$0x1] =	vst.idx.msk $0xffff, v61;
	s19 =	sand.u32 $0x7, s15  }
0x1c: {  	[tilespmem:v0+s18+$0x10 ss:$0x1] =	vst.idx.msk $0xffff, v62;
	s14 =	sadd.s32 s16, s14;
	s15 =	sshrl.u32 s15, $0x3;
	s30 =	sshll.u32 s19, $0x12  }
0x1d: {  	[tilespmem:v0+s18+$0x20 ss:$0x1] =	vst.idx.msk $0xffff, v63;
	s14 =	sadd.s32 s15, s14;
	s31 =	sor.u32 $0x400, s30  }
0x1e: {  	[hbm4b:s14+s31] =	stream.strided.scatter [tilespmem:s17], [sflag:$0x2], $0x4000, s8, s31, $0x38;
	[tilespmem:$0x10000] =	vst v63  }
.LBB1_5:
0x1f: {  	s17 =	sadd.s32 $0x80, s10  }
0x20: {  	s14 =	simm.s32 $0x1;
	p1 =	sgt.s32 s17, $0x17F  }
0x21: {  	s14 =	simm.s32 @!p1 $0x0  }
0x22: {  	s18 =	sadd.s32 s14, s11  }
0x23: {  	s20 =	smov.u32 s12;
	s14 =	sadd.s32 $0x1000, s12;
	p2 =	sgt.s32 s18, $0x31  }
0x24: {  	s20 =	smov.u32 @p2 s14  }
0x25: {  	s17 =	simm.s32 @p1 $0x0;
	p1 =	sgt.s32 s20, $0xFFF  }
0x26: {  	p0 =	slt.u32 s13, $0x2;
	s20 =	smov.u32 @p1 s2;
	p1 =	sne.s32 s13, s7  }
.Ltmp1:
0x27: {  	s19 =	simm.s32 @!p0 $0x2;
	(pc) =	sbr.rel @!p1 .LBB1_6-.Ltmp1, $4  }
0x28: {  	s15 =	smov.u32 s10;
	s16 =	smov.u32 s12;
	_ =	swait.ge @!p0 [sflag:s19], $0x4000  }
0x29: {  	s9 =	sadd.s32 $0x4000, s9;
	[sflag:s19] =	ssyncset.done @!p0 $0x0;
	s10 =	smov.u32 s17  }
0x2a: {  	[sflag:s19] =	ssyncadd.s32 @!p0 $0xFFFFC000;
	s18 =	simm.s32 @p2 $0x0;
	s14 =	smov.u32 s11  }
0x2b: {  	s11 =	smov.u32 s18;
	s13 =	sadd.s32 $0x1, s13;
	s12 =	smov.u32 s20  }
.LBB1_1:
0x2c: {  	p0 =	sge.u32 s13, s5  }
0x2d: {  	s17 =	sshrl.u32 @!p0 s11, $0x3  }
0x2e: {  	s18 =	sshll.u32 @!p0 s10, $0x3;
	s17 =	smul.u32 @!p0 $0xC00, s17  }
0x2f: {  	s19 =	sshll.u32 @!p0 s11, $0x7;
	s18 =	sand.u32 @!p0 $0xFFFFFC00, s18  }
0x30: {  	s17 =	sadd.s32 @!p0 s17, s18;
	s18 =	sand.u32 @!p0 $0x380, s19  }
0x31: {  	s17 =	sor.u32 @!p0 s18, s17  }
0x32: {  	s18 =	sand.u32 @!p0 $0x7F, s10;
	s19 =	smulhi.u32 @!p0 $0xAAAAAAAB, s17  }
0x33: {  	s17 =	sor.u32 @!p0 s18, s17  }
0x34: {  	s18 =	smulhi.u32 @!p0 $0xAAAAAAAB, s17;
	s19 =	sshrl.u32 @!p0 s19, $0x8  }
0x35: {  	s20 =	smulhi.u32 @!p0 $0x4924925, s19;
	_ =	sdelay $0x1  }
0x36: {  	s18 =	sshrl.u32 @!p0 s18, $0x8;
	s20 =	smul.u32 @!p0 $0x38, s20  }
0x37: {  	s31 =	sadd.s32 $0xFFFFFFFF, s13;
	s18 =	smul.u32 @!p0 $0x180, s18  }
0x38: {  	s21 =	sxor.u32 @!p0 $0xFFFFFFFF, s13;
	s19 =	ssub.s32 @!p0 s19, s20;
	s20 =	smul.u32 @!p0 $0xA80, s12  }
0x39: {  	s21 =	sshll.u32 @!p0 s21, $0xE;
	s17 =	ssub.s32 @!p0 s17, s18;
	s18 =	smul.u32 @!p0 $0x30, s19  }
0x3a: {  	s19 =	sand.u32 @!p0 $0x4000, s21;
	s21 =	sand.u32 @!p0 $0x7, s17;
	s20 =	sadd.s32 @!p0 s6, s20  }
0x3b: {  	s17 =	sshrl.u32 @!p0 s17, $0x3;
	s18 =	sadd.s32 @!p0 s18, s20;
	s20 =	sshll.u32 @!p0 s21, $0x12  }
0x3c: {  	s17 =	sadd.s32 @!p0 s17, s18;
	s18 =	sor.u32 @!p0 $0x80, s20;
	s20 =	simm.s32 @!p0 $0x5400  }
0x3d: {  	[tilespmem:s19], [sflag:$0x1] =	stream.strided.gather @!p0 [hbm4b:s17+s18], $0x4000, s20, s18, $0x38;
	[tilespmem:$0x10000] =	vst v63  }
0x3e: {  	p0 =	sge.u32 s31, s5  }
.Ltmp2:
0x3f: {  	_ = 	snop;
	(pc) =	sbr.rel @p0 .LBB1_5-.Ltmp2, $1  }
0x40: {  	_ =	sdelay $0x3  }
0x41: {  	s17 =	sand.u32 $0x4000, s9  }
0x42: {  	s18 =	sor.u32 $0x70, s17  }
0x43: {  	v1 =	vmov s18;
	_ =	sdelay $0x1  }
0x44: {  	_ =	swait.ge [sflag:s4], $0x4000  }
0x45: {  	[sflag:s4] =	ssyncset.done $0x0  }
0x46: {  	s19 =	simm.s32 $0x0;
	[sflag:s4] =	ssyncadd.s32 $0xFFFFC000  }
0x47: {  	s17 =	sor.u32 $0x8040, s17;
	v6 =	vld.idx.msk [tilespmem:v1+s19+$0x0 ss:$0x1], $0xffff  }
0x48: {  	v0 =	vmov s17;
	v8 =	vld.idx.msk [tilespmem:v1+s19+$0xFFFFFF90 ss:$0x1], $0xffff  }
0x49: {  	v7 =	vld.idx.msk [tilespmem:v1+s19+$0xFFFFFFA0 ss:$0x1], $0xffff  }
0x4a: {  	v5 =	vld.idx.msk [tilespmem:v1+s19+$0xFFFFFFB0 ss:$0x1], $0xffff  }
0x4b: {  	v4 =	vld.idx.msk [tilespmem:v1+s19+$0xFFFFFFC0 ss:$0x1], $0xffff  }
0x4c: {  	s31 =	sshll.u32 s13, $0xE;
	v2 =	vld.idx.msk [tilespmem:v1+s19+$0xFFFFFFD0 ss:$0x1], $0xffff  }
0x4d: {  	s17 =	sand.u32 $0x4000, s31;
	v3 =	vld.idx.msk [tilespmem:v1+s19+$0xFFFFFFE0 ss:$0x1], $0xffff;
	[tilespmem:v0+s19+$0x30 ss:$0x1] =	vst.idx.msk $0xffff, v6  }
0x4e: {  	s20 =	simm.s32 $0x400;
	s18 =	simm.s32 $0x80;
	s17 =	sor.u32 $0x8000, s17;
	[tilespmem:v0+s19+$0xFFFFFFC0 ss:$0x1] =	vst.idx.msk $0xffff, v8;
	v6 =	vld.idx.msk [tilespmem:v1+s19+$0xFFFFFFF0 ss:$0x1], $0xffff  }
.LBB1_3:
0x4f: {  	p0 =	sne.s32 s20, $0xFE00;
	v8 =	vld.idx.msk [tilespmem:v1+s18+$0x0 ss:$0x1], $0xffff;
	[tilespmem:v0+s19+$0xFFFFFFD0 ss:$0x1] =	vst.idx.msk $0xffff, v7  }
0x50: {  	v9 =	vld.idx.msk [tilespmem:v1+s18+$0xFFFFFF90 ss:$0x1], $0xffff;
	[tilespmem:v0+s19+$0xFFFFFFE0 ss:$0x1] =	vst.idx.msk $0xffff, v5  }
0x51: {  	v7 =	vld.idx.msk [tilespmem:v1+s18+$0xFFFFFFA0 ss:$0x1], $0xffff;
	[tilespmem:v0+s19+$0xFFFFFFF0 ss:$0x1] =	vst.idx.msk $0xffff, v4  }
.Ltmp3:
0x52: {  	v5 =	vld.idx.msk [tilespmem:v1+s18+$0xFFFFFFB0 ss:$0x1], $0xffff;
	[tilespmem:v0+s19+$0x0 ss:$0x1] =	vst.idx.msk $0xffff, v2;
	(pc) =	sbr.rel @p0 .LBB1_3-.Ltmp3, $4  }
0x53: {  	v4 =	vld.idx.msk [tilespmem:v1+s18+$0xFFFFFFC0 ss:$0x1], $0xffff;
	[tilespmem:v0+s19+$0x10 ss:$0x1] =	vst.idx.msk $0xffff, v3  }
0x54: {  	v2 =	vld.idx.msk [tilespmem:v1+s18+$0xFFFFFFD0 ss:$0x1], $0xffff;
	[tilespmem:v0+s19+$0x20 ss:$0x1] =	vst.idx.msk $0xffff, v6;
	s19 =	smov.u32 s18  }
0x55: {  	v3 =	vld.idx.msk [tilespmem:v1+s19+$0xFFFFFFE0 ss:$0x1], $0xffff;
	[tilespmem:v0+s19+$0x30 ss:$0x1] =	vst.idx.msk $0xffff, v8  }
0x56: {  	s18 =	sshra.s32 s20, $0x2;
	s20 =	sadd.s32 $0x200, s20;
	[tilespmem:v0+s19+$0xFFFFFFC0 ss:$0x1] =	vst.idx.msk $0xffff, v9;
	v6 =	vld.idx.msk [tilespmem:v1+s19+$0xFFFFFFF0 ss:$0x1], $0xffff  }
.Ltmp4:
0x57: {  	_ = 	snop;
	(pc) =	sbr.rel .LBB1_4-.Ltmp4, $1  }
0x58: {  	_ =	sdelay $0x3  }
.LBB1_6:
0x59: {  	_ =	sfence.sel $0x180000  }
0x5a: {  	s2 =	simm.s32 $0x1;
	[bflag:$0x0] =	sbarrier.arrive $0xFFFF  }
0x5b: {  	s31 =	simm.s32 $0x2;
	[sflag:s2] =	ssyncpa.u1 $0x1  }
0x5c: {  	[sflag:s31] =	ssyncpa.u1 $0x1  }
0x5d: {  	p0 =	sne.s32 s0, $0x0;
	_ =	strace $0x9000004A  }
0x5e: {  	s0 =	sadd.s32 @!p0 $0x100000, s1;
	[bflag:$0x2] =	sbarrier.arrive $0xFFFF  }
0x5f: {  	[sflag:s0] =	ssyncadd.tile.s32 @!p0 $0x1;
	_ =	shalt  }
.Lfunc_end1:
_tile_overlayer_lowered:
.L_overlay_start_2:
0x60: {  	(tag) =	ssettag $0x2  }
0x61: {  	s0 =	rddreg [dreg:$0x0];
	s2 =	stileid.u32  }
0x62: {  	s1 =	rddreg [dreg:$0x1];
	p0 =	sne.s32 s2, $0x0  }
0x63: {  	s3 =	rddreg [dreg:$0x2];
	[bflag:$0x3] =	sbarrier.arrive $0xFFFF;
	s2 =	simm.s32 @!p0 $0x1C01  }
0x64: {  	[timem:s3], [sflag:s2] =	dma.local @!p0 [hbm:s0], s1  }
0x65: {  	s0 =	simm.s32 @!p0 $0x1  }
0x66: {  	_ =	swait.ge @!p0 [sflag:s0], s1  }
0x67: {  	s1 =	ssub.s32 @!p0 $0x0, s1;
	[sflag:s0] =	ssyncset.done @!p0 $0x0  }
0x68: {  	[sflag:s0] =	ssyncadd.s32 @!p0 s1  }
0x69: {  	[bflag:$0x3] =	sbarrier.arrive $0xFFFF  }
0x6a: {  	_ =	shalt  }

</sc_bundles>
